<compile_context>
chip_gen: v7x
topology: tpu7x:2x2x1
jax: 0.10.2.dev20260603
libtpu: 0.0.44.dev20260713+nightly
codegen_flags: <defaults>
</compile_context>

<pallas_src>
import jax
import jax.numpy as jnp
from jax import lax
from jax.experimental import pallas as pl
from jax.experimental.pallas import tpu as pltpu
from jax.experimental.pallas import tpu_sc as plsc

N_NODES = 10000
N_PAD = 10240
N_EDGES = 320000
D = 128
K = 128
N_CHUNKS = N_EDGES // K
NC = 2
NS = 16
NW = NC * NS
ROWS_PER_SUB = N_PAD // NS

NPASS = 1
DSUB = D // NPASS

_MESH = plsc.VectorSubcoreMesh(core_axis_name="c", subcore_axis_name="s")


def _zero_vmem_f32(ref, nrows, ncols):
  zero16 = jnp.zeros((16,), jnp.float32)

  def zrow(i, _):
    def zcol(c, _):
      ref[i, pl.ds(c * 16, 16)] = zero16
      return 0
    lax.fori_loop(0, ncols // 16, zcol, 0)
    return 0
  lax.fori_loop(0, nrows, zrow, 0)


def _n_chunks_for(wid):
  return N_CHUNKS // NW + jnp.where(wid < N_CHUNKS % NW, 1, 0)


def _sc_degree():
  scratch = [
      pltpu.VMEM((K,), jnp.int32),
      pltpu.VMEM((N_PAD,), jnp.float32),
  ]

  def body(dst_hbm, deg_out, dst_v, cnt_v):
    cid = lax.axis_index("c")
    sid = lax.axis_index("s")
    wid = sid * NC + cid

    zero16 = jnp.zeros((16,), jnp.float32)

    def zrow(i, _):
      cnt_v[pl.ds(i * 16, 16)] = zero16
      return 0
    lax.fori_loop(0, N_PAD // 16, zrow, 0)

    one16 = jnp.ones((16,), jnp.float32)

    def chunk_body(t, _):
      off = (t * NW + wid) * K
      pltpu.sync_copy(dst_hbm.at[pl.ds(off, K)], dst_v)
      for g in range(K // 16):
        dvec = dst_v[pl.ds(g * 16, 16)]
        plsc.addupdate_scatter(cnt_v, [dvec], one16)
      return 0
    lax.fori_loop(0, _n_chunks_for(wid), chunk_body, 0)

    pltpu.sync_copy(cnt_v, deg_out.at[cid, sid])

  return pl.kernel(
      body,
      out_type=jax.ShapeDtypeStruct((NC, NS, N_PAD), jnp.float32),
      mesh=_MESH,
      scratch_types=scratch,
      compiler_params=pltpu.CompilerParams(needs_layout_passes=False),
  )


def _sc_aggregate():
  scratch = [
      pltpu.VMEM((K,), jnp.int32),
      pltpu.VMEM((K,), jnp.int32),
      pltpu.VMEM((K,), jnp.int32),
      pltpu.VMEM((K, DSUB), jnp.float32),
      pltpu.VMEM((K, DSUB), jnp.float32),
      pltpu.VMEM_SHARED((N_PAD, DSUB), jnp.float32),
      pltpu.SemaphoreType.DMA,
      pltpu.SemaphoreType.DMA,
      pltpu.SemaphoreType.DMA,
      pltpu.SemaphoreType.DMA,
  ]

  def body(*args):
    tables = args[:NPASS]
    (src_hbm, dst_hbm, agg_out, src_v, di0, di1, r0, r1, agg_sh,
     isem, gsem, s0, s1) = args[NPASS:]
    cid = lax.axis_index("c")
    sid = lax.axis_index("s")
    wid = sid * NC + cid
    base = sid * ROWS_PER_SUB
    n_t = _n_chunks_for(wid)

    didx = (di0, di1)
    rows = (r0, r1)
    ssem = (s0, s1)

    for p in range(NPASS):
      _zero_vmem_f32(r0, K, DSUB)
      for j in range(ROWS_PER_SUB // K):
        pltpu.sync_copy(r0, agg_sh.at[pl.ds(base + j * K, K)])

      plsc.subcore_barrier()

      def do_chunk(t, b):
        off = (t * NW + wid) * K
        pltpu.async_copy(src_hbm.at[pl.ds(off, K)], src_v, isem)

        @pl.when(t >= 2)
        def _():
          pltpu.make_async_copy(rows[b], agg_sh.at[didx[b]],
                                ssem[b]).wait()
        pltpu.async_copy(dst_hbm.at[pl.ds(off, K)], didx[b], isem)
        pltpu.make_async_copy(src_hbm.at[pl.ds(off, K)], src_v, isem).wait()
        pltpu.async_copy(tables[p].at[src_v], rows[b], gsem).wait()
        pltpu.make_async_copy(dst_hbm.at[pl.ds(off, K)], didx[b],
                              isem).wait()
        pltpu.async_copy(rows[b], agg_sh.at[didx[b]], ssem[b], add=True)

      def chunk_body(t, _):
        @pl.when(t % 2 == 0)
        def _():
          do_chunk(t, 0)

        @pl.when(t % 2 == 1)
        def _():
          do_chunk(t, 1)
        return 0
      lax.fori_loop(0, n_t, chunk_body, 0)

      for b in range(2):
        pltpu.make_async_copy(rows[b], agg_sh.at[didx[b]], ssem[b]).wait()

      plsc.subcore_barrier()

      for j in range(ROWS_PER_SUB // K):
        sl = pl.ds(base + j * K, K)
        pltpu.sync_copy(agg_sh.at[sl], r0)
        pltpu.sync_copy(r0, agg_out.at[p, cid, sl])

      if p + 1 < NPASS:
        plsc.subcore_barrier()

  return pl.kernel(
      body,
      out_type=jax.ShapeDtypeStruct((NPASS, NC, N_PAD, DSUB), jnp.float32),
      mesh=_MESH,
      scratch_types=scratch,
  )


def _tc_dense(relu: bool, split_out: bool):
  B = 512

  def body(aggp_ref, degp_ref, x_ref, wl_ref, bl_ref, wr_ref, o_ref):
    agg = jnp.concatenate(
        [aggp_ref[p, 0] + aggp_ref[p, 1] for p in range(NPASS)], axis=-1)
    deg = jnp.sum(degp_ref[...], axis=(0, 1))
    deg = jnp.maximum(deg, 1.0)
    mean = agg / deg[:, None]
    x = jnp.concatenate([x_ref[p] for p in range(NPASS)], axis=-1)
    out = (jnp.dot(mean, wl_ref[...], preferred_element_type=jnp.float32)
           + jnp.dot(x, wr_ref[...], preferred_element_type=jnp.float32)
           + bl_ref[...])
    if relu:
      out = jnp.maximum(out, 0.0)
    if split_out:
      for p in range(NPASS):
        o_ref[p] = out[:, p * DSUB:(p + 1) * DSUB]
    else:
      o_ref[...] = out

  if split_out:
    out_spec = pl.BlockSpec((NPASS, B, DSUB), lambda i: (0, i, 0))
    out_shape = jax.ShapeDtypeStruct((NPASS, N_PAD, DSUB), jnp.float32)
  else:
    out_spec = pl.BlockSpec((B, D), lambda i: (i, 0))
    out_shape = jax.ShapeDtypeStruct((N_PAD, D), jnp.float32)

  return pl.pallas_call(
      body,
      grid=(N_PAD // B,),
      in_specs=[
          pl.BlockSpec((NPASS, NC, B, DSUB), lambda i: (0, 0, i, 0)),
          pl.BlockSpec((NC, NS, B), lambda i: (0, 0, i)),
          pl.BlockSpec((NPASS, B, DSUB), lambda i: (0, i, 0)),
          pl.BlockSpec((D, D), lambda i: (0, 0)),
          pl.BlockSpec((1, D), lambda i: (0, 0)),
          pl.BlockSpec((D, D), lambda i: (0, 0)),
      ],
      out_specs=out_spec,
      out_shape=out_shape,
  )


_sc_deg = _sc_degree()
_sc_agg = _sc_aggregate()
_tc_relu_split = _tc_dense(relu=True, split_out=True)
_tc_lin = _tc_dense(relu=False, split_out=False)


@jax.jit
def kernel(x, edge_index, Wl1, bl1, Wr1, Wl2, bl2, Wr2):
  src = edge_index[0].astype(jnp.int32)
  dst = edge_index[1].astype(jnp.int32)
  xp = jnp.zeros((N_PAD, D), jnp.float32).at[:N_NODES].set(x)
  xg = xp.reshape(N_PAD, NPASS, DSUB).transpose(1, 0, 2)

  degp = _sc_deg(dst)
  agg1 = _sc_agg(*[xg[p] for p in range(NPASS)], src, dst)
  hg = _tc_relu_split(agg1, degp, xg, Wl1, bl1.reshape(1, D), Wr1)
  agg2 = _sc_agg(*[hg[p] for p in range(NPASS)], src, dst)
  out = _tc_lin(agg2, degp, hg, Wl2, bl2.reshape(1, D), Wr2)
  return out[:N_NODES]

# --- scband reference (transcript-rebuilt; emitter-appended) ---
"""Pipeline reference for scband-graph-sage-39874476376471 (READ-ONLY COPY).

The authoritative reference and input builder live on the scoring server;
editing this copy changes nothing except your own understanding.
"""

import jax, jax.numpy as jnp
import numpy as np

N_NODES = 10000
N_EDGES = 320000
D_IN = 128
D_HID = 128
D_OUT = 128


def setup_inputs(seed: int = 0) -> dict:
    key = jax.random.key(seed)
    ks = jax.random.split(key, 8)
    x = jax.random.normal(ks[0], (N_NODES, D_IN), dtype=jnp.float32)
    edge_index = jax.random.randint(ks[1], (2, N_EDGES), 0, N_NODES, dtype=jnp.int64)
    s1 = 1.0 / np.sqrt(D_IN)
    s2 = 1.0 / np.sqrt(D_HID)
    # Layer 1 (PyG SAGEConv: lin_l applied to mean-aggregated neighbors (with bias), lin_r to root (no bias))
    Wl1 = jax.random.uniform(ks[2], (D_IN, D_HID), dtype=jnp.float32, minval=-s1, maxval=s1)
    bl1 = jnp.zeros((D_HID,), dtype=jnp.float32)
    Wr1 = jax.random.uniform(ks[3], (D_IN, D_HID), dtype=jnp.float32, minval=-s1, maxval=s1)
    # Layer 2
    Wl2 = jax.random.uniform(ks[4], (D_HID, D_OUT), dtype=jnp.float32, minval=-s2, maxval=s2)
    bl2 = jnp.zeros((D_OUT,), dtype=jnp.float32)
    Wr2 = jax.random.uniform(ks[5], (D_HID, D_OUT), dtype=jnp.float32, minval=-s2, maxval=s2)
    return {"x": x, "edge_index": edge_index, "Wl1": Wl1, "bl1": bl1, "Wr1": Wr1,
            "Wl2": Wl2, "bl2": bl2, "Wr2": Wr2}


def _sage_conv(x, src, dst, Wl, bl, Wr, n_nodes):
    # message = x[src]; mean-aggregate at dst
    msg = jnp.take(x, src, axis=0)
    agg = jax.ops.segment_sum(msg, dst, num_segments=n_nodes)
    deg = jax.ops.segment_sum(jnp.ones((src.shape[0],), dtype=x.dtype), dst, num_segments=n_nodes)
    deg = jnp.clip(deg, 1.0, None)
    mean = agg / deg[:, None]
    return mean @ Wl + bl + x @ Wr


def reference(x, edge_index, Wl1, bl1, Wr1, Wl2, bl2, Wr2):
    src = edge_index[0]
    dst = edge_index[1]
    n = x.shape[0]
    h = _sage_conv(x, src, dst, Wl1, bl1, Wr1, n)
    h = jax.nn.relu(h)
    # dropout is identity in eval mode (training=False)
    out = _sage_conv(h, src, dst, Wl2, bl2, Wr2, n)
    return out

if __name__ == "__main__":
    import jax
    _d = setup_inputs()
    print(jax.jit(kernel)(*tuple(_d.values())))

</pallas_src>

<mosaic_0001>
#map = affine_map<(d0, d1) -> (0, 0)>
#map1 = affine_map<(d0, d1) -> (0)>
#map2 = affine_map<(d0, d1) -> (0, 0, 0, 0)>
module attributes {stable_mosaic.version = 14 : i64} {
  func.func @body(%arg0: i32, %arg1: i32, %arg2: memref<10240x128xf32, #tpu.memory_space<hbm>>, %arg3: memref<320000xi32, #tpu.memory_space<hbm>>, %arg4: memref<320000xi32, #tpu.memory_space<hbm>>, %arg5: memref<1x2x10240x128xf32, #tpu.memory_space<hbm>>, %arg6: memref<128xi32, #tpu.memory_space<vmem>>, %arg7: memref<128xi32, #tpu.memory_space<vmem>>, %arg8: memref<128xi32, #tpu.memory_space<vmem>>, %arg9: memref<128x128xf32, #tpu.memory_space<vmem>>, %arg10: memref<128x128xf32, #tpu.memory_space<vmem>>, %arg11: memref<10240x128xf32, #tpu.memory_space<vmem_shared>>, %arg12: memref<!tpu.dma_semaphore, #tpu.memory_space<semaphore_mem>>, %arg13: memref<!tpu.dma_semaphore, #tpu.memory_space<semaphore_mem>>, %arg14: memref<!tpu.dma_semaphore, #tpu.memory_space<semaphore_mem>>, %arg15: memref<!tpu.dma_semaphore, #tpu.memory_space<semaphore_mem>>) attributes {dimension_semantics = [#tpu.dimension_semantics<core_parallel>, #tpu.dimension_semantics<subcore_parallel>], iteration_bounds = array<i64: 2, 16>, scalar_prefetch = 0 : i64, scratch_operands = 10 : i64, tpu.core_type = #tpu.core_type<sc_vector_subcore>, window_params = [{transform_indices = #map}, {transform_indices = #map1}, {transform_indices = #map1}, {transform_indices = #map2}]} {
    %mul3A = arith.constant 2 : i32
    %mul3A_0 = arith.muli %arg1, %mul3A : i32
    %add3A = arith.addi %mul3A_0, %arg0 : i32
    %mul3A_1 = arith.constant 640 : i32
    %mul3A_2 = arith.muli %arg1, %mul3A_1 : i32
    %lt3A = arith.constant 4 : i32
    %lt3A_3 = arith.cmpi slt, %add3A, %lt3A : i32
    %jit3A = arith.constant 1 : i32
    %jit3A_4 = arith.constant 0 : i32
    %select_n3A = arith.select %lt3A_3, %jit3A, %jit3A_4 : i32
    %add3A_5 = arith.constant 78 : i32
    %add3A_6 = arith.addi %add3A_5, %select_n3A : i32
    %broadcast_in_dim3A = arith.constant 0.000000e+00 : f32
    %broadcast_in_dim3A_7 = vector.broadcast %broadcast_in_dim3A : f32 to vector<16xf32>
    %scan3A = arith.constant 0 : i32
    %scan3A_8 = arith.constant 0 : i32
    %scan3A_9 = arith.constant 128 : i32
    %scan3A_10 = arith.addi %scan3A_8, %scan3A_9 : i32
    %scan3A_11 = arith.constant 1 : i32
    %scan3A_12 = scf.for %scan3A_55 = %scan3A_8 to %scan3A_10 step %scan3A_11 iter_args(%scan3A_56 = %scan3A) -> (i32)  : i32 {
      %scan3A_57 = arith.constant 0 : i32
      %scan3A_58 = arith.constant 0 : i32
      %scan3A_59 = arith.constant 8 : i32
      %scan3A_60 = arith.addi %scan3A_58, %scan3A_59 : i32
      %scan3A_61 = arith.constant 1 : i32
      %scan3A_62 = scf.for %scan3A_65 = %scan3A_58 to %scan3A_60 step %scan3A_61 iter_args(%scan3A_66 = %scan3A_57) -> (i32)  : i32 {
        %mul3A_67 = arith.constant 16 : i32
        %mul3A_68 = arith.muli %scan3A_65, %mul3A_67 : i32
        %swap3A = arith.index_cast %scan3A_55 : i32 to index
        %swap3A_69 = arith.index_cast %mul3A_68 : i32 to index
        %swap3A_70 = tpu.vector_load %arg9[%swap3A, %swap3A_69] {strides = array<i32>} : memref<128x128xf32, #tpu.memory_space<vmem>>, vector<1x16xf32>,
        %swap3A_71 = vector.shape_cast %swap3A_70 : vector<1x16xf32> to vector<16xf32>
        %swap3A_72 = vector.shape_cast %broadcast_in_dim3A_7 : vector<16xf32> to vector<1x16xf32>
        tpu.vector_store %arg9[%swap3A, %swap3A_69], %swap3A_72 {strides = array<i32>} : memref<128x128xf32, #tpu.memory_space<vmem>>, vector<1x16xf32>,
        %scan3A_73 = arith.constant 0 : i32
        scf.yield %scan3A_73 : i32
      }
      %scan3A_63 = arith.constant 8 : i32
      %scan3A_64 = arith.constant 0 : i32
      scf.yield %scan3A_64 : i32
    }
    %scan3A_13 = arith.constant 128 : i32
    %add3A_14 = arith.constant 0 : i32
    %add3A_15 = arith.addi %mul3A_2, %add3A_14 : i32
    "tpu.region"() ({
      %run_scoped3A_55 = tpu.sem_alloc : memref<!tpu.dma_semaphore, #tpu.memory_space<semaphore_mem>>
      %dma_start3A = arith.constant 0 : i32
      %dma_start3A_56 = tpu.memref_slice %arg11[%add3A_15, %dma_start3A] : memref<10240x128xf32, #tpu.memory_space<vmem_shared>> -> memref<128x128xf32, #tpu.memory_space<vmem_shared>>
      %dma_start3A_57 = arith.constant 0 : i32
      %dma_start3A_58 = tpu.memref_slice %arg11[%add3A_15, %dma_start3A_57] : memref<10240x128xf32, #tpu.memory_space<vmem_shared>> -> memref<128x128xf32, #tpu.memory_space<vmem_shared>>
      tpu.enqueue_dma source(%arg9 : memref<128x128xf32, #tpu.memory_space<vmem>>) target(%dma_start3A_58 : memref<128x128xf32, #tpu.memory_space<vmem_shared>>) target_semaphore(%run_scoped3A_55 : memref<!tpu.dma_semaphore, #tpu.memory_space<semaphore_mem>>)
      %dma_wait3A_59 = arith.constant 0 : i32
      %dma_wait3A_60 = tpu.memref_slice %arg11[%add3A_15, %dma_wait3A_59] : memref<10240x128xf32, #tpu.memory_space<vmem_shared>> -> memref<128x128xf32, #tpu.memory_space<vmem_shared>>
      %dma_wait3A_61 = arith.constant 0 : i32
      %dma_wait3A_62 = tpu.memref_slice %arg11[%add3A_15, %dma_wait3A_61] : memref<10240x128xf32, #tpu.memory_space<vmem_shared>> -> memref<128x128xf32, #tpu.memory_space<vmem_shared>>
      tpu.wait_dma2 semaphore(%run_scoped3A_55 : memref<!tpu.dma_semaphore, #tpu.memory_space<semaphore_mem>>) src(%arg9 : memref<128x128xf32, #tpu.memory_space<vmem>>) dst(%dma_wait3A_62 : memref<128x128xf32, #tpu.memory_space<vmem_shared>>)
      tpu.yield
    }) : () -> ()
    %add3A_16 = arith.constant 128 : i32
    %add3A_17 = arith.addi %mul3A_2, %add3A_16 : i32
    "tpu.region"() ({
      %run_scoped3A_55 = tpu.sem_alloc : memref<!tpu.dma_semaphore, #tpu.memory_space<semaphore_mem>>
      %dma_start3A = arith.constant 0 : i32
      %dma_start3A_56 = tpu.memref_slice %arg11[%add3A_17, %dma_start3A] : memref<10240x128xf32, #tpu.memory_space<vmem_shared>> -> memref<128x128xf32, #tpu.memory_space<vmem_shared>>
      %dma_start3A_57 = arith.constant 0 : i32
      %dma_start3A_58 = tpu.memref_slice %arg11[%add3A_17, %dma_start3A_57] : memref<10240x128xf32, #tpu.memory_space<vmem_shared>> -> memref<128x128xf32, #tpu.memory_space<vmem_shared>>
      tpu.enqueue_dma source(%arg9 : memref<128x128xf32, #tpu.memory_space<vmem>>) target(%dma_start3A_58 : memref<128x128xf32, #tpu.memory_space<vmem_shared>>) target_semaphore(%run_scoped3A_55 : memref<!tpu.dma_semaphore, #tpu.memory_space<semaphore_mem>>)
      %dma_wait3A_59 = arith.constant 0 : i32
      %dma_wait3A_60 = tpu.memref_slice %arg11[%add3A_17, %dma_wait3A_59] : memref<10240x128xf32, #tpu.memory_space<vmem_shared>> -> memref<128x128xf32, #tpu.memory_space<vmem_shared>>
      %dma_wait3A_61 = arith.constant 0 : i32
      %dma_wait3A_62 = tpu.memref_slice %arg11[%add3A_17, %dma_wait3A_61] : memref<10240x128xf32, #tpu.memory_space<vmem_shared>> -> memref<128x128xf32, #tpu.memory_space<vmem_shared>>
      tpu.wait_dma2 semaphore(%run_scoped3A_55 : memref<!tpu.dma_semaphore, #tpu.memory_space<semaphore_mem>>) src(%arg9 : memref<128x128xf32, #tpu.memory_space<vmem>>) dst(%dma_wait3A_62 : memref<128x128xf32, #tpu.memory_space<vmem_shared>>)
      tpu.yield
    }) : () -> ()
    %add3A_18 = arith.constant 256 : i32
    %add3A_19 = arith.addi %mul3A_2, %add3A_18 : i32
    "tpu.region"() ({
      %run_scoped3A_55 = tpu.sem_alloc : memref<!tpu.dma_semaphore, #tpu.memory_space<semaphore_mem>>
      %dma_start3A = arith.constant 0 : i32
      %dma_start3A_56 = tpu.memref_slice %arg11[%add3A_19, %dma_start3A] : memref<10240x128xf32, #tpu.memory_space<vmem_shared>> -> memref<128x128xf32, #tpu.memory_space<vmem_shared>>
      %dma_start3A_57 = arith.constant 0 : i32
      %dma_start3A_58 = tpu.memref_slice %arg11[%add3A_19, %dma_start3A_57] : memref<10240x128xf32, #tpu.memory_space<vmem_shared>> -> memref<128x128xf32, #tpu.memory_space<vmem_shared>>
      tpu.enqueue_dma source(%arg9 : memref<128x128xf32, #tpu.memory_space<vmem>>) target(%dma_start3A_58 : memref<128x128xf32, #tpu.memory_space<vmem_shared>>) target_semaphore(%run_scoped3A_55 : memref<!tpu.dma_semaphore, #tpu.memory_space<semaphore_mem>>)
      %dma_wait3A_59 = arith.constant 0 : i32
      %dma_wait3A_60 = tpu.memref_slice %arg11[%add3A_19, %dma_wait3A_59] : memref<10240x128xf32, #tpu.memory_space<vmem_shared>> -> memref<128x128xf32, #tpu.memory_space<vmem_shared>>
      %dma_wait3A_61 = arith.constant 0 : i32
      %dma_wait3A_62 = tpu.memref_slice %arg11[%add3A_19, %dma_wait3A_61] : memref<10240x128xf32, #tpu.memory_space<vmem_shared>> -> memref<128x128xf32, #tpu.memory_space<vmem_shared>>
      tpu.wait_dma2 semaphore(%run_scoped3A_55 : memref<!tpu.dma_semaphore, #tpu.memory_space<semaphore_mem>>) src(%arg9 : memref<128x128xf32, #tpu.memory_space<vmem>>) dst(%dma_wait3A_62 : memref<128x128xf32, #tpu.memory_space<vmem_shared>>)
      tpu.yield
    }) : () -> ()
    %add3A_20 = arith.constant 384 : i32
    %add3A_21 = arith.addi %mul3A_2, %add3A_20 : i32
    "tpu.region"() ({
      %run_scoped3A_55 = tpu.sem_alloc : memref<!tpu.dma_semaphore, #tpu.memory_space<semaphore_mem>>
      %dma_start3A = arith.constant 0 : i32
      %dma_start3A_56 = tpu.memref_slice %arg11[%add3A_21, %dma_start3A] : memref<10240x128xf32, #tpu.memory_space<vmem_shared>> -> memref<128x128xf32, #tpu.memory_space<vmem_shared>>
      %dma_start3A_57 = arith.constant 0 : i32
      %dma_start3A_58 = tpu.memref_slice %arg11[%add3A_21, %dma_start3A_57] : memref<10240x128xf32, #tpu.memory_space<vmem_shared>> -> memref<128x128xf32, #tpu.memory_space<vmem_shared>>
      tpu.enqueue_dma source(%arg9 : memref<128x128xf32, #tpu.memory_space<vmem>>) target(%dma_start3A_58 : memref<128x128xf32, #tpu.memory_space<vmem_shared>>) target_semaphore(%run_scoped3A_55 : memref<!tpu.dma_semaphore, #tpu.memory_space<semaphore_mem>>)
      %dma_wait3A_59 = arith.constant 0 : i32
      %dma_wait3A_60 = tpu.memref_slice %arg11[%add3A_21, %dma_wait3A_59] : memref<10240x128xf32, #tpu.memory_space<vmem_shared>> -> memref<128x128xf32, #tpu.memory_space<vmem_shared>>
      %dma_wait3A_61 = arith.constant 0 : i32
      %dma_wait3A_62 = tpu.memref_slice %arg11[%add3A_21, %dma_wait3A_61] : memref<10240x128xf32, #tpu.memory_space<vmem_shared>> -> memref<128x128xf32, #tpu.memory_space<vmem_shared>>
      tpu.wait_dma2 semaphore(%run_scoped3A_55 : memref<!tpu.dma_semaphore, #tpu.memory_space<semaphore_mem>>) src(%arg9 : memref<128x128xf32, #tpu.memory_space<vmem>>) dst(%dma_wait3A_62 : memref<128x128xf32, #tpu.memory_space<vmem_shared>>)
      tpu.yield
    }) : () -> ()
    %add3A_22 = arith.constant 512 : i32
    %add3A_23 = arith.addi %mul3A_2, %add3A_22 : i32
    "tpu.region"() ({
      %run_scoped3A_55 = tpu.sem_alloc : memref<!tpu.dma_semaphore, #tpu.memory_space<semaphore_mem>>
      %dma_start3A = arith.constant 0 : i32
      %dma_start3A_56 = tpu.memref_slice %arg11[%add3A_23, %dma_start3A] : memref<10240x128xf32, #tpu.memory_space<vmem_shared>> -> memref<128x128xf32, #tpu.memory_space<vmem_shared>>
      %dma_start3A_57 = arith.constant 0 : i32
      %dma_start3A_58 = tpu.memref_slice %arg11[%add3A_23, %dma_start3A_57] : memref<10240x128xf32, #tpu.memory_space<vmem_shared>> -> memref<128x128xf32, #tpu.memory_space<vmem_shared>>
      tpu.enqueue_dma source(%arg9 : memref<128x128xf32, #tpu.memory_space<vmem>>) target(%dma_start3A_58 : memref<128x128xf32, #tpu.memory_space<vmem_shared>>) target_semaphore(%run_scoped3A_55 : memref<!tpu.dma_semaphore, #tpu.memory_space<semaphore_mem>>)
      %dma_wait3A_59 = arith.constant 0 : i32
      %dma_wait3A_60 = tpu.memref_slice %arg11[%add3A_23, %dma_wait3A_59] : memref<10240x128xf32, #tpu.memory_space<vmem_shared>> -> memref<128x128xf32, #tpu.memory_space<vmem_shared>>
      %dma_wait3A_61 = arith.constant 0 : i32
      %dma_wait3A_62 = tpu.memref_slice %arg11[%add3A_23, %dma_wait3A_61] : memref<10240x128xf32, #tpu.memory_space<vmem_shared>> -> memref<128x128xf32, #tpu.memory_space<vmem_shared>>
      tpu.wait_dma2 semaphore(%run_scoped3A_55 : memref<!tpu.dma_semaphore, #tpu.memory_space<semaphore_mem>>) src(%arg9 : memref<128x128xf32, #tpu.memory_space<vmem>>) dst(%dma_wait3A_62 : memref<128x128xf32, #tpu.memory_space<vmem_shared>>)
      tpu.yield
    }) : () -> ()
    %barrier3A = arith.constant 0 : index
    tpu.barrier barrier_id(%barrier3A)
    %while3A = arith.constant 0 : i32
    %while3A_24 = arith.constant 0 : i32
    %while3A_25 = arith.subi %add3A_6, %while3A : i32
    %while3A_26 = arith.addi %while3A, %while3A_25 : i32
    %while3A_27 = arith.constant 1 : i32
    %while3A_28 = arith.divsi %while3A_25, %while3A_27 : i32
    %while3A_29 = arith.muli %while3A_28, %while3A_27 : i32
    %while3A_30 = arith.addi %while3A, %while3A_29 : i32
    %while3A_31 = arith.constant 1 : i32
    %while3A_32 = scf.for %while3A_55 = %while3A to %while3A_30 step %while3A_31 iter_args(%while3A_56 = %while3A_24) -> (i32)  : i32 {
      %jit3A_57 = arith.constant 2 : i32
      %eq3A = arith.constant 0 : i32
      %eq3A_58 = arith.cmpi eq, %jit3A_57, %eq3A : i32
      %jit3A_59 = arith.constant 1 : i32
      %select_n3A_60 = arith.select %eq3A_58, %jit3A_59, %jit3A_57 : i32
      %rem3A = arith.remsi %while3A_55, %select_n3A_60 : i32
      %ne3A = arith.constant 0 : i32
      %ne3A_61 = arith.cmpi ne, %rem3A, %ne3A : i32
      %lt3A_62 = arith.constant 0 : i32
      %lt3A_63 = arith.cmpi slt, %rem3A, %lt3A_62 : i32
      %lt3A_64 = arith.constant 0 : i32
      %lt3A_65 = arith.cmpi slt, %select_n3A_60, %lt3A_64 : i32
      %ne3A_66 = arith.xori %lt3A_63, %lt3A_65 : i1
      %and3A = arith.andi %ne3A_66, %ne3A_61 : i1
      %add3A_67 = arith.addi %rem3A, %select_n3A_60 : i32
      %select_n3A_68 = arith.select %and3A, %add3A_67, %rem3A : i32
      %eq3A_69 = arith.constant 0 : i32
      %eq3A_70 = arith.cmpi eq, %select_n3A_68, %eq3A_69 : i32
      %convert_element_type3A = arith.extui %eq3A_70 : i1 to i32
      %cond3A = arith.constant 0 : i32
      %cond3A_71 = arith.cmpi ne, %convert_element_type3A, %cond3A : i32
      scf.if %cond3A_71 {
        %mul3A_94 = arith.constant 32 : i32
        %mul3A_95 = arith.muli %while3A_55, %mul3A_94 : i32
        %add3A_96 = arith.addi %mul3A_95, %add3A : i32
        %mul3A_97 = arith.constant 128 : i32
        %mul3A_98 = arith.muli %add3A_96, %mul3A_97 : i32
        %dma_start3A = tpu.memref_slice %arg3[%mul3A_98] : memref<320000xi32, #tpu.memory_space<hbm>> -> memref<128xi32, #tpu.memory_space<hbm>>
        %dma_start3A_99 = tpu.memref_slice %arg3[%mul3A_98] : memref<320000xi32, #tpu.memory_space<hbm>> -> memref<128xi32, #tpu.memory_space<hbm>>
        tpu.enqueue_dma source(%dma_start3A_99 : memref<128xi32, #tpu.memory_space<hbm>>) target(%arg6 : memref<128xi32, #tpu.memory_space<vmem>>) target_semaphore(%arg12 : memref<!tpu.dma_semaphore, #tpu.memory_space<semaphore_mem>>)
        %ge3A = arith.constant 2 : i32
        %ge3A_100 = arith.cmpi sge, %while3A_55, %ge3A : i32
        %convert_element_type3A_101 = arith.extui %ge3A_100 : i1 to i32
        %cond3A_102 = arith.constant 0 : i32
        %cond3A_103 = arith.cmpi ne, %convert_element_type3A_101, %cond3A_102 : i32
        scf.if %cond3A_103 {
          %dma_wait3A_119 = arith.constant 0 : i32
          %dma_wait3A_120 = arith.constant 0 : i32
          %dma_wait3A_121 = tpu.memref_slice %arg11[%dma_wait3A_119, %dma_wait3A_120] : memref<10240x128xf32, #tpu.memory_space<vmem_shared>> -> memref<10240x128xf32, #tpu.memory_space<vmem_shared>>
          tpu.wait_indirect_dma semaphore(%arg14 : memref<!tpu.dma_semaphore, #tpu.memory_space<semaphore_mem>>) src(%arg9 : memref<128x128xf32, #tpu.memory_space<vmem>>) dst(%dma_wait3A_121 : memref<10240x128xf32, #tpu.memory_space<vmem_shared>>)
        } else {
        }
        %dma_start3A_104 = tpu.memref_slice %arg4[%mul3A_98] : memref<320000xi32, #tpu.memory_space<hbm>> -> memref<128xi32, #tpu.memory_space<hbm>>
        %dma_start3A_105 = tpu.memref_slice %arg4[%mul3A_98] : memref<320000xi32, #tpu.memory_space<hbm>> -> memref<128xi32, #tpu.memory_space<hbm>>
        tpu.enqueue_dma source(%dma_start3A_105 : memref<128xi32, #tpu.memory_space<hbm>>) target(%arg7 : memref<128xi32, #tpu.memory_space<vmem>>) target_semaphore(%arg12 : memref<!tpu.dma_semaphore, #tpu.memory_space<semaphore_mem>>)
        %dma_wait3A_106 = tpu.memref_slice %arg3[%mul3A_98] : memref<320000xi32, #tpu.memory_space<hbm>> -> memref<128xi32, #tpu.memory_space<hbm>>
        %dma_wait3A_107 = tpu.memref_slice %arg3[%mul3A_98] : memref<320000xi32, #tpu.memory_space<hbm>> -> memref<128xi32, #tpu.memory_space<hbm>>
        tpu.wait_dma2 semaphore(%arg12 : memref<!tpu.dma_semaphore, #tpu.memory_space<semaphore_mem>>) src(%dma_wait3A_107 : memref<128xi32, #tpu.memory_space<hbm>>) dst(%arg6 : memref<128xi32, #tpu.memory_space<vmem>>)
        %dma_start3A_108 = arith.constant 0 : i32
        %dma_start3A_109 = arith.constant 0 : i32
        %dma_start3A_110 = tpu.memref_slice %arg2[%dma_start3A_108, %dma_start3A_109] : memref<10240x128xf32, #tpu.memory_space<hbm>> -> memref<10240x128xf32, #tpu.memory_space<hbm>>
        tpu.enqueue_indirect_dma source(%dma_start3A_110 : memref<10240x128xf32, #tpu.memory_space<hbm>>) target(%arg9 : memref<128x128xf32, #tpu.memory_space<vmem>>) offsets(%arg6 : memref<128xi32, #tpu.memory_space<vmem>>) semaphore(%arg13 : memref<!tpu.dma_semaphore, #tpu.memory_space<semaphore_mem>>)
        %dma_wait3A_111 = arith.constant 0 : i32
        %dma_wait3A_112 = arith.constant 0 : i32
        %dma_wait3A_113 = tpu.memref_slice %arg2[%dma_wait3A_111, %dma_wait3A_112] : memref<10240x128xf32, #tpu.memory_space<hbm>> -> memref<10240x128xf32, #tpu.memory_space<hbm>>
        tpu.wait_indirect_dma semaphore(%arg13 : memref<!tpu.dma_semaphore, #tpu.memory_space<semaphore_mem>>) src(%dma_wait3A_113 : memref<10240x128xf32, #tpu.memory_space<hbm>>) dst(%arg9 : memref<128x128xf32, #tpu.memory_space<vmem>>)
        %dma_wait3A_114 = tpu.memref_slice %arg4[%mul3A_98] : memref<320000xi32, #tpu.memory_space<hbm>> -> memref<128xi32, #tpu.memory_space<hbm>>
        %dma_wait3A_115 = tpu.memref_slice %arg4[%mul3A_98] : memref<320000xi32, #tpu.memory_space<hbm>> -> memref<128xi32, #tpu.memory_space<hbm>>
        tpu.wait_dma2 semaphore(%arg12 : memref<!tpu.dma_semaphore, #tpu.memory_space<semaphore_mem>>) src(%dma_wait3A_115 : memref<128xi32, #tpu.memory_space<hbm>>) dst(%arg7 : memref<128xi32, #tpu.memory_space<vmem>>)
        %dma_start3A_116 = arith.constant 0 : i32
        %dma_start3A_117 = arith.constant 0 : i32
        %dma_start3A_118 = tpu.memref_slice %arg11[%dma_start3A_116, %dma_start3A_117] : memref<10240x128xf32, #tpu.memory_space<vmem_shared>> -> memref<10240x128xf32, #tpu.memory_space<vmem_shared>>
        tpu.enqueue_indirect_dma source(%arg9 : memref<128x128xf32, #tpu.memory_space<vmem>>) target(%dma_start3A_118 : memref<10240x128xf32, #tpu.memory_space<vmem_shared>>) offsets(%arg7 : memref<128xi32, #tpu.memory_space<vmem>>) semaphore(%arg14 : memref<!tpu.dma_semaphore, #tpu.memory_space<semaphore_mem>>) {add = true}
      } else {
      }
      %jit3A_72 = arith.constant 2 : i32
      %eq3A_73 = arith.constant 0 : i32
      %eq3A_74 = arith.cmpi eq, %jit3A_72, %eq3A_73 : i32
      %jit3A_75 = arith.constant 1 : i32
      %select_n3A_76 = arith.select %eq3A_74, %jit3A_75, %jit3A_72 : i32
      %rem3A_77 = arith.remsi %while3A_55, %select_n3A_76 : i32
      %ne3A_78 = arith.constant 0 : i32
      %ne3A_79 = arith.cmpi ne, %rem3A_77, %ne3A_78 : i32
      %lt3A_80 = arith.constant 0 : i32
      %lt3A_81 = arith.cmpi slt, %rem3A_77, %lt3A_80 : i32
      %lt3A_82 = arith.constant 0 : i32
      %lt3A_83 = arith.cmpi slt, %select_n3A_76, %lt3A_82 : i32
      %ne3A_84 = arith.xori %lt3A_81, %lt3A_83 : i1
      %and3A_85 = arith.andi %ne3A_84, %ne3A_79 : i1
      %add3A_86 = arith.addi %rem3A_77, %select_n3A_76 : i32
      %select_n3A_87 = arith.select %and3A_85, %add3A_86, %rem3A_77 : i32
      %eq3A_88 = arith.constant 1 : i32
      %eq3A_89 = arith.cmpi eq, %select_n3A_87, %eq3A_88 : i32
      %convert_element_type3A_90 = arith.extui %eq3A_89 : i1 to i32
      %cond3A_91 = arith.constant 0 : i32
      %cond3A_92 = arith.cmpi ne, %convert_element_type3A_90, %cond3A_91 : i32
      scf.if %cond3A_92 {
        %mul3A_94 = arith.constant 32 : i32
        %mul3A_95 = arith.muli %while3A_55, %mul3A_94 : i32
        %add3A_96 = arith.addi %mul3A_95, %add3A : i32
        %mul3A_97 = arith.constant 128 : i32
        %mul3A_98 = arith.muli %add3A_96, %mul3A_97 : i32
        %dma_start3A = tpu.memref_slice %arg3[%mul3A_98] : memref<320000xi32, #tpu.memory_space<hbm>> -> memref<128xi32, #tpu.memory_space<hbm>>
        %dma_start3A_99 = tpu.memref_slice %arg3[%mul3A_98] : memref<320000xi32, #tpu.memory_space<hbm>> -> memref<128xi32, #tpu.memory_space<hbm>>
        tpu.enqueue_dma source(%dma_start3A_99 : memref<128xi32, #tpu.memory_space<hbm>>) target(%arg6 : memref<128xi32, #tpu.memory_space<vmem>>) target_semaphore(%arg12 : memref<!tpu.dma_semaphore, #tpu.memory_space<semaphore_mem>>)
        %ge3A = arith.constant 2 : i32
        %ge3A_100 = arith.cmpi sge, %while3A_55, %ge3A : i32
        %convert_element_type3A_101 = arith.extui %ge3A_100 : i1 to i32
        %cond3A_102 = arith.constant 0 : i32
        %cond3A_103 = arith.cmpi ne, %convert_element_type3A_101, %cond3A_102 : i32
        scf.if %cond3A_103 {
          %dma_wait3A_119 = arith.constant 0 : i32
          %dma_wait3A_120 = arith.constant 0 : i32
          %dma_wait3A_121 = tpu.memref_slice %arg11[%dma_wait3A_119, %dma_wait3A_120] : memref<10240x128xf32, #tpu.memory_space<vmem_shared>> -> memref<10240x128xf32, #tpu.memory_space<vmem_shared>>
          tpu.wait_indirect_dma semaphore(%arg15 : memref<!tpu.dma_semaphore, #tpu.memory_space<semaphore_mem>>) src(%arg10 : memref<128x128xf32, #tpu.memory_space<vmem>>) dst(%dma_wait3A_121 : memref<10240x128xf32, #tpu.memory_space<vmem_shared>>)
        } else {
        }
        %dma_start3A_104 = tpu.memref_slice %arg4[%mul3A_98] : memref<320000xi32, #tpu.memory_space<hbm>> -> memref<128xi32, #tpu.memory_space<hbm>>
        %dma_start3A_105 = tpu.memref_slice %arg4[%mul3A_98] : memref<320000xi32, #tpu.memory_space<hbm>> -> memref<128xi32, #tpu.memory_space<hbm>>
        tpu.enqueue_dma source(%dma_start3A_105 : memref<128xi32, #tpu.memory_space<hbm>>) target(%arg8 : memref<128xi32, #tpu.memory_space<vmem>>) target_semaphore(%arg12 : memref<!tpu.dma_semaphore, #tpu.memory_space<semaphore_mem>>)
        %dma_wait3A_106 = tpu.memref_slice %arg3[%mul3A_98] : memref<320000xi32, #tpu.memory_space<hbm>> -> memref<128xi32, #tpu.memory_space<hbm>>
        %dma_wait3A_107 = tpu.memref_slice %arg3[%mul3A_98] : memref<320000xi32, #tpu.memory_space<hbm>> -> memref<128xi32, #tpu.memory_space<hbm>>
        tpu.wait_dma2 semaphore(%arg12 : memref<!tpu.dma_semaphore, #tpu.memory_space<semaphore_mem>>) src(%dma_wait3A_107 : memref<128xi32, #tpu.memory_space<hbm>>) dst(%arg6 : memref<128xi32, #tpu.memory_space<vmem>>)
        %dma_start3A_108 = arith.constant 0 : i32
        %dma_start3A_109 = arith.constant 0 : i32
        %dma_start3A_110 = tpu.memref_slice %arg2[%dma_start3A_108, %dma_start3A_109] : memref<10240x128xf32, #tpu.memory_space<hbm>> -> memref<10240x128xf32, #tpu.memory_space<hbm>>
        tpu.enqueue_indirect_dma source(%dma_start3A_110 : memref<10240x128xf32, #tpu.memory_space<hbm>>) target(%arg10 : memref<128x128xf32, #tpu.memory_space<vmem>>) offsets(%arg6 : memref<128xi32, #tpu.memory_space<vmem>>) semaphore(%arg13 : memref<!tpu.dma_semaphore, #tpu.memory_space<semaphore_mem>>)
        %dma_wait3A_111 = arith.constant 0 : i32
        %dma_wait3A_112 = arith.constant 0 : i32
        %dma_wait3A_113 = tpu.memref_slice %arg2[%dma_wait3A_111, %dma_wait3A_112] : memref<10240x128xf32, #tpu.memory_space<hbm>> -> memref<10240x128xf32, #tpu.memory_space<hbm>>
        tpu.wait_indirect_dma semaphore(%arg13 : memref<!tpu.dma_semaphore, #tpu.memory_space<semaphore_mem>>) src(%dma_wait3A_113 : memref<10240x128xf32, #tpu.memory_space<hbm>>) dst(%arg10 : memref<128x128xf32, #tpu.memory_space<vmem>>)
        %dma_wait3A_114 = tpu.memref_slice %arg4[%mul3A_98] : memref<320000xi32, #tpu.memory_space<hbm>> -> memref<128xi32, #tpu.memory_space<hbm>>
        %dma_wait3A_115 = tpu.memref_slice %arg4[%mul3A_98] : memref<320000xi32, #tpu.memory_space<hbm>> -> memref<128xi32, #tpu.memory_space<hbm>>
        tpu.wait_dma2 semaphore(%arg12 : memref<!tpu.dma_semaphore, #tpu.memory_space<semaphore_mem>>) src(%dma_wait3A_115 : memref<128xi32, #tpu.memory_space<hbm>>) dst(%arg8 : memref<128xi32, #tpu.memory_space<vmem>>)
        %dma_start3A_116 = arith.constant 0 : i32
        %dma_start3A_117 = arith.constant 0 : i32
        %dma_start3A_118 = tpu.memref_slice %arg11[%dma_start3A_116, %dma_start3A_117] : memref<10240x128xf32, #tpu.memory_space<vmem_shared>> -> memref<10240x128xf32, #tpu.memory_space<vmem_shared>>
        tpu.enqueue_indirect_dma source(%arg10 : memref<128x128xf32, #tpu.memory_space<vmem>>) target(%dma_start3A_118 : memref<10240x128xf32, #tpu.memory_space<vmem_shared>>) offsets(%arg8 : memref<128xi32, #tpu.memory_space<vmem>>) semaphore(%arg15 : memref<!tpu.dma_semaphore, #tpu.memory_space<semaphore_mem>>) {add = true}
      } else {
      }
      %while3A_93 = arith.constant 0 : i32
      scf.yield %while3A_93 : i32
    }
    %while3A_33 = arith.constant 1 : i32
    %while3A_34 = scf.for %while3A_55 = %while3A_30 to %while3A_26 step %while3A_33 iter_args(%while3A_56 = %while3A_32) -> (i32)  : i32 {
      %jit3A_57 = arith.constant 2 : i32
      %eq3A = arith.constant 0 : i32
      %eq3A_58 = arith.cmpi eq, %jit3A_57, %eq3A : i32
      %jit3A_59 = arith.constant 1 : i32
      %select_n3A_60 = arith.select %eq3A_58, %jit3A_59, %jit3A_57 : i32
      %rem3A = arith.remsi %while3A_55, %select_n3A_60 : i32
      %ne3A = arith.constant 0 : i32
      %ne3A_61 = arith.cmpi ne, %rem3A, %ne3A : i32
      %lt3A_62 = arith.constant 0 : i32
      %lt3A_63 = arith.cmpi slt, %rem3A, %lt3A_62 : i32
      %lt3A_64 = arith.constant 0 : i32
      %lt3A_65 = arith.cmpi slt, %select_n3A_60, %lt3A_64 : i32
      %ne3A_66 = arith.xori %lt3A_63, %lt3A_65 : i1
      %and3A = arith.andi %ne3A_66, %ne3A_61 : i1
      %add3A_67 = arith.addi %rem3A, %select_n3A_60 : i32
      %select_n3A_68 = arith.select %and3A, %add3A_67, %rem3A : i32
      %eq3A_69 = arith.constant 0 : i32
      %eq3A_70 = arith.cmpi eq, %select_n3A_68, %eq3A_69 : i32
      %convert_element_type3A = arith.extui %eq3A_70 : i1 to i32
      %cond3A = arith.constant 0 : i32
      %cond3A_71 = arith.cmpi ne, %convert_element_type3A, %cond3A : i32
      scf.if %cond3A_71 {
        %mul3A_94 = arith.constant 32 : i32
        %mul3A_95 = arith.muli %while3A_55, %mul3A_94 : i32
        %add3A_96 = arith.addi %mul3A_95, %add3A : i32
        %mul3A_97 = arith.constant 128 : i32
        %mul3A_98 = arith.muli %add3A_96, %mul3A_97 : i32
        %dma_start3A = tpu.memref_slice %arg3[%mul3A_98] : memref<320000xi32, #tpu.memory_space<hbm>> -> memref<128xi32, #tpu.memory_space<hbm>>
        %dma_start3A_99 = tpu.memref_slice %arg3[%mul3A_98] : memref<320000xi32, #tpu.memory_space<hbm>> -> memref<128xi32, #tpu.memory_space<hbm>>
        tpu.enqueue_dma source(%dma_start3A_99 : memref<128xi32, #tpu.memory_space<hbm>>) target(%arg6 : memref<128xi32, #tpu.memory_space<vmem>>) target_semaphore(%arg12 : memref<!tpu.dma_semaphore, #tpu.memory_space<semaphore_mem>>)
        %ge3A = arith.constant 2 : i32
        %ge3A_100 = arith.cmpi sge, %while3A_55, %ge3A : i32
        %convert_element_type3A_101 = arith.extui %ge3A_100 : i1 to i32
        %cond3A_102 = arith.constant 0 : i32
        %cond3A_103 = arith.cmpi ne, %convert_element_type3A_101, %cond3A_102 : i32
        scf.if %cond3A_103 {
          %dma_wait3A_119 = arith.constant 0 : i32
          %dma_wait3A_120 = arith.constant 0 : i32
          %dma_wait3A_121 = tpu.memref_slice %arg11[%dma_wait3A_119, %dma_wait3A_120] : memref<10240x128xf32, #tpu.memory_space<vmem_shared>> -> memref<10240x128xf32, #tpu.memory_space<vmem_shared>>
          tpu.wait_indirect_dma semaphore(%arg14 : memref<!tpu.dma_semaphore, #tpu.memory_space<semaphore_mem>>) src(%arg9 : memref<128x128xf32, #tpu.memory_space<vmem>>) dst(%dma_wait3A_121 : memref<10240x128xf32, #tpu.memory_space<vmem_shared>>)
        } else {
        }
        %dma_start3A_104 = tpu.memref_slice %arg4[%mul3A_98] : memref<320000xi32, #tpu.memory_space<hbm>> -> memref<128xi32, #tpu.memory_space<hbm>>
        %dma_start3A_105 = tpu.memref_slice %arg4[%mul3A_98] : memref<320000xi32, #tpu.memory_space<hbm>> -> memref<128xi32, #tpu.memory_space<hbm>>
        tpu.enqueue_dma source(%dma_start3A_105 : memref<128xi32, #tpu.memory_space<hbm>>) target(%arg7 : memref<128xi32, #tpu.memory_space<vmem>>) target_semaphore(%arg12 : memref<!tpu.dma_semaphore, #tpu.memory_space<semaphore_mem>>)
        %dma_wait3A_106 = tpu.memref_slice %arg3[%mul3A_98] : memref<320000xi32, #tpu.memory_space<hbm>> -> memref<128xi32, #tpu.memory_space<hbm>>
        %dma_wait3A_107 = tpu.memref_slice %arg3[%mul3A_98] : memref<320000xi32, #tpu.memory_space<hbm>> -> memref<128xi32, #tpu.memory_space<hbm>>
        tpu.wait_dma2 semaphore(%arg12 : memref<!tpu.dma_semaphore, #tpu.memory_space<semaphore_mem>>) src(%dma_wait3A_107 : memref<128xi32, #tpu.memory_space<hbm>>) dst(%arg6 : memref<128xi32, #tpu.memory_space<vmem>>)
        %dma_start3A_108 = arith.constant 0 : i32
        %dma_start3A_109 = arith.constant 0 : i32
        %dma_start3A_110 = tpu.memref_slice %arg2[%dma_start3A_108, %dma_start3A_109] : memref<10240x128xf32, #tpu.memory_space<hbm>> -> memref<10240x128xf32, #tpu.memory_space<hbm>>
        tpu.enqueue_indirect_dma source(%dma_start3A_110 : memref<10240x128xf32, #tpu.memory_space<hbm>>) target(%arg9 : memref<128x128xf32, #tpu.memory_space<vmem>>) offsets(%arg6 : memref<128xi32, #tpu.memory_space<vmem>>) semaphore(%arg13 : memref<!tpu.dma_semaphore, #tpu.memory_space<semaphore_mem>>)
        %dma_wait3A_111 = arith.constant 0 : i32
        %dma_wait3A_112 = arith.constant 0 : i32
        %dma_wait3A_113 = tpu.memref_slice %arg2[%dma_wait3A_111, %dma_wait3A_112] : memref<10240x128xf32, #tpu.memory_space<hbm>> -> memref<10240x128xf32, #tpu.memory_space<hbm>>
        tpu.wait_indirect_dma semaphore(%arg13 : memref<!tpu.dma_semaphore, #tpu.memory_space<semaphore_mem>>) src(%dma_wait3A_113 : memref<10240x128xf32, #tpu.memory_space<hbm>>) dst(%arg9 : memref<128x128xf32, #tpu.memory_space<vmem>>)
        %dma_wait3A_114 = tpu.memref_slice %arg4[%mul3A_98] : memref<320000xi32, #tpu.memory_space<hbm>> -> memref<128xi32, #tpu.memory_space<hbm>>
        %dma_wait3A_115 = tpu.memref_slice %arg4[%mul3A_98] : memref<320000xi32, #tpu.memory_space<hbm>> -> memref<128xi32, #tpu.memory_space<hbm>>
        tpu.wait_dma2 semaphore(%arg12 : memref<!tpu.dma_semaphore, #tpu.memory_space<semaphore_mem>>) src(%dma_wait3A_115 : memref<128xi32, #tpu.memory_space<hbm>>) dst(%arg7 : memref<128xi32, #tpu.memory_space<vmem>>)
        %dma_start3A_116 = arith.constant 0 : i32
        %dma_start3A_117 = arith.constant 0 : i32
        %dma_start3A_118 = tpu.memref_slice %arg11[%dma_start3A_116, %dma_start3A_117] : memref<10240x128xf32, #tpu.memory_space<vmem_shared>> -> memref<10240x128xf32, #tpu.memory_space<vmem_shared>>
        tpu.enqueue_indirect_dma source(%arg9 : memref<128x128xf32, #tpu.memory_space<vmem>>) target(%dma_start3A_118 : memref<10240x128xf32, #tpu.memory_space<vmem_shared>>) offsets(%arg7 : memref<128xi32, #tpu.memory_space<vmem>>) semaphore(%arg14 : memref<!tpu.dma_semaphore, #tpu.memory_space<semaphore_mem>>) {add = true}
      } else {
      }
      %jit3A_72 = arith.constant 2 : i32
      %eq3A_73 = arith.constant 0 : i32
      %eq3A_74 = arith.cmpi eq, %jit3A_72, %eq3A_73 : i32
      %jit3A_75 = arith.constant 1 : i32
      %select_n3A_76 = arith.select %eq3A_74, %jit3A_75, %jit3A_72 : i32
      %rem3A_77 = arith.remsi %while3A_55, %select_n3A_76 : i32
      %ne3A_78 = arith.constant 0 : i32
      %ne3A_79 = arith.cmpi ne, %rem3A_77, %ne3A_78 : i32
      %lt3A_80 = arith.constant 0 : i32
      %lt3A_81 = arith.cmpi slt, %rem3A_77, %lt3A_80 : i32
      %lt3A_82 = arith.constant 0 : i32
      %lt3A_83 = arith.cmpi slt, %select_n3A_76, %lt3A_82 : i32
      %ne3A_84 = arith.xori %lt3A_81, %lt3A_83 : i1
      %and3A_85 = arith.andi %ne3A_84, %ne3A_79 : i1
      %add3A_86 = arith.addi %rem3A_77, %select_n3A_76 : i32
      %select_n3A_87 = arith.select %and3A_85, %add3A_86, %rem3A_77 : i32
      %eq3A_88 = arith.constant 1 : i32
      %eq3A_89 = arith.cmpi eq, %select_n3A_87, %eq3A_88 : i32
      %convert_element_type3A_90 = arith.extui %eq3A_89 : i1 to i32
      %cond3A_91 = arith.constant 0 : i32
      %cond3A_92 = arith.cmpi ne, %convert_element_type3A_90, %cond3A_91 : i32
      scf.if %cond3A_92 {
        %mul3A_94 = arith.constant 32 : i32
        %mul3A_95 = arith.muli %while3A_55, %mul3A_94 : i32
        %add3A_96 = arith.addi %mul3A_95, %add3A : i32
        %mul3A_97 = arith.constant 128 : i32
        %mul3A_98 = arith.muli %add3A_96, %mul3A_97 : i32
        %dma_start3A = tpu.memref_slice %arg3[%mul3A_98] : memref<320000xi32, #tpu.memory_space<hbm>> -> memref<128xi32, #tpu.memory_space<hbm>>
        %dma_start3A_99 = tpu.memref_slice %arg3[%mul3A_98] : memref<320000xi32, #tpu.memory_space<hbm>> -> memref<128xi32, #tpu.memory_space<hbm>>
        tpu.enqueue_dma source(%dma_start3A_99 : memref<128xi32, #tpu.memory_space<hbm>>) target(%arg6 : memref<128xi32, #tpu.memory_space<vmem>>) target_semaphore(%arg12 : memref<!tpu.dma_semaphore, #tpu.memory_space<semaphore_mem>>)
        %ge3A = arith.constant 2 : i32
        %ge3A_100 = arith.cmpi sge, %while3A_55, %ge3A : i32
        %convert_element_type3A_101 = arith.extui %ge3A_100 : i1 to i32
        %cond3A_102 = arith.constant 0 : i32
        %cond3A_103 = arith.cmpi ne, %convert_element_type3A_101, %cond3A_102 : i32
        scf.if %cond3A_103 {
          %dma_wait3A_119 = arith.constant 0 : i32
          %dma_wait3A_120 = arith.constant 0 : i32
          %dma_wait3A_121 = tpu.memref_slice %arg11[%dma_wait3A_119, %dma_wait3A_120] : memref<10240x128xf32, #tpu.memory_space<vmem_shared>> -> memref<10240x128xf32, #tpu.memory_space<vmem_shared>>
          tpu.wait_indirect_dma semaphore(%arg15 : memref<!tpu.dma_semaphore, #tpu.memory_space<semaphore_mem>>) src(%arg10 : memref<128x128xf32, #tpu.memory_space<vmem>>) dst(%dma_wait3A_121 : memref<10240x128xf32, #tpu.memory_space<vmem_shared>>)
        } else {
        }
        %dma_start3A_104 = tpu.memref_slice %arg4[%mul3A_98] : memref<320000xi32, #tpu.memory_space<hbm>> -> memref<128xi32, #tpu.memory_space<hbm>>
        %dma_start3A_105 = tpu.memref_slice %arg4[%mul3A_98] : memref<320000xi32, #tpu.memory_space<hbm>> -> memref<128xi32, #tpu.memory_space<hbm>>
        tpu.enqueue_dma source(%dma_start3A_105 : memref<128xi32, #tpu.memory_space<hbm>>) target(%arg8 : memref<128xi32, #tpu.memory_space<vmem>>) target_semaphore(%arg12 : memref<!tpu.dma_semaphore, #tpu.memory_space<semaphore_mem>>)
        %dma_wait3A_106 = tpu.memref_slice %arg3[%mul3A_98] : memref<320000xi32, #tpu.memory_space<hbm>> -> memref<128xi32, #tpu.memory_space<hbm>>
        %dma_wait3A_107 = tpu.memref_slice %arg3[%mul3A_98] : memref<320000xi32, #tpu.memory_space<hbm>> -> memref<128xi32, #tpu.memory_space<hbm>>
        tpu.wait_dma2 semaphore(%arg12 : memref<!tpu.dma_semaphore, #tpu.memory_space<semaphore_mem>>) src(%dma_wait3A_107 : memref<128xi32, #tpu.memory_space<hbm>>) dst(%arg6 : memref<128xi32, #tpu.memory_space<vmem>>)
        %dma_start3A_108 = arith.constant 0 : i32
        %dma_start3A_109 = arith.constant 0 : i32
        %dma_start3A_110 = tpu.memref_slice %arg2[%dma_start3A_108, %dma_start3A_109] : memref<10240x128xf32, #tpu.memory_space<hbm>> -> memref<10240x128xf32, #tpu.memory_space<hbm>>
        tpu.enqueue_indirect_dma source(%dma_start3A_110 : memref<10240x128xf32, #tpu.memory_space<hbm>>) target(%arg10 : memref<128x128xf32, #tpu.memory_space<vmem>>) offsets(%arg6 : memref<128xi32, #tpu.memory_space<vmem>>) semaphore(%arg13 : memref<!tpu.dma_semaphore, #tpu.memory_space<semaphore_mem>>)
        %dma_wait3A_111 = arith.constant 0 : i32
        %dma_wait3A_112 = arith.constant 0 : i32
        %dma_wait3A_113 = tpu.memref_slice %arg2[%dma_wait3A_111, %dma_wait3A_112] : memref<10240x128xf32, #tpu.memory_space<hbm>> -> memref<10240x128xf32, #tpu.memory_space<hbm>>
        tpu.wait_indirect_dma semaphore(%arg13 : memref<!tpu.dma_semaphore, #tpu.memory_space<semaphore_mem>>) src(%dma_wait3A_113 : memref<10240x128xf32, #tpu.memory_space<hbm>>) dst(%arg10 : memref<128x128xf32, #tpu.memory_space<vmem>>)
        %dma_wait3A_114 = tpu.memref_slice %arg4[%mul3A_98] : memref<320000xi32, #tpu.memory_space<hbm>> -> memref<128xi32, #tpu.memory_space<hbm>>
        %dma_wait3A_115 = tpu.memref_slice %arg4[%mul3A_98] : memref<320000xi32, #tpu.memory_space<hbm>> -> memref<128xi32, #tpu.memory_space<hbm>>
        tpu.wait_dma2 semaphore(%arg12 : memref<!tpu.dma_semaphore, #tpu.memory_space<semaphore_mem>>) src(%dma_wait3A_115 : memref<128xi32, #tpu.memory_space<hbm>>) dst(%arg8 : memref<128xi32, #tpu.memory_space<vmem>>)
        %dma_start3A_116 = arith.constant 0 : i32
        %dma_start3A_117 = arith.constant 0 : i32
        %dma_start3A_118 = tpu.memref_slice %arg11[%dma_start3A_116, %dma_start3A_117] : memref<10240x128xf32, #tpu.memory_space<vmem_shared>> -> memref<10240x128xf32, #tpu.memory_space<vmem_shared>>
        tpu.enqueue_indirect_dma source(%arg10 : memref<128x128xf32, #tpu.memory_space<vmem>>) target(%dma_start3A_118 : memref<10240x128xf32, #tpu.memory_space<vmem_shared>>) offsets(%arg8 : memref<128xi32, #tpu.memory_space<vmem>>) semaphore(%arg15 : memref<!tpu.dma_semaphore, #tpu.memory_space<semaphore_mem>>) {add = true}
      } else {
      }
      %while3A_93 = arith.constant 0 : i32
      scf.yield %while3A_93 : i32
    }
    %dma_wait3A = arith.constant 0 : i32
    %dma_wait3A_35 = arith.constant 0 : i32
    %dma_wait3A_36 = tpu.memref_slice %arg11[%dma_wait3A, %dma_wait3A_35] : memref<10240x128xf32, #tpu.memory_space<vmem_shared>> -> memref<10240x128xf32, #tpu.memory_space<vmem_shared>>
    tpu.wait_indirect_dma semaphore(%arg14 : memref<!tpu.dma_semaphore, #tpu.memory_space<semaphore_mem>>) src(%arg9 : memref<128x128xf32, #tpu.memory_space<vmem>>) dst(%dma_wait3A_36 : memref<10240x128xf32, #tpu.memory_space<vmem_shared>>)
    %dma_wait3A_37 = arith.constant 0 : i32
    %dma_wait3A_38 = arith.constant 0 : i32
    %dma_wait3A_39 = tpu.memref_slice %arg11[%dma_wait3A_37, %dma_wait3A_38] : memref<10240x128xf32, #tpu.memory_space<vmem_shared>> -> memref<10240x128xf32, #tpu.memory_space<vmem_shared>>
    tpu.wait_indirect_dma semaphore(%arg15 : memref<!tpu.dma_semaphore, #tpu.memory_space<semaphore_mem>>) src(%arg10 : memref<128x128xf32, #tpu.memory_space<vmem>>) dst(%dma_wait3A_39 : memref<10240x128xf32, #tpu.memory_space<vmem_shared>>)
    %barrier3A_40 = arith.constant 0 : index
    tpu.barrier barrier_id(%barrier3A_40)
    %add3A_41 = arith.constant 0 : i32
    %add3A_42 = arith.addi %mul3A_2, %add3A_41 : i32
    "tpu.region"() ({
      %run_scoped3A_55 = tpu.sem_alloc : memref<!tpu.dma_semaphore, #tpu.memory_space<semaphore_mem>>
      %dma_start3A = arith.constant 0 : i32
      %dma_start3A_56 = tpu.memref_slice %arg11[%add3A_42, %dma_start3A] : memref<10240x128xf32, #tpu.memory_space<vmem_shared>> -> memref<128x128xf32, #tpu.memory_space<vmem_shared>>
      %dma_start3A_57 = arith.constant 0 : i32
      %dma_start3A_58 = tpu.memref_slice %arg11[%add3A_42, %dma_start3A_57] : memref<10240x128xf32, #tpu.memory_space<vmem_shared>> -> memref<128x128xf32, #tpu.memory_space<vmem_shared>>
      tpu.enqueue_dma source(%dma_start3A_58 : memref<128x128xf32, #tpu.memory_space<vmem_shared>>) target(%arg9 : memref<128x128xf32, #tpu.memory_space<vmem>>) target_semaphore(%run_scoped3A_55 : memref<!tpu.dma_semaphore, #tpu.memory_space<semaphore_mem>>)
      %dma_wait3A_59 = arith.constant 0 : i32
      %dma_wait3A_60 = tpu.memref_slice %arg11[%add3A_42, %dma_wait3A_59] : memref<10240x128xf32, #tpu.memory_space<vmem_shared>> -> memref<128x128xf32, #tpu.memory_space<vmem_shared>>
      %dma_wait3A_61 = arith.constant 0 : i32
      %dma_wait3A_62 = tpu.memref_slice %arg11[%add3A_42, %dma_wait3A_61] : memref<10240x128xf32, #tpu.memory_space<vmem_shared>> -> memref<128x128xf32, #tpu.memory_space<vmem_shared>>
      tpu.wait_dma2 semaphore(%run_scoped3A_55 : memref<!tpu.dma_semaphore, #tpu.memory_space<semaphore_mem>>) src(%dma_wait3A_62 : memref<128x128xf32, #tpu.memory_space<vmem_shared>>) dst(%arg9 : memref<128x128xf32, #tpu.memory_space<vmem>>)
      tpu.yield
    }) : () -> ()
    %run_scoped3A = arith.constant 0 : i32
    "tpu.region"() ({
      %run_scoped3A_55 = tpu.sem_alloc : memref<!tpu.dma_semaphore, #tpu.memory_space<semaphore_mem>>
      %dma_start3A = arith.constant 0 : i32
      %dma_start3A_56 = tpu.memref_slice %arg5[%run_scoped3A, %arg0, %add3A_42, %dma_start3A] : memref<1x2x10240x128xf32, #tpu.memory_space<hbm>> -> memref<1x1x128x128xf32, #tpu.memory_space<hbm>>
      %dma_start3A_57 = tpu.memref_squeeze %dma_start3A_56 : memref<1x1x128x128xf32, #tpu.memory_space<hbm>> -> memref<128x128xf32, #tpu.memory_space<hbm>>
      %dma_start3A_58 = arith.constant 0 : i32
      %dma_start3A_59 = tpu.memref_slice %arg5[%run_scoped3A, %arg0, %add3A_42, %dma_start3A_58] : memref<1x2x10240x128xf32, #tpu.memory_space<hbm>> -> memref<1x1x128x128xf32, #tpu.memory_space<hbm>>
      %dma_start3A_60 = tpu.memref_squeeze %dma_start3A_59 : memref<1x1x128x128xf32, #tpu.memory_space<hbm>> -> memref<128x128xf32, #tpu.memory_space<hbm>>
      tpu.enqueue_dma source(%arg9 : memref<128x128xf32, #tpu.memory_space<vmem>>) target(%dma_start3A_60 : memref<128x128xf32, #tpu.memory_space<hbm>>) target_semaphore(%run_scoped3A_55 : memref<!tpu.dma_semaphore, #tpu.memory_space<semaphore_mem>>)
      %dma_wait3A_61 = arith.constant 0 : i32
      %dma_wait3A_62 = tpu.memref_slice %arg5[%run_scoped3A, %arg0, %add3A_42, %dma_wait3A_61] : memref<1x2x10240x128xf32, #tpu.memory_space<hbm>> -> memref<1x1x128x128xf32, #tpu.memory_space<hbm>>
      %dma_wait3A_63 = tpu.memref_squeeze %dma_wait3A_62 : memref<1x1x128x128xf32, #tpu.memory_space<hbm>> -> memref<128x128xf32, #tpu.memory_space<hbm>>
      %dma_wait3A_64 = arith.constant 0 : i32
      %dma_wait3A_65 = tpu.memref_slice %arg5[%run_scoped3A, %arg0, %add3A_42, %dma_wait3A_64] : memref<1x2x10240x128xf32, #tpu.memory_space<hbm>> -> memref<1x1x128x128xf32, #tpu.memory_space<hbm>>
      %dma_wait3A_66 = tpu.memref_squeeze %dma_wait3A_65 : memref<1x1x128x128xf32, #tpu.memory_space<hbm>> -> memref<128x128xf32, #tpu.memory_space<hbm>>
      tpu.wait_dma2 semaphore(%run_scoped3A_55 : memref<!tpu.dma_semaphore, #tpu.memory_space<semaphore_mem>>) src(%arg9 : memref<128x128xf32, #tpu.memory_space<vmem>>) dst(%dma_wait3A_66 : memref<128x128xf32, #tpu.memory_space<hbm>>)
      tpu.yield
    }) : () -> ()
    %add3A_43 = arith.constant 128 : i32
    %add3A_44 = arith.addi %mul3A_2, %add3A_43 : i32
    "tpu.region"() ({
      %run_scoped3A_55 = tpu.sem_alloc : memref<!tpu.dma_semaphore, #tpu.memory_space<semaphore_mem>>
      %dma_start3A = arith.constant 0 : i32
      %dma_start3A_56 = tpu.memref_slice %arg11[%add3A_44, %dma_start3A] : memref<10240x128xf32, #tpu.memory_space<vmem_shared>> -> memref<128x128xf32, #tpu.memory_space<vmem_shared>>
      %dma_start3A_57 = arith.constant 0 : i32
      %dma_start3A_58 = tpu.memref_slice %arg11[%add3A_44, %dma_start3A_57] : memref<10240x128xf32, #tpu.memory_space<vmem_shared>> -> memref<128x128xf32, #tpu.memory_space<vmem_shared>>
      tpu.enqueue_dma source(%dma_start3A_58 : memref<128x128xf32, #tpu.memory_space<vmem_shared>>) target(%arg9 : memref<128x128xf32, #tpu.memory_space<vmem>>) target_semaphore(%run_scoped3A_55 : memref<!tpu.dma_semaphore, #tpu.memory_space<semaphore_mem>>)
      %dma_wait3A_59 = arith.constant 0 : i32
      %dma_wait3A_60 = tpu.memref_slice %arg11[%add3A_44, %dma_wait3A_59] : memref<10240x128xf32, #tpu.memory_space<vmem_shared>> -> memref<128x128xf32, #tpu.memory_space<vmem_shared>>
      %dma_wait3A_61 = arith.constant 0 : i32
      %dma_wait3A_62 = tpu.memref_slice %arg11[%add3A_44, %dma_wait3A_61] : memref<10240x128xf32, #tpu.memory_space<vmem_shared>> -> memref<128x128xf32, #tpu.memory_space<vmem_shared>>
      tpu.wait_dma2 semaphore(%run_scoped3A_55 : memref<!tpu.dma_semaphore, #tpu.memory_space<semaphore_mem>>) src(%dma_wait3A_62 : memref<128x128xf32, #tpu.memory_space<vmem_shared>>) dst(%arg9 : memref<128x128xf32, #tpu.memory_space<vmem>>)
      tpu.yield
    }) : () -> ()
    %run_scoped3A_45 = arith.constant 0 : i32
    "tpu.region"() ({
      %run_scoped3A_55 = tpu.sem_alloc : memref<!tpu.dma_semaphore, #tpu.memory_space<semaphore_mem>>
      %dma_start3A = arith.constant 0 : i32
      %dma_start3A_56 = tpu.memref_slice %arg5[%run_scoped3A_45, %arg0, %add3A_44, %dma_start3A] : memref<1x2x10240x128xf32, #tpu.memory_space<hbm>> -> memref<1x1x128x128xf32, #tpu.memory_space<hbm>>
      %dma_start3A_57 = tpu.memref_squeeze %dma_start3A_56 : memref<1x1x128x128xf32, #tpu.memory_space<hbm>> -> memref<128x128xf32, #tpu.memory_space<hbm>>
      %dma_start3A_58 = arith.constant 0 : i32
      %dma_start3A_59 = tpu.memref_slice %arg5[%run_scoped3A_45, %arg0, %add3A_44, %dma_start3A_58] : memref<1x2x10240x128xf32, #tpu.memory_space<hbm>> -> memref<1x1x128x128xf32, #tpu.memory_space<hbm>>
      %dma_start3A_60 = tpu.memref_squeeze %dma_start3A_59 : memref<1x1x128x128xf32, #tpu.memory_space<hbm>> -> memref<128x128xf32, #tpu.memory_space<hbm>>
      tpu.enqueue_dma source(%arg9 : memref<128x128xf32, #tpu.memory_space<vmem>>) target(%dma_start3A_60 : memref<128x128xf32, #tpu.memory_space<hbm>>) target_semaphore(%run_scoped3A_55 : memref<!tpu.dma_semaphore, #tpu.memory_space<semaphore_mem>>)
      %dma_wait3A_61 = arith.constant 0 : i32
      %dma_wait3A_62 = tpu.memref_slice %arg5[%run_scoped3A_45, %arg0, %add3A_44, %dma_wait3A_61] : memref<1x2x10240x128xf32, #tpu.memory_space<hbm>> -> memref<1x1x128x128xf32, #tpu.memory_space<hbm>>
      %dma_wait3A_63 = tpu.memref_squeeze %dma_wait3A_62 : memref<1x1x128x128xf32, #tpu.memory_space<hbm>> -> memref<128x128xf32, #tpu.memory_space<hbm>>
      %dma_wait3A_64 = arith.constant 0 : i32
      %dma_wait3A_65 = tpu.memref_slice %arg5[%run_scoped3A_45, %arg0, %add3A_44, %dma_wait3A_64] : memref<1x2x10240x128xf32, #tpu.memory_space<hbm>> -> memref<1x1x128x128xf32, #tpu.memory_space<hbm>>
      %dma_wait3A_66 = tpu.memref_squeeze %dma_wait3A_65 : memref<1x1x128x128xf32, #tpu.memory_space<hbm>> -> memref<128x128xf32, #tpu.memory_space<hbm>>
      tpu.wait_dma2 semaphore(%run_scoped3A_55 : memref<!tpu.dma_semaphore, #tpu.memory_space<semaphore_mem>>) src(%arg9 : memref<128x128xf32, #tpu.memory_space<vmem>>) dst(%dma_wait3A_66 : memref<128x128xf32, #tpu.memory_space<hbm>>)
      tpu.yield
    }) : () -> ()
    %add3A_46 = arith.constant 256 : i32
    %add3A_47 = arith.addi %mul3A_2, %add3A_46 : i32
    "tpu.region"() ({
      %run_scoped3A_55 = tpu.sem_alloc : memref<!tpu.dma_semaphore, #tpu.memory_space<semaphore_mem>>
      %dma_start3A = arith.constant 0 : i32
      %dma_start3A_56 = tpu.memref_slice %arg11[%add3A_47, %dma_start3A] : memref<10240x128xf32, #tpu.memory_space<vmem_shared>> -> memref<128x128xf32, #tpu.memory_space<vmem_shared>>
      %dma_start3A_57 = arith.constant 0 : i32
      %dma_start3A_58 = tpu.memref_slice %arg11[%add3A_47, %dma_start3A_57] : memref<10240x128xf32, #tpu.memory_space<vmem_shared>> -> memref<128x128xf32, #tpu.memory_space<vmem_shared>>
      tpu.enqueue_dma source(%dma_start3A_58 : memref<128x128xf32, #tpu.memory_space<vmem_shared>>) target(%arg9 : memref<128x128xf32, #tpu.memory_space<vmem>>) target_semaphore(%run_scoped3A_55 : memref<!tpu.dma_semaphore, #tpu.memory_space<semaphore_mem>>)
      %dma_wait3A_59 = arith.constant 0 : i32
      %dma_wait3A_60 = tpu.memref_slice %arg11[%add3A_47, %dma_wait3A_59] : memref<10240x128xf32, #tpu.memory_space<vmem_shared>> -> memref<128x128xf32, #tpu.memory_space<vmem_shared>>
      %dma_wait3A_61 = arith.constant 0 : i32
      %dma_wait3A_62 = tpu.memref_slice %arg11[%add3A_47, %dma_wait3A_61] : memref<10240x128xf32, #tpu.memory_space<vmem_shared>> -> memref<128x128xf32, #tpu.memory_space<vmem_shared>>
      tpu.wait_dma2 semaphore(%run_scoped3A_55 : memref<!tpu.dma_semaphore, #tpu.memory_space<semaphore_mem>>) src(%dma_wait3A_62 : memref<128x128xf32, #tpu.memory_space<vmem_shared>>) dst(%arg9 : memref<128x128xf32, #tpu.memory_space<vmem>>)
      tpu.yield
    }) : () -> ()
    %run_scoped3A_48 = arith.constant 0 : i32
    "tpu.region"() ({
      %run_scoped3A_55 = tpu.sem_alloc : memref<!tpu.dma_semaphore, #tpu.memory_space<semaphore_mem>>
      %dma_start3A = arith.constant 0 : i32
      %dma_start3A_56 = tpu.memref_slice %arg5[%run_scoped3A_48, %arg0, %add3A_47, %dma_start3A] : memref<1x2x10240x128xf32, #tpu.memory_space<hbm>> -> memref<1x1x128x128xf32, #tpu.memory_space<hbm>>
      %dma_start3A_57 = tpu.memref_squeeze %dma_start3A_56 : memref<1x1x128x128xf32, #tpu.memory_space<hbm>> -> memref<128x128xf32, #tpu.memory_space<hbm>>
      %dma_start3A_58 = arith.constant 0 : i32
      %dma_start3A_59 = tpu.memref_slice %arg5[%run_scoped3A_48, %arg0, %add3A_47, %dma_start3A_58] : memref<1x2x10240x128xf32, #tpu.memory_space<hbm>> -> memref<1x1x128x128xf32, #tpu.memory_space<hbm>>
      %dma_start3A_60 = tpu.memref_squeeze %dma_start3A_59 : memref<1x1x128x128xf32, #tpu.memory_space<hbm>> -> memref<128x128xf32, #tpu.memory_space<hbm>>
      tpu.enqueue_dma source(%arg9 : memref<128x128xf32, #tpu.memory_space<vmem>>) target(%dma_start3A_60 : memref<128x128xf32, #tpu.memory_space<hbm>>) target_semaphore(%run_scoped3A_55 : memref<!tpu.dma_semaphore, #tpu.memory_space<semaphore_mem>>)
      %dma_wait3A_61 = arith.constant 0 : i32
      %dma_wait3A_62 = tpu.memref_slice %arg5[%run_scoped3A_48, %arg0, %add3A_47, %dma_wait3A_61] : memref<1x2x10240x128xf32, #tpu.memory_space<hbm>> -> memref<1x1x128x128xf32, #tpu.memory_space<hbm>>
      %dma_wait3A_63 = tpu.memref_squeeze %dma_wait3A_62 : memref<1x1x128x128xf32, #tpu.memory_space<hbm>> -> memref<128x128xf32, #tpu.memory_space<hbm>>
      %dma_wait3A_64 = arith.constant 0 : i32
      %dma_wait3A_65 = tpu.memref_slice %arg5[%run_scoped3A_48, %arg0, %add3A_47, %dma_wait3A_64] : memref<1x2x10240x128xf32, #tpu.memory_space<hbm>> -> memref<1x1x128x128xf32, #tpu.memory_space<hbm>>
      %dma_wait3A_66 = tpu.memref_squeeze %dma_wait3A_65 : memref<1x1x128x128xf32, #tpu.memory_space<hbm>> -> memref<128x128xf32, #tpu.memory_space<hbm>>
      tpu.wait_dma2 semaphore(%run_scoped3A_55 : memref<!tpu.dma_semaphore, #tpu.memory_space<semaphore_mem>>) src(%arg9 : memref<128x128xf32, #tpu.memory_space<vmem>>) dst(%dma_wait3A_66 : memref<128x128xf32, #tpu.memory_space<hbm>>)
      tpu.yield
    }) : () -> ()
    %add3A_49 = arith.constant 384 : i32
    %add3A_50 = arith.addi %mul3A_2, %add3A_49 : i32
    "tpu.region"() ({
      %run_scoped3A_55 = tpu.sem_alloc : memref<!tpu.dma_semaphore, #tpu.memory_space<semaphore_mem>>
      %dma_start3A = arith.constant 0 : i32
      %dma_start3A_56 = tpu.memref_slice %arg11[%add3A_50, %dma_start3A] : memref<10240x128xf32, #tpu.memory_space<vmem_shared>> -> memref<128x128xf32, #tpu.memory_space<vmem_shared>>
      %dma_start3A_57 = arith.constant 0 : i32
      %dma_start3A_58 = tpu.memref_slice %arg11[%add3A_50, %dma_start3A_57] : memref<10240x128xf32, #tpu.memory_space<vmem_shared>> -> memref<128x128xf32, #tpu.memory_space<vmem_shared>>
      tpu.enqueue_dma source(%dma_start3A_58 : memref<128x128xf32, #tpu.memory_space<vmem_shared>>) target(%arg9 : memref<128x128xf32, #tpu.memory_space<vmem>>) target_semaphore(%run_scoped3A_55 : memref<!tpu.dma_semaphore, #tpu.memory_space<semaphore_mem>>)
      %dma_wait3A_59 = arith.constant 0 : i32
      %dma_wait3A_60 = tpu.memref_slice %arg11[%add3A_50, %dma_wait3A_59] : memref<10240x128xf32, #tpu.memory_space<vmem_shared>> -> memref<128x128xf32, #tpu.memory_space<vmem_shared>>
      %dma_wait3A_61 = arith.constant 0 : i32
      %dma_wait3A_62 = tpu.memref_slice %arg11[%add3A_50, %dma_wait3A_61] : memref<10240x128xf32, #tpu.memory_space<vmem_shared>> -> memref<128x128xf32, #tpu.memory_space<vmem_shared>>
      tpu.wait_dma2 semaphore(%run_scoped3A_55 : memref<!tpu.dma_semaphore, #tpu.memory_space<semaphore_mem>>) src(%dma_wait3A_62 : memref<128x128xf32, #tpu.memory_space<vmem_shared>>) dst(%arg9 : memref<128x128xf32, #tpu.memory_space<vmem>>)
      tpu.yield
    }) : () -> ()
    %run_scoped3A_51 = arith.constant 0 : i32
    "tpu.region"() ({
      %run_scoped3A_55 = tpu.sem_alloc : memref<!tpu.dma_semaphore, #tpu.memory_space<semaphore_mem>>
      %dma_start3A = arith.constant 0 : i32
      %dma_start3A_56 = tpu.memref_slice %arg5[%run_scoped3A_51, %arg0, %add3A_50, %dma_start3A] : memref<1x2x10240x128xf32, #tpu.memory_space<hbm>> -> memref<1x1x128x128xf32, #tpu.memory_space<hbm>>
      %dma_start3A_57 = tpu.memref_squeeze %dma_start3A_56 : memref<1x1x128x128xf32, #tpu.memory_space<hbm>> -> memref<128x128xf32, #tpu.memory_space<hbm>>
      %dma_start3A_58 = arith.constant 0 : i32
      %dma_start3A_59 = tpu.memref_slice %arg5[%run_scoped3A_51, %arg0, %add3A_50, %dma_start3A_58] : memref<1x2x10240x128xf32, #tpu.memory_space<hbm>> -> memref<1x1x128x128xf32, #tpu.memory_space<hbm>>
      %dma_start3A_60 = tpu.memref_squeeze %dma_start3A_59 : memref<1x1x128x128xf32, #tpu.memory_space<hbm>> -> memref<128x128xf32, #tpu.memory_space<hbm>>
      tpu.enqueue_dma source(%arg9 : memref<128x128xf32, #tpu.memory_space<vmem>>) target(%dma_start3A_60 : memref<128x128xf32, #tpu.memory_space<hbm>>) target_semaphore(%run_scoped3A_55 : memref<!tpu.dma_semaphore, #tpu.memory_space<semaphore_mem>>)
      %dma_wait3A_61 = arith.constant 0 : i32
      %dma_wait3A_62 = tpu.memref_slice %arg5[%run_scoped3A_51, %arg0, %add3A_50, %dma_wait3A_61] : memref<1x2x10240x128xf32, #tpu.memory_space<hbm>> -> memref<1x1x128x128xf32, #tpu.memory_space<hbm>>
      %dma_wait3A_63 = tpu.memref_squeeze %dma_wait3A_62 : memref<1x1x128x128xf32, #tpu.memory_space<hbm>> -> memref<128x128xf32, #tpu.memory_space<hbm>>
      %dma_wait3A_64 = arith.constant 0 : i32
      %dma_wait3A_65 = tpu.memref_slice %arg5[%run_scoped3A_51, %arg0, %add3A_50, %dma_wait3A_64] : memref<1x2x10240x128xf32, #tpu.memory_space<hbm>> -> memref<1x1x128x128xf32, #tpu.memory_space<hbm>>
      %dma_wait3A_66 = tpu.memref_squeeze %dma_wait3A_65 : memref<1x1x128x128xf32, #tpu.memory_space<hbm>> -> memref<128x128xf32, #tpu.memory_space<hbm>>
      tpu.wait_dma2 semaphore(%run_scoped3A_55 : memref<!tpu.dma_semaphore, #tpu.memory_space<semaphore_mem>>) src(%arg9 : memref<128x128xf32, #tpu.memory_space<vmem>>) dst(%dma_wait3A_66 : memref<128x128xf32, #tpu.memory_space<hbm>>)
      tpu.yield
    }) : () -> ()
    %add3A_52 = arith.constant 512 : i32
    %add3A_53 = arith.addi %mul3A_2, %add3A_52 : i32
    "tpu.region"() ({
      %run_scoped3A_55 = tpu.sem_alloc : memref<!tpu.dma_semaphore, #tpu.memory_space<semaphore_mem>>
      %dma_start3A = arith.constant 0 : i32
      %dma_start3A_56 = tpu.memref_slice %arg11[%add3A_53, %dma_start3A] : memref<10240x128xf32, #tpu.memory_space<vmem_shared>> -> memref<128x128xf32, #tpu.memory_space<vmem_shared>>
      %dma_start3A_57 = arith.constant 0 : i32
      %dma_start3A_58 = tpu.memref_slice %arg11[%add3A_53, %dma_start3A_57] : memref<10240x128xf32, #tpu.memory_space<vmem_shared>> -> memref<128x128xf32, #tpu.memory_space<vmem_shared>>
      tpu.enqueue_dma source(%dma_start3A_58 : memref<128x128xf32, #tpu.memory_space<vmem_shared>>) target(%arg9 : memref<128x128xf32, #tpu.memory_space<vmem>>) target_semaphore(%run_scoped3A_55 : memref<!tpu.dma_semaphore, #tpu.memory_space<semaphore_mem>>)
      %dma_wait3A_59 = arith.constant 0 : i32
      %dma_wait3A_60 = tpu.memref_slice %arg11[%add3A_53, %dma_wait3A_59] : memref<10240x128xf32, #tpu.memory_space<vmem_shared>> -> memref<128x128xf32, #tpu.memory_space<vmem_shared>>
      %dma_wait3A_61 = arith.constant 0 : i32
      %dma_wait3A_62 = tpu.memref_slice %arg11[%add3A_53, %dma_wait3A_61] : memref<10240x128xf32, #tpu.memory_space<vmem_shared>> -> memref<128x128xf32, #tpu.memory_space<vmem_shared>>
      tpu.wait_dma2 semaphore(%run_scoped3A_55 : memref<!tpu.dma_semaphore, #tpu.memory_space<semaphore_mem>>) src(%dma_wait3A_62 : memref<128x128xf32, #tpu.memory_space<vmem_shared>>) dst(%arg9 : memref<128x128xf32, #tpu.memory_space<vmem>>)
      tpu.yield
    }) : () -> ()
    %run_scoped3A_54 = arith.constant 0 : i32
    "tpu.region"() ({
      %run_scoped3A_55 = tpu.sem_alloc : memref<!tpu.dma_semaphore, #tpu.memory_space<semaphore_mem>>
      %dma_start3A = arith.constant 0 : i32
      %dma_start3A_56 = tpu.memref_slice %arg5[%run_scoped3A_54, %arg0, %add3A_53, %dma_start3A] : memref<1x2x10240x128xf32, #tpu.memory_space<hbm>> -> memref<1x1x128x128xf32, #tpu.memory_space<hbm>>
      %dma_start3A_57 = tpu.memref_squeeze %dma_start3A_56 : memref<1x1x128x128xf32, #tpu.memory_space<hbm>> -> memref<128x128xf32, #tpu.memory_space<hbm>>
      %dma_start3A_58 = arith.constant 0 : i32
      %dma_start3A_59 = tpu.memref_slice %arg5[%run_scoped3A_54, %arg0, %add3A_53, %dma_start3A_58] : memref<1x2x10240x128xf32, #tpu.memory_space<hbm>> -> memref<1x1x128x128xf32, #tpu.memory_space<hbm>>
      %dma_start3A_60 = tpu.memref_squeeze %dma_start3A_59 : memref<1x1x128x128xf32, #tpu.memory_space<hbm>> -> memref<128x128xf32, #tpu.memory_space<hbm>>
      tpu.enqueue_dma source(%arg9 : memref<128x128xf32, #tpu.memory_space<vmem>>) target(%dma_start3A_60 : memref<128x128xf32, #tpu.memory_space<hbm>>) target_semaphore(%run_scoped3A_55 : memref<!tpu.dma_semaphore, #tpu.memory_space<semaphore_mem>>)
      %dma_wait3A_61 = arith.constant 0 : i32
      %dma_wait3A_62 = tpu.memref_slice %arg5[%run_scoped3A_54, %arg0, %add3A_53, %dma_wait3A_61] : memref<1x2x10240x128xf32, #tpu.memory_space<hbm>> -> memref<1x1x128x128xf32, #tpu.memory_space<hbm>>
      %dma_wait3A_63 = tpu.memref_squeeze %dma_wait3A_62 : memref<1x1x128x128xf32, #tpu.memory_space<hbm>> -> memref<128x128xf32, #tpu.memory_space<hbm>>
      %dma_wait3A_64 = arith.constant 0 : i32
      %dma_wait3A_65 = tpu.memref_slice %arg5[%run_scoped3A_54, %arg0, %add3A_53, %dma_wait3A_64] : memref<1x2x10240x128xf32, #tpu.memory_space<hbm>> -> memref<1x1x128x128xf32, #tpu.memory_space<hbm>>
      %dma_wait3A_66 = tpu.memref_squeeze %dma_wait3A_65 : memref<1x1x128x128xf32, #tpu.memory_space<hbm>> -> memref<128x128xf32, #tpu.memory_space<hbm>>
      tpu.wait_dma2 semaphore(%run_scoped3A_55 : memref<!tpu.dma_semaphore, #tpu.memory_space<semaphore_mem>>) src(%arg9 : memref<128x128xf32, #tpu.memory_space<vmem>>) dst(%dma_wait3A_66 : memref<128x128xf32, #tpu.memory_space<hbm>>)
      tpu.yield
    }) : () -> ()
    return
  }
}

#map = affine_map<(d0, d1) -> (0, 0)>
#map1 = affine_map<(d0, d1) -> (0)>
#map2 = affine_map<(d0, d1) -> (0, 0, 0, 0)>
module attributes {stable_mosaic.version = 14 : i64} {
  func.func @body(%arg0: i32, %arg1: i32, %arg2: memref<10240x128xf32, #tpu.memory_space<hbm>>, %arg3: memref<320000xi32, #tpu.memory_space<hbm>>, %arg4: memref<320000xi32, #tpu.memory_space<hbm>>, %arg5: memref<1x2x10240x128xf32, #tpu.memory_space<hbm>>, %arg6: memref<128xi32, #tpu.memory_space<vmem>>, %arg7: memref<128xi32, #tpu.memory_space<vmem>>, %arg8: memref<128xi32, #tpu.memory_space<vmem>>, %arg9: memref<128x128xf32, #tpu.memory_space<vmem>>, %arg10: memref<128x128xf32, #tpu.memory_space<vmem>>, %arg11: memref<10240x128xf32, #tpu.memory_space<vmem_shared>>, %arg12: memref<!tpu.dma_semaphore, #tpu.memory_space<semaphore_mem>>, %arg13: memref<!tpu.dma_semaphore, #tpu.memory_space<semaphore_mem>>, %arg14: memref<!tpu.dma_semaphore, #tpu.memory_space<semaphore_mem>>, %arg15: memref<!tpu.dma_semaphore, #tpu.memory_space<semaphore_mem>>) attributes {dimension_semantics = [#tpu.dimension_semantics<core_parallel>, #tpu.dimension_semantics<subcore_parallel>], iteration_bounds = array<i64: 2, 16>, scalar_prefetch = 0 : i64, scratch_operands = 10 : i64, tpu.core_type = #tpu.core_type<sc_vector_subcore>, window_params = [{transform_indices = #map}, {transform_indices = #map1}, {transform_indices = #map1}, {transform_indices = #map2}]} {
    %mul3A = arith.constant 2 : i32
    %mul3A_0 = arith.muli %arg1, %mul3A : i32
    %add3A = arith.addi %mul3A_0, %arg0 : i32
    %mul3A_1 = arith.constant 640 : i32
    %mul3A_2 = arith.muli %arg1, %mul3A_1 : i32
    %lt3A = arith.constant 4 : i32
    %lt3A_3 = arith.cmpi slt, %add3A, %lt3A : i32
    %jit3A = arith.constant 1 : i32
    %jit3A_4 = arith.constant 0 : i32
    %select_n3A = arith.select %lt3A_3, %jit3A, %jit3A_4 : i32
    %add3A_5 = arith.constant 78 : i32
    %add3A_6 = arith.addi %add3A_5, %select_n3A : i32
    %broadcast_in_dim3A = arith.constant 0.000000e+00 : f32
    %broadcast_in_dim3A_7 = vector.broadcast %broadcast_in_dim3A : f32 to vector<16xf32>
    %scan3A = arith.constant 0 : i32
    %scan3A_8 = arith.constant 0 : i32
    %scan3A_9 = arith.constant 128 : i32
    %scan3A_10 = arith.addi %scan3A_8, %scan3A_9 : i32
    %scan3A_11 = arith.constant 1 : i32
    %scan3A_12 = scf.for %scan3A_55 = %scan3A_8 to %scan3A_10 step %scan3A_11 iter_args(%scan3A_56 = %scan3A) -> (i32)  : i32 {
      %scan3A_57 = arith.constant 0 : i32
      %scan3A_58 = arith.constant 0 : i32
      %scan3A_59 = arith.constant 8 : i32
      %scan3A_60 = arith.addi %scan3A_58, %scan3A_59 : i32
      %scan3A_61 = arith.constant 1 : i32
      %scan3A_62 = scf.for %scan3A_65 = %scan3A_58 to %scan3A_60 step %scan3A_61 iter_args(%scan3A_66 = %scan3A_57) -> (i32)  : i32 {
        %mul3A_67 = arith.constant 16 : i32
        %mul3A_68 = arith.muli %scan3A_65, %mul3A_67 : i32
        %swap3A = arith.index_cast %scan3A_55 : i32 to index
        %swap3A_69 = arith.index_cast %mul3A_68 : i32 to index
        %swap3A_70 = tpu.vector_load %arg9[%swap3A, %swap3A_69] {strides = array<i32>} : memref<128x128xf32, #tpu.memory_space<vmem>>, vector<1x16xf32>,
        %swap3A_71 = vector.shape_cast %swap3A_70 : vector<1x16xf32> to vector<16xf32>
        %swap3A_72 = vector.shape_cast %broadcast_in_dim3A_7 : vector<16xf32> to vector<1x16xf32>
        tpu.vector_store %arg9[%swap3A, %swap3A_69], %swap3A_72 {strides = array<i32>} : memref<128x128xf32, #tpu.memory_space<vmem>>, vector<1x16xf32>,
        %scan3A_73 = arith.constant 0 : i32
        scf.yield %scan3A_73 : i32
      }
      %scan3A_63 = arith.constant 8 : i32
      %scan3A_64 = arith.constant 0 : i32
      scf.yield %scan3A_64 : i32
    }
    %scan3A_13 = arith.constant 128 : i32
    %add3A_14 = arith.constant 0 : i32
    %add3A_15 = arith.addi %mul3A_2, %add3A_14 : i32
    "tpu.region"() ({
      %run_scoped3A_55 = tpu.sem_alloc : memref<!tpu.dma_semaphore, #tpu.memory_space<semaphore_mem>>
      %dma_start3A = arith.constant 0 : i32
      %dma_start3A_56 = tpu.memref_slice %arg11[%add3A_15, %dma_start3A] : memref<10240x128xf32, #tpu.memory_space<vmem_shared>> -> memref<128x128xf32, #tpu.memory_space<vmem_shared>>
      %dma_start3A_57 = arith.constant 0 : i32
      %dma_start3A_58 = tpu.memref_slice %arg11[%add3A_15, %dma_start3A_57] : memref<10240x128xf32, #tpu.memory_space<vmem_shared>> -> memref<128x128xf32, #tpu.memory_space<vmem_shared>>
      tpu.enqueue_dma source(%arg9 : memref<128x128xf32, #tpu.memory_space<vmem>>) target(%dma_start3A_58 : memref<128x128xf32, #tpu.memory_space<vmem_shared>>) target_semaphore(%run_scoped3A_55 : memref<!tpu.dma_semaphore, #tpu.memory_space<semaphore_mem>>)
      %dma_wait3A_59 = arith.constant 0 : i32
      %dma_wait3A_60 = tpu.memref_slice %arg11[%add3A_15, %dma_wait3A_59] : memref<10240x128xf32, #tpu.memory_space<vmem_shared>> -> memref<128x128xf32, #tpu.memory_space<vmem_shared>>
      %dma_wait3A_61 = arith.constant 0 : i32
      %dma_wait3A_62 = tpu.memref_slice %arg11[%add3A_15, %dma_wait3A_61] : memref<10240x128xf32, #tpu.memory_space<vmem_shared>> -> memref<128x128xf32, #tpu.memory_space<vmem_shared>>
      tpu.wait_dma2 semaphore(%run_scoped3A_55 : memref<!tpu.dma_semaphore, #tpu.memory_space<semaphore_mem>>) src(%arg9 : memref<128x128xf32, #tpu.memory_space<vmem>>) dst(%dma_wait3A_62 : memref<128x128xf32, #tpu.memory_space<vmem_shared>>)
      tpu.yield
    }) : () -> ()
    %add3A_16 = arith.constant 128 : i32
    %add3A_17 = arith.addi %mul3A_2, %add3A_16 : i32
    "tpu.region"() ({
      %run_scoped3A_55 = tpu.sem_alloc : memref<!tpu.dma_semaphore, #tpu.memory_space<semaphore_mem>>
      %dma_start3A = arith.constant 0 : i32
      %dma_start3A_56 = tpu.memref_slice %arg11[%add3A_17, %dma_start3A] : memref<10240x128xf32, #tpu.memory_space<vmem_shared>> -> memref<128x128xf32, #tpu.memory_space<vmem_shared>>
      %dma_start3A_57 = arith.constant 0 : i32
      %dma_start3A_58 = tpu.memref_slice %arg11[%add3A_17, %dma_start3A_57] : memref<10240x128xf32, #tpu.memory_space<vmem_shared>> -> memref<128x128xf32, #tpu.memory_space<vmem_shared>>
      tpu.enqueue_dma source(%arg9 : memref<128x128xf32, #tpu.memory_space<vmem>>) target(%dma_start3A_58 : memref<128x128xf32, #tpu.memory_space<vmem_shared>>) target_semaphore(%run_scoped3A_55 : memref<!tpu.dma_semaphore, #tpu.memory_space<semaphore_mem>>)
      %dma_wait3A_59 = arith.constant 0 : i32
      %dma_wait3A_60 = tpu.memref_slice %arg11[%add3A_17, %dma_wait3A_59] : memref<10240x128xf32, #tpu.memory_space<vmem_shared>> -> memref<128x128xf32, #tpu.memory_space<vmem_shared>>
      %dma_wait3A_61 = arith.constant 0 : i32
      %dma_wait3A_62 = tpu.memref_slice %arg11[%add3A_17, %dma_wait3A_61] : memref<10240x128xf32, #tpu.memory_space<vmem_shared>> -> memref<128x128xf32, #tpu.memory_space<vmem_shared>>
      tpu.wait_dma2 semaphore(%run_scoped3A_55 : memref<!tpu.dma_semaphore, #tpu.memory_space<semaphore_mem>>) src(%arg9 : memref<128x128xf32, #tpu.memory_space<vmem>>) dst(%dma_wait3A_62 : memref<128x128xf32, #tpu.memory_space<vmem_shared>>)
      tpu.yield
    }) : () -> ()
    %add3A_18 = arith.constant 256 : i32
    %add3A_19 = arith.addi %mul3A_2, %add3A_18 : i32
    "tpu.region"() ({
      %run_scoped3A_55 = tpu.sem_alloc : memref<!tpu.dma_semaphore, #tpu.memory_space<semaphore_mem>>
      %dma_start3A = arith.constant 0 : i32
      %dma_start3A_56 = tpu.memref_slice %arg11[%add3A_19, %dma_start3A] : memref<10240x128xf32, #tpu.memory_space<vmem_shared>> -> memref<128x128xf32, #tpu.memory_space<vmem_shared>>
      %dma_start3A_57 = arith.constant 0 : i32
      %dma_start3A_58 = tpu.memref_slice %arg11[%add3A_19, %dma_start3A_57] : memref<10240x128xf32, #tpu.memory_space<vmem_shared>> -> memref<128x128xf32, #tpu.memory_space<vmem_shared>>
      tpu.enqueue_dma source(%arg9 : memref<128x128xf32, #tpu.memory_space<vmem>>) target(%dma_start3A_58 : memref<128x128xf32, #tpu.memory_space<vmem_shared>>) target_semaphore(%run_scoped3A_55 : memref<!tpu.dma_semaphore, #tpu.memory_space<semaphore_mem>>)
      %dma_wait3A_59 = arith.constant 0 : i32
      %dma_wait3A_60 = tpu.memref_slice %arg11[%add3A_19, %dma_wait3A_59] : memref<10240x128xf32, #tpu.memory_space<vmem_shared>> -> memref<128x128xf32, #tpu.memory_space<vmem_shared>>
      %dma_wait3A_61 = arith.constant 0 : i32
      %dma_wait3A_62 = tpu.memref_slice %arg11[%add3A_19, %dma_wait3A_61] : memref<10240x128xf32, #tpu.memory_space<vmem_shared>> -> memref<128x128xf32, #tpu.memory_space<vmem_shared>>
      tpu.wait_dma2 semaphore(%run_scoped3A_55 : memref<!tpu.dma_semaphore, #tpu.memory_space<semaphore_mem>>) src(%arg9 : memref<128x128xf32, #tpu.memory_space<vmem>>) dst(%dma_wait3A_62 : memref<128x128xf32, #tpu.memory_space<vmem_shared>>)
      tpu.yield
    }) : () -> ()
    %add3A_20 = arith.constant 384 : i32
    %add3A_21 = arith.addi %mul3A_2, %add3A_20 : i32
    "tpu.region"() ({
      %run_scoped3A_55 = tpu.sem_alloc : memref<!tpu.dma_semaphore, #tpu.memory_space<semaphore_mem>>
      %dma_start3A = arith.constant 0 : i32
      %dma_start3A_56 = tpu.memref_slice %arg11[%add3A_21, %dma_start3A] : memref<10240x128xf32, #tpu.memory_space<vmem_shared>> -> memref<128x128xf32, #tpu.memory_space<vmem_shared>>
      %dma_start3A_57 = arith.constant 0 : i32
      %dma_start3A_58 = tpu.memref_slice %arg11[%add3A_21, %dma_start3A_57] : memref<10240x128xf32, #tpu.memory_space<vmem_shared>> -> memref<128x128xf32, #tpu.memory_space<vmem_shared>>
      tpu.enqueue_dma source(%arg9 : memref<128x128xf32, #tpu.memory_space<vmem>>) target(%dma_start3A_58 : memref<128x128xf32, #tpu.memory_space<vmem_shared>>) target_semaphore(%run_scoped3A_55 : memref<!tpu.dma_semaphore, #tpu.memory_space<semaphore_mem>>)
      %dma_wait3A_59 = arith.constant 0 : i32
      %dma_wait3A_60 = tpu.memref_slice %arg11[%add3A_21, %dma_wait3A_59] : memref<10240x128xf32, #tpu.memory_space<vmem_shared>> -> memref<128x128xf32, #tpu.memory_space<vmem_shared>>
      %dma_wait3A_61 = arith.constant 0 : i32
      %dma_wait3A_62 = tpu.memref_slice %arg11[%add3A_21, %dma_wait3A_61] : memref<10240x128xf32, #tpu.memory_space<vmem_shared>> -> memref<128x128xf32, #tpu.memory_space<vmem_shared>>
      tpu.wait_dma2 semaphore(%run_scoped3A_55 : memref<!tpu.dma_semaphore, #tpu.memory_space<semaphore_mem>>) src(%arg9 : memref<128x128xf32, #tpu.memory_space<vmem>>) dst(%dma_wait3A_62 : memref<128x128xf32, #tpu.memory_space<vmem_shared>>)
      tpu.yield
    }) : () -> ()
    %add3A_22 = arith.constant 512 : i32
    %add3A_23 = arith.addi %mul3A_2, %add3A_22 : i32
    "tpu.region"() ({
      %run_scoped3A_55 = tpu.sem_alloc : memref<!tpu.dma_semaphore, #tpu.memory_space<semaphore_mem>>
      %dma_start3A = arith.constant 0 : i32
      %dma_start3A_56 = tpu.memref_slice %arg11[%add3A_23, %dma_start3A] : memref<10240x128xf32, #tpu.memory_space<vmem_shared>> -> memref<128x128xf32, #tpu.memory_space<vmem_shared>>
      %dma_start3A_57 = arith.constant 0 : i32
      %dma_start3A_58 = tpu.memref_slice %arg11[%add3A_23, %dma_start3A_57] : memref<10240x128xf32, #tpu.memory_space<vmem_shared>> -> memref<128x128xf32, #tpu.memory_space<vmem_shared>>
      tpu.enqueue_dma source(%arg9 : memref<128x128xf32, #tpu.memory_space<vmem>>) target(%dma_start3A_58 : memref<128x128xf32, #tpu.memory_space<vmem_shared>>) target_semaphore(%run_scoped3A_55 : memref<!tpu.dma_semaphore, #tpu.memory_space<semaphore_mem>>)
      %dma_wait3A_59 = arith.constant 0 : i32
      %dma_wait3A_60 = tpu.memref_slice %arg11[%add3A_23, %dma_wait3A_59] : memref<10240x128xf32, #tpu.memory_space<vmem_shared>> -> memref<128x128xf32, #tpu.memory_space<vmem_shared>>
      %dma_wait3A_61 = arith.constant 0 : i32
      %dma_wait3A_62 = tpu.memref_slice %arg11[%add3A_23, %dma_wait3A_61] : memref<10240x128xf32, #tpu.memory_space<vmem_shared>> -> memref<128x128xf32, #tpu.memory_space<vmem_shared>>
      tpu.wait_dma2 semaphore(%run_scoped3A_55 : memref<!tpu.dma_semaphore, #tpu.memory_space<semaphore_mem>>) src(%arg9 : memref<128x128xf32, #tpu.memory_space<vmem>>) dst(%dma_wait3A_62 : memref<128x128xf32, #tpu.memory_space<vmem_shared>>)
      tpu.yield
    }) : () -> ()
    %barrier3A = arith.constant 0 : index
    tpu.barrier barrier_id(%barrier3A)
    %while3A = arith.constant 0 : i32
    %while3A_24 = arith.constant 0 : i32
    %while3A_25 = arith.subi %add3A_6, %while3A : i32
    %while3A_26 = arith.addi %while3A, %while3A_25 : i32
    %while3A_27 = arith.constant 1 : i32
    %while3A_28 = arith.divsi %while3A_25, %while3A_27 : i32
    %while3A_29 = arith.muli %while3A_28, %while3A_27 : i32
    %while3A_30 = arith.addi %while3A, %while3A_29 : i32
    %while3A_31 = arith.constant 1 : i32
    %while3A_32 = scf.for %while3A_55 = %while3A to %while3A_30 step %while3A_31 iter_args(%while3A_56 = %while3A_24) -> (i32)  : i32 {
      %jit3A_57 = arith.constant 2 : i32
      %eq3A = arith.constant 0 : i32
      %eq3A_58 = arith.cmpi eq, %jit3A_57, %eq3A : i32
      %jit3A_59 = arith.constant 1 : i32
      %select_n3A_60 = arith.select %eq3A_58, %jit3A_59, %jit3A_57 : i32
      %rem3A = arith.remsi %while3A_55, %select_n3A_60 : i32
      %ne3A = arith.constant 0 : i32
      %ne3A_61 = arith.cmpi ne, %rem3A, %ne3A : i32
      %lt3A_62 = arith.constant 0 : i32
      %lt3A_63 = arith.cmpi slt, %rem3A, %lt3A_62 : i32
      %lt3A_64 = arith.constant 0 : i32
      %lt3A_65 = arith.cmpi slt, %select_n3A_60, %lt3A_64 : i32
      %ne3A_66 = arith.xori %lt3A_63, %lt3A_65 : i1
      %and3A = arith.andi %ne3A_66, %ne3A_61 : i1
      %add3A_67 = arith.addi %rem3A, %select_n3A_60 : i32
      %select_n3A_68 = arith.select %and3A, %add3A_67, %rem3A : i32
      %eq3A_69 = arith.constant 0 : i32
      %eq3A_70 = arith.cmpi eq, %select_n3A_68, %eq3A_69 : i32
      %convert_element_type3A = arith.extui %eq3A_70 : i1 to i32
      %cond3A = arith.constant 0 : i32
      %cond3A_71 = arith.cmpi ne, %convert_element_type3A, %cond3A : i32
      scf.if %cond3A_71 {
        %mul3A_94 = arith.constant 32 : i32
        %mul3A_95 = arith.muli %while3A_55, %mul3A_94 : i32
        %add3A_96 = arith.addi %mul3A_95, %add3A : i32
        %mul3A_97 = arith.constant 128 : i32
        %mul3A_98 = arith.muli %add3A_96, %mul3A_97 : i32
        %dma_start3A = tpu.memref_slice %arg3[%mul3A_98] : memref<320000xi32, #tpu.memory_space<hbm>> -> memref<128xi32, #tpu.memory_space<hbm>>
        %dma_start3A_99 = tpu.memref_slice %arg3[%mul3A_98] : memref<320000xi32, #tpu.memory_space<hbm>> -> memref<128xi32, #tpu.memory_space<hbm>>
        tpu.enqueue_dma source(%dma_start3A_99 : memref<128xi32, #tpu.memory_space<hbm>>) target(%arg6 : memref<128xi32, #tpu.memory_space<vmem>>) target_semaphore(%arg12 : memref<!tpu.dma_semaphore, #tpu.memory_space<semaphore_mem>>)
        %ge3A = arith.constant 2 : i32
        %ge3A_100 = arith.cmpi sge, %while3A_55, %ge3A : i32
        %convert_element_type3A_101 = arith.extui %ge3A_100 : i1 to i32
        %cond3A_102 = arith.constant 0 : i32
        %cond3A_103 = arith.cmpi ne, %convert_element_type3A_101, %cond3A_102 : i32
        scf.if %cond3A_103 {
          %dma_wait3A_119 = arith.constant 0 : i32
          %dma_wait3A_120 = arith.constant 0 : i32
          %dma_wait3A_121 = tpu.memref_slice %arg11[%dma_wait3A_119, %dma_wait3A_120] : memref<10240x128xf32, #tpu.memory_space<vmem_shared>> -> memref<10240x128xf32, #tpu.memory_space<vmem_shared>>
          tpu.wait_indirect_dma semaphore(%arg14 : memref<!tpu.dma_semaphore, #tpu.memory_space<semaphore_mem>>) src(%arg9 : memref<128x128xf32, #tpu.memory_space<vmem>>) dst(%dma_wait3A_121 : memref<10240x128xf32, #tpu.memory_space<vmem_shared>>)
        } else {
        }
        %dma_start3A_104 = tpu.memref_slice %arg4[%mul3A_98] : memref<320000xi32, #tpu.memory_space<hbm>> -> memref<128xi32, #tpu.memory_space<hbm>>
        %dma_start3A_105 = tpu.memref_slice %arg4[%mul3A_98] : memref<320000xi32, #tpu.memory_space<hbm>> -> memref<128xi32, #tpu.memory_space<hbm>>
        tpu.enqueue_dma source(%dma_start3A_105 : memref<128xi32, #tpu.memory_space<hbm>>) target(%arg7 : memref<128xi32, #tpu.memory_space<vmem>>) target_semaphore(%arg12 : memref<!tpu.dma_semaphore, #tpu.memory_space<semaphore_mem>>)
        %dma_wait3A_106 = tpu.memref_slice %arg3[%mul3A_98] : memref<320000xi32, #tpu.memory_space<hbm>> -> memref<128xi32, #tpu.memory_space<hbm>>
        %dma_wait3A_107 = tpu.memref_slice %arg3[%mul3A_98] : memref<320000xi32, #tpu.memory_space<hbm>> -> memref<128xi32, #tpu.memory_space<hbm>>
        tpu.wait_dma2 semaphore(%arg12 : memref<!tpu.dma_semaphore, #tpu.memory_space<semaphore_mem>>) src(%dma_wait3A_107 : memref<128xi32, #tpu.memory_space<hbm>>) dst(%arg6 : memref<128xi32, #tpu.memory_space<vmem>>)
        %dma_start3A_108 = arith.constant 0 : i32
        %dma_start3A_109 = arith.constant 0 : i32
        %dma_start3A_110 = tpu.memref_slice %arg2[%dma_start3A_108, %dma_start3A_109] : memref<10240x128xf32, #tpu.memory_space<hbm>> -> memref<10240x128xf32, #tpu.memory_space<hbm>>
        tpu.enqueue_indirect_dma source(%dma_start3A_110 : memref<10240x128xf32, #tpu.memory_space<hbm>>) target(%arg9 : memref<128x128xf32, #tpu.memory_space<vmem>>) offsets(%arg6 : memref<128xi32, #tpu.memory_space<vmem>>) semaphore(%arg13 : memref<!tpu.dma_semaphore, #tpu.memory_space<semaphore_mem>>)
        %dma_wait3A_111 = arith.constant 0 : i32
        %dma_wait3A_112 = arith.constant 0 : i32
        %dma_wait3A_113 = tpu.memref_slice %arg2[%dma_wait3A_111, %dma_wait3A_112] : memref<10240x128xf32, #tpu.memory_space<hbm>> -> memref<10240x128xf32, #tpu.memory_space<hbm>>
        tpu.wait_indirect_dma semaphore(%arg13 : memref<!tpu.dma_semaphore, #tpu.memory_space<semaphore_mem>>) src(%dma_wait3A_113 : memref<10240x128xf32, #tpu.memory_space<hbm>>) dst(%arg9 : memref<128x128xf32, #tpu.memory_space<vmem>>)
        %dma_wait3A_114 = tpu.memref_slice %arg4[%mul3A_98] : memref<320000xi32, #tpu.memory_space<hbm>> -> memref<128xi32, #tpu.memory_space<hbm>>
        %dma_wait3A_115 = tpu.memref_slice %arg4[%mul3A_98] : memref<320000xi32, #tpu.memory_space<hbm>> -> memref<128xi32, #tpu.memory_space<hbm>>
        tpu.wait_dma2 semaphore(%arg12 : memref<!tpu.dma_semaphore, #tpu.memory_space<semaphore_mem>>) src(%dma_wait3A_115 : memref<128xi32, #tpu.memory_space<hbm>>) dst(%arg7 : memref<128xi32, #tpu.memory_space<vmem>>)
        %dma_start3A_116 = arith.constant 0 : i32
        %dma_start3A_117 = arith.constant 0 : i32
        %dma_start3A_118 = tpu.memref_slice %arg11[%dma_start3A_116, %dma_start3A_117] : memref<10240x128xf32, #tpu.memory_space<vmem_shared>> -> memref<10240x128xf32, #tpu.memory_space<vmem_shared>>
        tpu.enqueue_indirect_dma source(%arg9 : memref<128x128xf32, #tpu.memory_space<vmem>>) target(%dma_start3A_118 : memref<10240x128xf32, #tpu.memory_space<vmem_shared>>) offsets(%arg7 : memref<128xi32, #tpu.memory_space<vmem>>) semaphore(%arg14 : memref<!tpu.dma_semaphore, #tpu.memory_space<semaphore_mem>>) {add = true}
      } else {
      }
      %jit3A_72 = arith.constant 2 : i32
      %eq3A_73 = arith.constant 0 : i32
      %eq3A_74 = arith.cmpi eq, %jit3A_72, %eq3A_73 : i32
      %jit3A_75 = arith.constant 1 : i32
      %select_n3A_76 = arith.select %eq3A_74, %jit3A_75, %jit3A_72 : i32
      %rem3A_77 = arith.remsi %while3A_55, %select_n3A_76 : i32
      %ne3A_78 = arith.constant 0 : i32
      %ne3A_79 = arith.cmpi ne, %rem3A_77, %ne3A_78 : i32
      %lt3A_80 = arith.constant 0 : i32
      %lt3A_81 = arith.cmpi slt, %rem3A_77, %lt3A_80 : i32
      %lt3A_82 = arith.constant 0 : i32
      %lt3A_83 = arith.cmpi slt, %select_n3A_76, %lt3A_82 : i32
      %ne3A_84 = arith.xori %lt3A_81, %lt3A_83 : i1
      %and3A_85 = arith.andi %ne3A_84, %ne3A_79 : i1
      %add3A_86 = arith.addi %rem3A_77, %select_n3A_76 : i32
      %select_n3A_87 = arith.select %and3A_85, %add3A_86, %rem3A_77 : i32
      %eq3A_88 = arith.constant 1 : i32
      %eq3A_89 = arith.cmpi eq, %select_n3A_87, %eq3A_88 : i32
      %convert_element_type3A_90 = arith.extui %eq3A_89 : i1 to i32
      %cond3A_91 = arith.constant 0 : i32
      %cond3A_92 = arith.cmpi ne, %convert_element_type3A_90, %cond3A_91 : i32
      scf.if %cond3A_92 {
        %mul3A_94 = arith.constant 32 : i32
        %mul3A_95 = arith.muli %while3A_55, %mul3A_94 : i32
        %add3A_96 = arith.addi %mul3A_95, %add3A : i32
        %mul3A_97 = arith.constant 128 : i32
        %mul3A_98 = arith.muli %add3A_96, %mul3A_97 : i32
        %dma_start3A = tpu.memref_slice %arg3[%mul3A_98] : memref<320000xi32, #tpu.memory_space<hbm>> -> memref<128xi32, #tpu.memory_space<hbm>>
        %dma_start3A_99 = tpu.memref_slice %arg3[%mul3A_98] : memref<320000xi32, #tpu.memory_space<hbm>> -> memref<128xi32, #tpu.memory_space<hbm>>
        tpu.enqueue_dma source(%dma_start3A_99 : memref<128xi32, #tpu.memory_space<hbm>>) target(%arg6 : memref<128xi32, #tpu.memory_space<vmem>>) target_semaphore(%arg12 : memref<!tpu.dma_semaphore, #tpu.memory_space<semaphore_mem>>)
        %ge3A = arith.constant 2 : i32
        %ge3A_100 = arith.cmpi sge, %while3A_55, %ge3A : i32
        %convert_element_type3A_101 = arith.extui %ge3A_100 : i1 to i32
        %cond3A_102 = arith.constant 0 : i32
        %cond3A_103 = arith.cmpi ne, %convert_element_type3A_101, %cond3A_102 : i32
        scf.if %cond3A_103 {
          %dma_wait3A_119 = arith.constant 0 : i32
          %dma_wait3A_120 = arith.constant 0 : i32
          %dma_wait3A_121 = tpu.memref_slice %arg11[%dma_wait3A_119, %dma_wait3A_120] : memref<10240x128xf32, #tpu.memory_space<vmem_shared>> -> memref<10240x128xf32, #tpu.memory_space<vmem_shared>>
          tpu.wait_indirect_dma semaphore(%arg15 : memref<!tpu.dma_semaphore, #tpu.memory_space<semaphore_mem>>) src(%arg10 : memref<128x128xf32, #tpu.memory_space<vmem>>) dst(%dma_wait3A_121 : memref<10240x128xf32, #tpu.memory_space<vmem_shared>>)
        } else {
        }
        %dma_start3A_104 = tpu.memref_slice %arg4[%mul3A_98] : memref<320000xi32, #tpu.memory_space<hbm>> -> memref<128xi32, #tpu.memory_space<hbm>>
        %dma_start3A_105 = tpu.memref_slice %arg4[%mul3A_98] : memref<320000xi32, #tpu.memory_space<hbm>> -> memref<128xi32, #tpu.memory_space<hbm>>
        tpu.enqueue_dma source(%dma_start3A_105 : memref<128xi32, #tpu.memory_space<hbm>>) target(%arg8 : memref<128xi32, #tpu.memory_space<vmem>>) target_semaphore(%arg12 : memref<!tpu.dma_semaphore, #tpu.memory_space<semaphore_mem>>)
        %dma_wait3A_106 = tpu.memref_slice %arg3[%mul3A_98] : memref<320000xi32, #tpu.memory_space<hbm>> -> memref<128xi32, #tpu.memory_space<hbm>>
        %dma_wait3A_107 = tpu.memref_slice %arg3[%mul3A_98] : memref<320000xi32, #tpu.memory_space<hbm>> -> memref<128xi32, #tpu.memory_space<hbm>>
        tpu.wait_dma2 semaphore(%arg12 : memref<!tpu.dma_semaphore, #tpu.memory_space<semaphore_mem>>) src(%dma_wait3A_107 : memref<128xi32, #tpu.memory_space<hbm>>) dst(%arg6 : memref<128xi32, #tpu.memory_space<vmem>>)
        %dma_start3A_108 = arith.constant 0 : i32
        %dma_start3A_109 = arith.constant 0 : i32
        %dma_start3A_110 = tpu.memref_slice %arg2[%dma_start3A_108, %dma_start3A_109] : memref<10240x128xf32, #tpu.memory_space<hbm>> -> memref<10240x128xf32, #tpu.memory_space<hbm>>
        tpu.enqueue_indirect_dma source(%dma_start3A_110 : memref<10240x128xf32, #tpu.memory_space<hbm>>) target(%arg10 : memref<128x128xf32, #tpu.memory_space<vmem>>) offsets(%arg6 : memref<128xi32, #tpu.memory_space<vmem>>) semaphore(%arg13 : memref<!tpu.dma_semaphore, #tpu.memory_space<semaphore_mem>>)
        %dma_wait3A_111 = arith.constant 0 : i32
        %dma_wait3A_112 = arith.constant 0 : i32
        %dma_wait3A_113 = tpu.memref_slice %arg2[%dma_wait3A_111, %dma_wait3A_112] : memref<10240x128xf32, #tpu.memory_space<hbm>> -> memref<10240x128xf32, #tpu.memory_space<hbm>>
        tpu.wait_indirect_dma semaphore(%arg13 : memref<!tpu.dma_semaphore, #tpu.memory_space<semaphore_mem>>) src(%dma_wait3A_113 : memref<10240x128xf32, #tpu.memory_space<hbm>>) dst(%arg10 : memref<128x128xf32, #tpu.memory_space<vmem>>)
        %dma_wait3A_114 = tpu.memref_slice %arg4[%mul3A_98] : memref<320000xi32, #tpu.memory_space<hbm>> -> memref<128xi32, #tpu.memory_space<hbm>>
        %dma_wait3A_115 = tpu.memref_slice %arg4[%mul3A_98] : memref<320000xi32, #tpu.memory_space<hbm>> -> memref<128xi32, #tpu.memory_space<hbm>>
        tpu.wait_dma2 semaphore(%arg12 : memref<!tpu.dma_semaphore, #tpu.memory_space<semaphore_mem>>) src(%dma_wait3A_115 : memref<128xi32, #tpu.memory_space<hbm>>) dst(%arg8 : memref<128xi32, #tpu.memory_space<vmem>>)
        %dma_start3A_116 = arith.constant 0 : i32
        %dma_start3A_117 = arith.constant 0 : i32
        %dma_start3A_118 = tpu.memref_slice %arg11[%dma_start3A_116, %dma_start3A_117] : memref<10240x128xf32, #tpu.memory_space<vmem_shared>> -> memref<10240x128xf32, #tpu.memory_space<vmem_shared>>
        tpu.enqueue_indirect_dma source(%arg10 : memref<128x128xf32, #tpu.memory_space<vmem>>) target(%dma_start3A_118 : memref<10240x128xf32, #tpu.memory_space<vmem_shared>>) offsets(%arg8 : memref<128xi32, #tpu.memory_space<vmem>>) semaphore(%arg15 : memref<!tpu.dma_semaphore, #tpu.memory_space<semaphore_mem>>) {add = true}
      } else {
      }
      %while3A_93 = arith.constant 0 : i32
      scf.yield %while3A_93 : i32
    }
    %while3A_33 = arith.constant 1 : i32
    %while3A_34 = scf.for %while3A_55 = %while3A_30 to %while3A_26 step %while3A_33 iter_args(%while3A_56 = %while3A_32) -> (i32)  : i32 {
      %jit3A_57 = arith.constant 2 : i32
      %eq3A = arith.constant 0 : i32
      %eq3A_58 = arith.cmpi eq, %jit3A_57, %eq3A : i32
      %jit3A_59 = arith.constant 1 : i32
      %select_n3A_60 = arith.select %eq3A_58, %jit3A_59, %jit3A_57 : i32
      %rem3A = arith.remsi %while3A_55, %select_n3A_60 : i32
      %ne3A = arith.constant 0 : i32
      %ne3A_61 = arith.cmpi ne, %rem3A, %ne3A : i32
      %lt3A_62 = arith.constant 0 : i32
      %lt3A_63 = arith.cmpi slt, %rem3A, %lt3A_62 : i32
      %lt3A_64 = arith.constant 0 : i32
      %lt3A_65 = arith.cmpi slt, %select_n3A_60, %lt3A_64 : i32
      %ne3A_66 = arith.xori %lt3A_63, %lt3A_65 : i1
      %and3A = arith.andi %ne3A_66, %ne3A_61 : i1
      %add3A_67 = arith.addi %rem3A, %select_n3A_60 : i32
      %select_n3A_68 = arith.select %and3A, %add3A_67, %rem3A : i32
      %eq3A_69 = arith.constant 0 : i32
      %eq3A_70 = arith.cmpi eq, %select_n3A_68, %eq3A_69 : i32
      %convert_element_type3A = arith.extui %eq3A_70 : i1 to i32
      %cond3A = arith.constant 0 : i32
      %cond3A_71 = arith.cmpi ne, %convert_element_type3A, %cond3A : i32
      scf.if %cond3A_71 {
        %mul3A_94 = arith.constant 32 : i32
        %mul3A_95 = arith.muli %while3A_55, %mul3A_94 : i32
        %add3A_96 = arith.addi %mul3A_95, %add3A : i32
        %mul3A_97 = arith.constant 128 : i32
        %mul3A_98 = arith.muli %add3A_96, %mul3A_97 : i32
        %dma_start3A = tpu.memref_slice %arg3[%mul3A_98] : memref<320000xi32, #tpu.memory_space<hbm>> -> memref<128xi32, #tpu.memory_space<hbm>>
        %dma_start3A_99 = tpu.memref_slice %arg3[%mul3A_98] : memref<320000xi32, #tpu.memory_space<hbm>> -> memref<128xi32, #tpu.memory_space<hbm>>
        tpu.enqueue_dma source(%dma_start3A_99 : memref<128xi32, #tpu.memory_space<hbm>>) target(%arg6 : memref<128xi32, #tpu.memory_space<vmem>>) target_semaphore(%arg12 : memref<!tpu.dma_semaphore, #tpu.memory_space<semaphore_mem>>)
        %ge3A = arith.constant 2 : i32
        %ge3A_100 = arith.cmpi sge, %while3A_55, %ge3A : i32
        %convert_element_type3A_101 = arith.extui %ge3A_100 : i1 to i32
        %cond3A_102 = arith.constant 0 : i32
        %cond3A_103 = arith.cmpi ne, %convert_element_type3A_101, %cond3A_102 : i32
        scf.if %cond3A_103 {
          %dma_wait3A_119 = arith.constant 0 : i32
          %dma_wait3A_120 = arith.constant 0 : i32
          %dma_wait3A_121 = tpu.memref_slice %arg11[%dma_wait3A_119, %dma_wait3A_120] : memref<10240x128xf32, #tpu.memory_space<vmem_shared>> -> memref<10240x128xf32, #tpu.memory_space<vmem_shared>>
          tpu.wait_indirect_dma semaphore(%arg14 : memref<!tpu.dma_semaphore, #tpu.memory_space<semaphore_mem>>) src(%arg9 : memref<128x128xf32, #tpu.memory_space<vmem>>) dst(%dma_wait3A_121 : memref<10240x128xf32, #tpu.memory_space<vmem_shared>>)
        } else {
        }
        %dma_start3A_104 = tpu.memref_slice %arg4[%mul3A_98] : memref<320000xi32, #tpu.memory_space<hbm>> -> memref<128xi32, #tpu.memory_space<hbm>>
        %dma_start3A_105 = tpu.memref_slice %arg4[%mul3A_98] : memref<320000xi32, #tpu.memory_space<hbm>> -> memref<128xi32, #tpu.memory_space<hbm>>
        tpu.enqueue_dma source(%dma_start3A_105 : memref<128xi32, #tpu.memory_space<hbm>>) target(%arg7 : memref<128xi32, #tpu.memory_space<vmem>>) target_semaphore(%arg12 : memref<!tpu.dma_semaphore, #tpu.memory_space<semaphore_mem>>)
        %dma_wait3A_106 = tpu.memref_slice %arg3[%mul3A_98] : memref<320000xi32, #tpu.memory_space<hbm>> -> memref<128xi32, #tpu.memory_space<hbm>>
        %dma_wait3A_107 = tpu.memref_slice %arg3[%mul3A_98] : memref<320000xi32, #tpu.memory_space<hbm>> -> memref<128xi32, #tpu.memory_space<hbm>>
        tpu.wait_dma2 semaphore(%arg12 : memref<!tpu.dma_semaphore, #tpu.memory_space<semaphore_mem>>) src(%dma_wait3A_107 : memref<128xi32, #tpu.memory_space<hbm>>) dst(%arg6 : memref<128xi32, #tpu.memory_space<vmem>>)
        %dma_start3A_108 = arith.constant 0 : i32
        %dma_start3A_109 = arith.constant 0 : i32
        %dma_start3A_110 = tpu.memref_slice %arg2[%dma_start3A_108, %dma_start3A_109] : memref<10240x128xf32, #tpu.memory_space<hbm>> -> memref<10240x128xf32, #tpu.memory_space<hbm>>
        tpu.enqueue_indirect_dma source(%dma_start3A_110 : memref<10240x128xf32, #tpu.memory_space<hbm>>) target(%arg9 : memref<128x128xf32, #tpu.memory_space<vmem>>) offsets(%arg6 : memref<128xi32, #tpu.memory_space<vmem>>) semaphore(%arg13 : memref<!tpu.dma_semaphore, #tpu.memory_space<semaphore_mem>>)
        %dma_wait3A_111 = arith.constant 0 : i32
        %dma_wait3A_112 = arith.constant 0 : i32
        %dma_wait3A_113 = tpu.memref_slice %arg2[%dma_wait3A_111, %dma_wait3A_112] : memref<10240x128xf32, #tpu.memory_space<hbm>> -> memref<10240x128xf32, #tpu.memory_space<hbm>>
        tpu.wait_indirect_dma semaphore(%arg13 : memref<!tpu.dma_semaphore, #tpu.memory_space<semaphore_mem>>) src(%dma_wait3A_113 : memref<10240x128xf32, #tpu.memory_space<hbm>>) dst(%arg9 : memref<128x128xf32, #tpu.memory_space<vmem>>)
        %dma_wait3A_114 = tpu.memref_slice %arg4[%mul3A_98] : memref<320000xi32, #tpu.memory_space<hbm>> -> memref<128xi32, #tpu.memory_space<hbm>>
        %dma_wait3A_115 = tpu.memref_slice %arg4[%mul3A_98] : memref<320000xi32, #tpu.memory_space<hbm>> -> memref<128xi32, #tpu.memory_space<hbm>>
        tpu.wait_dma2 semaphore(%arg12 : memref<!tpu.dma_semaphore, #tpu.memory_space<semaphore_mem>>) src(%dma_wait3A_115 : memref<128xi32, #tpu.memory_space<hbm>>) dst(%arg7 : memref<128xi32, #tpu.memory_space<vmem>>)
        %dma_start3A_116 = arith.constant 0 : i32
        %dma_start3A_117 = arith.constant 0 : i32
        %dma_start3A_118 = tpu.memref_slice %arg11[%dma_start3A_116, %dma_start3A_117] : memref<10240x128xf32, #tpu.memory_space<vmem_shared>> -> memref<10240x128xf32, #tpu.memory_space<vmem_shared>>
        tpu.enqueue_indirect_dma source(%arg9 : memref<128x128xf32, #tpu.memory_space<vmem>>) target(%dma_start3A_118 : memref<10240x128xf32, #tpu.memory_space<vmem_shared>>) offsets(%arg7 : memref<128xi32, #tpu.memory_space<vmem>>) semaphore(%arg14 : memref<!tpu.dma_semaphore, #tpu.memory_space<semaphore_mem>>) {add = true}
      } else {
      }
      %jit3A_72 = arith.constant 2 : i32
      %eq3A_73 = arith.constant 0 : i32
      %eq3A_74 = arith.cmpi eq, %jit3A_72, %eq3A_73 : i32
      %jit3A_75 = arith.constant 1 : i32
      %select_n3A_76 = arith.select %eq3A_74, %jit3A_75, %jit3A_72 : i32
      %rem3A_77 = arith.remsi %while3A_55, %select_n3A_76 : i32
      %ne3A_78 = arith.constant 0 : i32
      %ne3A_79 = arith.cmpi ne, %rem3A_77, %ne3A_78 : i32
      %lt3A_80 = arith.constant 0 : i32
      %lt3A_81 = arith.cmpi slt, %rem3A_77, %lt3A_80 : i32
      %lt3A_82 = arith.constant 0 : i32
      %lt3A_83 = arith.cmpi slt, %select_n3A_76, %lt3A_82 : i32
      %ne3A_84 = arith.xori %lt3A_81, %lt3A_83 : i1
      %and3A_85 = arith.andi %ne3A_84, %ne3A_79 : i1
      %add3A_86 = arith.addi %rem3A_77, %select_n3A_76 : i32
      %select_n3A_87 = arith.select %and3A_85, %add3A_86, %rem3A_77 : i32
      %eq3A_88 = arith.constant 1 : i32
      %eq3A_89 = arith.cmpi eq, %select_n3A_87, %eq3A_88 : i32
      %convert_element_type3A_90 = arith.extui %eq3A_89 : i1 to i32
      %cond3A_91 = arith.constant 0 : i32
      %cond3A_92 = arith.cmpi ne, %convert_element_type3A_90, %cond3A_91 : i32
      scf.if %cond3A_92 {
        %mul3A_94 = arith.constant 32 : i32
        %mul3A_95 = arith.muli %while3A_55, %mul3A_94 : i32
        %add3A_96 = arith.addi %mul3A_95, %add3A : i32
        %mul3A_97 = arith.constant 128 : i32
        %mul3A_98 = arith.muli %add3A_96, %mul3A_97 : i32
        %dma_start3A = tpu.memref_slice %arg3[%mul3A_98] : memref<320000xi32, #tpu.memory_space<hbm>> -> memref<128xi32, #tpu.memory_space<hbm>>
        %dma_start3A_99 = tpu.memref_slice %arg3[%mul3A_98] : memref<320000xi32, #tpu.memory_space<hbm>> -> memref<128xi32, #tpu.memory_space<hbm>>
        tpu.enqueue_dma source(%dma_start3A_99 : memref<128xi32, #tpu.memory_space<hbm>>) target(%arg6 : memref<128xi32, #tpu.memory_space<vmem>>) target_semaphore(%arg12 : memref<!tpu.dma_semaphore, #tpu.memory_space<semaphore_mem>>)
        %ge3A = arith.constant 2 : i32
        %ge3A_100 = arith.cmpi sge, %while3A_55, %ge3A : i32
        %convert_element_type3A_101 = arith.extui %ge3A_100 : i1 to i32
        %cond3A_102 = arith.constant 0 : i32
        %cond3A_103 = arith.cmpi ne, %convert_element_type3A_101, %cond3A_102 : i32
        scf.if %cond3A_103 {
          %dma_wait3A_119 = arith.constant 0 : i32
          %dma_wait3A_120 = arith.constant 0 : i32
          %dma_wait3A_121 = tpu.memref_slice %arg11[%dma_wait3A_119, %dma_wait3A_120] : memref<10240x128xf32, #tpu.memory_space<vmem_shared>> -> memref<10240x128xf32, #tpu.memory_space<vmem_shared>>
          tpu.wait_indirect_dma semaphore(%arg15 : memref<!tpu.dma_semaphore, #tpu.memory_space<semaphore_mem>>) src(%arg10 : memref<128x128xf32, #tpu.memory_space<vmem>>) dst(%dma_wait3A_121 : memref<10240x128xf32, #tpu.memory_space<vmem_shared>>)
        } else {
        }
        %dma_start3A_104 = tpu.memref_slice %arg4[%mul3A_98] : memref<320000xi32, #tpu.memory_space<hbm>> -> memref<128xi32, #tpu.memory_space<hbm>>
        %dma_start3A_105 = tpu.memref_slice %arg4[%mul3A_98] : memref<320000xi32, #tpu.memory_space<hbm>> -> memref<128xi32, #tpu.memory_space<hbm>>
        tpu.enqueue_dma source(%dma_start3A_105 : memref<128xi32, #tpu.memory_space<hbm>>) target(%arg8 : memref<128xi32, #tpu.memory_space<vmem>>) target_semaphore(%arg12 : memref<!tpu.dma_semaphore, #tpu.memory_space<semaphore_mem>>)
        %dma_wait3A_106 = tpu.memref_slice %arg3[%mul3A_98] : memref<320000xi32, #tpu.memory_space<hbm>> -> memref<128xi32, #tpu.memory_space<hbm>>
        %dma_wait3A_107 = tpu.memref_slice %arg3[%mul3A_98] : memref<320000xi32, #tpu.memory_space<hbm>> -> memref<128xi32, #tpu.memory_space<hbm>>
        tpu.wait_dma2 semaphore(%arg12 : memref<!tpu.dma_semaphore, #tpu.memory_space<semaphore_mem>>) src(%dma_wait3A_107 : memref<128xi32, #tpu.memory_space<hbm>>) dst(%arg6 : memref<128xi32, #tpu.memory_space<vmem>>)
        %dma_start3A_108 = arith.constant 0 : i32
        %dma_start3A_109 = arith.constant 0 : i32
        %dma_start3A_110 = tpu.memref_slice %arg2[%dma_start3A_108, %dma_start3A_109] : memref<10240x128xf32, #tpu.memory_space<hbm>> -> memref<10240x128xf32, #tpu.memory_space<hbm>>
        tpu.enqueue_indirect_dma source(%dma_start3A_110 : memref<10240x128xf32, #tpu.memory_space<hbm>>) target(%arg10 : memref<128x128xf32, #tpu.memory_space<vmem>>) offsets(%arg6 : memref<128xi32, #tpu.memory_space<vmem>>) semaphore(%arg13 : memref<!tpu.dma_semaphore, #tpu.memory_space<semaphore_mem>>)
        %dma_wait3A_111 = arith.constant 0 : i32
        %dma_wait3A_112 = arith.constant 0 : i32
        %dma_wait3A_113 = tpu.memref_slice %arg2[%dma_wait3A_111, %dma_wait3A_112] : memref<10240x128xf32, #tpu.memory_space<hbm>> -> memref<10240x128xf32, #tpu.memory_space<hbm>>
        tpu.wait_indirect_dma semaphore(%arg13 : memref<!tpu.dma_semaphore, #tpu.memory_space<semaphore_mem>>) src(%dma_wait3A_113 : memref<10240x128xf32, #tpu.memory_space<hbm>>) dst(%arg10 : memref<128x128xf32, #tpu.memory_space<vmem>>)
        %dma_wait3A_114 = tpu.memref_slice %arg4[%mul3A_98] : memref<320000xi32, #tpu.memory_space<hbm>> -> memref<128xi32, #tpu.memory_space<hbm>>
        %dma_wait3A_115 = tpu.memref_slice %arg4[%mul3A_98] : memref<320000xi32, #tpu.memory_space<hbm>> -> memref<128xi32, #tpu.memory_space<hbm>>
        tpu.wait_dma2 semaphore(%arg12 : memref<!tpu.dma_semaphore, #tpu.memory_space<semaphore_mem>>) src(%dma_wait3A_115 : memref<128xi32, #tpu.memory_space<hbm>>) dst(%arg8 : memref<128xi32, #tpu.memory_space<vmem>>)
        %dma_start3A_116 = arith.constant 0 : i32
        %dma_start3A_117 = arith.constant 0 : i32
        %dma_start3A_118 = tpu.memref_slice %arg11[%dma_start3A_116, %dma_start3A_117] : memref<10240x128xf32, #tpu.memory_space<vmem_shared>> -> memref<10240x128xf32, #tpu.memory_space<vmem_shared>>
        tpu.enqueue_indirect_dma source(%arg10 : memref<128x128xf32, #tpu.memory_space<vmem>>) target(%dma_start3A_118 : memref<10240x128xf32, #tpu.memory_space<vmem_shared>>) offsets(%arg8 : memref<128xi32, #tpu.memory_space<vmem>>) semaphore(%arg15 : memref<!tpu.dma_semaphore, #tpu.memory_space<semaphore_mem>>) {add = true}
      } else {
      }
      %while3A_93 = arith.constant 0 : i32
      scf.yield %while3A_93 : i32
    }
    %dma_wait3A = arith.constant 0 : i32
    %dma_wait3A_35 = arith.constant 0 : i32
    %dma_wait3A_36 = tpu.memref_slice %arg11[%dma_wait3A, %dma_wait3A_35] : memref<10240x128xf32, #tpu.memory_space<vmem_shared>> -> memref<10240x128xf32, #tpu.memory_space<vmem_shared>>
    tpu.wait_indirect_dma semaphore(%arg14 : memref<!tpu.dma_semaphore, #tpu.memory_space<semaphore_mem>>) src(%arg9 : memref<128x128xf32, #tpu.memory_space<vmem>>) dst(%dma_wait3A_36 : memref<10240x128xf32, #tpu.memory_space<vmem_shared>>)
    %dma_wait3A_37 = arith.constant 0 : i32
    %dma_wait3A_38 = arith.constant 0 : i32
    %dma_wait3A_39 = tpu.memref_slice %arg11[%dma_wait3A_37, %dma_wait3A_38] : memref<10240x128xf32, #tpu.memory_space<vmem_shared>> -> memref<10240x128xf32, #tpu.memory_space<vmem_shared>>
    tpu.wait_indirect_dma semaphore(%arg15 : memref<!tpu.dma_semaphore, #tpu.memory_space<semaphore_mem>>) src(%arg10 : memref<128x128xf32, #tpu.memory_space<vmem>>) dst(%dma_wait3A_39 : memref<10240x128xf32, #tpu.memory_space<vmem_shared>>)
    %barrier3A_40 = arith.constant 0 : index
    tpu.barrier barrier_id(%barrier3A_40)
    %add3A_41 = arith.constant 0 : i32
    %add3A_42 = arith.addi %mul3A_2, %add3A_41 : i32
    "tpu.region"() ({
      %run_scoped3A_55 = tpu.sem_alloc : memref<!tpu.dma_semaphore, #tpu.memory_space<semaphore_mem>>
      %dma_start3A = arith.constant 0 : i32
      %dma_start3A_56 = tpu.memref_slice %arg11[%add3A_42, %dma_start3A] : memref<10240x128xf32, #tpu.memory_space<vmem_shared>> -> memref<128x128xf32, #tpu.memory_space<vmem_shared>>
      %dma_start3A_57 = arith.constant 0 : i32
      %dma_start3A_58 = tpu.memref_slice %arg11[%add3A_42, %dma_start3A_57] : memref<10240x128xf32, #tpu.memory_space<vmem_shared>> -> memref<128x128xf32, #tpu.memory_space<vmem_shared>>
      tpu.enqueue_dma source(%dma_start3A_58 : memref<128x128xf32, #tpu.memory_space<vmem_shared>>) target(%arg9 : memref<128x128xf32, #tpu.memory_space<vmem>>) target_semaphore(%run_scoped3A_55 : memref<!tpu.dma_semaphore, #tpu.memory_space<semaphore_mem>>)
      %dma_wait3A_59 = arith.constant 0 : i32
      %dma_wait3A_60 = tpu.memref_slice %arg11[%add3A_42, %dma_wait3A_59] : memref<10240x128xf32, #tpu.memory_space<vmem_shared>> -> memref<128x128xf32, #tpu.memory_space<vmem_shared>>
      %dma_wait3A_61 = arith.constant 0 : i32
      %dma_wait3A_62 = tpu.memref_slice %arg11[%add3A_42, %dma_wait3A_61] : memref<10240x128xf32, #tpu.memory_space<vmem_shared>> -> memref<128x128xf32, #tpu.memory_space<vmem_shared>>
      tpu.wait_dma2 semaphore(%run_scoped3A_55 : memref<!tpu.dma_semaphore, #tpu.memory_space<semaphore_mem>>) src(%dma_wait3A_62 : memref<128x128xf32, #tpu.memory_space<vmem_shared>>) dst(%arg9 : memref<128x128xf32, #tpu.memory_space<vmem>>)
      tpu.yield
    }) : () -> ()
    %run_scoped3A = arith.constant 0 : i32
    "tpu.region"() ({
      %run_scoped3A_55 = tpu.sem_alloc : memref<!tpu.dma_semaphore, #tpu.memory_space<semaphore_mem>>
      %dma_start3A = arith.constant 0 : i32
      %dma_start3A_56 = tpu.memref_slice %arg5[%run_scoped3A, %arg0, %add3A_42, %dma_start3A] : memref<1x2x10240x128xf32, #tpu.memory_space<hbm>> -> memref<1x1x128x128xf32, #tpu.memory_space<hbm>>
      %dma_start3A_57 = tpu.memref_squeeze %dma_start3A_56 : memref<1x1x128x128xf32, #tpu.memory_space<hbm>> -> memref<128x128xf32, #tpu.memory_space<hbm>>
      %dma_start3A_58 = arith.constant 0 : i32
      %dma_start3A_59 = tpu.memref_slice %arg5[%run_scoped3A, %arg0, %add3A_42, %dma_start3A_58] : memref<1x2x10240x128xf32, #tpu.memory_space<hbm>> -> memref<1x1x128x128xf32, #tpu.memory_space<hbm>>
      %dma_start3A_60 = tpu.memref_squeeze %dma_start3A_59 : memref<1x1x128x128xf32, #tpu.memory_space<hbm>> -> memref<128x128xf32, #tpu.memory_space<hbm>>
      tpu.enqueue_dma source(%arg9 : memref<128x128xf32, #tpu.memory_space<vmem>>) target(%dma_start3A_60 : memref<128x128xf32, #tpu.memory_space<hbm>>) target_semaphore(%run_scoped3A_55 : memref<!tpu.dma_semaphore, #tpu.memory_space<semaphore_mem>>)
      %dma_wait3A_61 = arith.constant 0 : i32
      %dma_wait3A_62 = tpu.memref_slice %arg5[%run_scoped3A, %arg0, %add3A_42, %dma_wait3A_61] : memref<1x2x10240x128xf32, #tpu.memory_space<hbm>> -> memref<1x1x128x128xf32, #tpu.memory_space<hbm>>
      %dma_wait3A_63 = tpu.memref_squeeze %dma_wait3A_62 : memref<1x1x128x128xf32, #tpu.memory_space<hbm>> -> memref<128x128xf32, #tpu.memory_space<hbm>>
      %dma_wait3A_64 = arith.constant 0 : i32
      %dma_wait3A_65 = tpu.memref_slice %arg5[%run_scoped3A, %arg0, %add3A_42, %dma_wait3A_64] : memref<1x2x10240x128xf32, #tpu.memory_space<hbm>> -> memref<1x1x128x128xf32, #tpu.memory_space<hbm>>
      %dma_wait3A_66 = tpu.memref_squeeze %dma_wait3A_65 : memref<1x1x128x128xf32, #tpu.memory_space<hbm>> -> memref<128x128xf32, #tpu.memory_space<hbm>>
      tpu.wait_dma2 semaphore(%run_scoped3A_55 : memref<!tpu.dma_semaphore, #tpu.memory_space<semaphore_mem>>) src(%arg9 : memref<128x128xf32, #tpu.memory_space<vmem>>) dst(%dma_wait3A_66 : memref<128x128xf32, #tpu.memory_space<hbm>>)
      tpu.yield
    }) : () -> ()
    %add3A_43 = arith.constant 128 : i32
    %add3A_44 = arith.addi %mul3A_2, %add3A_43 : i32
    "tpu.region"() ({
      %run_scoped3A_55 = tpu.sem_alloc : memref<!tpu.dma_semaphore, #tpu.memory_space<semaphore_mem>>
      %dma_start3A = arith.constant 0 : i32
      %dma_start3A_56 = tpu.memref_slice %arg11[%add3A_44, %dma_start3A] : memref<10240x128xf32, #tpu.memory_space<vmem_shared>> -> memref<128x128xf32, #tpu.memory_space<vmem_shared>>
      %dma_start3A_57 = arith.constant 0 : i32
      %dma_start3A_58 = tpu.memref_slice %arg11[%add3A_44, %dma_start3A_57] : memref<10240x128xf32, #tpu.memory_space<vmem_shared>> -> memref<128x128xf32, #tpu.memory_space<vmem_shared>>
      tpu.enqueue_dma source(%dma_start3A_58 : memref<128x128xf32, #tpu.memory_space<vmem_shared>>) target(%arg9 : memref<128x128xf32, #tpu.memory_space<vmem>>) target_semaphore(%run_scoped3A_55 : memref<!tpu.dma_semaphore, #tpu.memory_space<semaphore_mem>>)
      %dma_wait3A_59 = arith.constant 0 : i32
      %dma_wait3A_60 = tpu.memref_slice %arg11[%add3A_44, %dma_wait3A_59] : memref<10240x128xf32, #tpu.memory_space<vmem_shared>> -> memref<128x128xf32, #tpu.memory_space<vmem_shared>>
      %dma_wait3A_61 = arith.constant 0 : i32
      %dma_wait3A_62 = tpu.memref_slice %arg11[%add3A_44, %dma_wait3A_61] : memref<10240x128xf32, #tpu.memory_space<vmem_shared>> -> memref<128x128xf32, #tpu.memory_space<vmem_shared>>
      tpu.wait_dma2 semaphore(%run_scoped3A_55 : memref<!tpu.dma_semaphore, #tpu.memory_space<semaphore_mem>>) src(%dma_wait3A_62 : memref<128x128xf32, #tpu.memory_space<vmem_shared>>) dst(%arg9 : memref<128x128xf32, #tpu.memory_space<vmem>>)
      tpu.yield
    }) : () -> ()
    %run_scoped3A_45 = arith.constant 0 : i32
    "tpu.region"() ({
      %run_scoped3A_55 = tpu.sem_alloc : memref<!tpu.dma_semaphore, #tpu.memory_space<semaphore_mem>>
      %dma_start3A = arith.constant 0 : i32
      %dma_start3A_56 = tpu.memref_slice %arg5[%run_scoped3A_45, %arg0, %add3A_44, %dma_start3A] : memref<1x2x10240x128xf32, #tpu.memory_space<hbm>> -> memref<1x1x128x128xf32, #tpu.memory_space<hbm>>
      %dma_start3A_57 = tpu.memref_squeeze %dma_start3A_56 : memref<1x1x128x128xf32, #tpu.memory_space<hbm>> -> memref<128x128xf32, #tpu.memory_space<hbm>>
      %dma_start3A_58 = arith.constant 0 : i32
      %dma_start3A_59 = tpu.memref_slice %arg5[%run_scoped3A_45, %arg0, %add3A_44, %dma_start3A_58] : memref<1x2x10240x128xf32, #tpu.memory_space<hbm>> -> memref<1x1x128x128xf32, #tpu.memory_space<hbm>>
      %dma_start3A_60 = tpu.memref_squeeze %dma_start3A_59 : memref<1x1x128x128xf32, #tpu.memory_space<hbm>> -> memref<128x128xf32, #tpu.memory_space<hbm>>
      tpu.enqueue_dma source(%arg9 : memref<128x128xf32, #tpu.memory_space<vmem>>) target(%dma_start3A_60 : memref<128x128xf32, #tpu.memory_space<hbm>>) target_semaphore(%run_scoped3A_55 : memref<!tpu.dma_semaphore, #tpu.memory_space<semaphore_mem>>)
      %dma_wait3A_61 = arith.constant 0 : i32
      %dma_wait3A_62 = tpu.memref_slice %arg5[%run_scoped3A_45, %arg0, %add3A_44, %dma_wait3A_61] : memref<1x2x10240x128xf32, #tpu.memory_space<hbm>> -> memref<1x1x128x128xf32, #tpu.memory_space<hbm>>
      %dma_wait3A_63 = tpu.memref_squeeze %dma_wait3A_62 : memref<1x1x128x128xf32, #tpu.memory_space<hbm>> -> memref<128x128xf32, #tpu.memory_space<hbm>>
      %dma_wait3A_64 = arith.constant 0 : i32
      %dma_wait3A_65 = tpu.memref_slice %arg5[%run_scoped3A_45, %arg0, %add3A_44, %dma_wait3A_64] : memref<1x2x10240x128xf32, #tpu.memory_space<hbm>> -> memref<1x1x128x128xf32, #tpu.memory_space<hbm>>
      %dma_wait3A_66 = tpu.memref_squeeze %dma_wait3A_65 : memref<1x1x128x128xf32, #tpu.memory_space<hbm>> -> memref<128x128xf32, #tpu.memory_space<hbm>>
      tpu.wait_dma2 semaphore(%run_scoped3A_55 : memref<!tpu.dma_semaphore, #tpu.memory_space<semaphore_mem>>) src(%arg9 : memref<128x128xf32, #tpu.memory_space<vmem>>) dst(%dma_wait3A_66 : memref<128x128xf32, #tpu.memory_space<hbm>>)
      tpu.yield
    }) : () -> ()
    %add3A_46 = arith.constant 256 : i32
    %add3A_47 = arith.addi %mul3A_2, %add3A_46 : i32
    "tpu.region"() ({
      %run_scoped3A_55 = tpu.sem_alloc : memref<!tpu.dma_semaphore, #tpu.memory_space<semaphore_mem>>
      %dma_start3A = arith.constant 0 : i32
      %dma_start3A_56 = tpu.memref_slice %arg11[%add3A_47, %dma_start3A] : memref<10240x128xf32, #tpu.memory_space<vmem_shared>> -> memref<128x128xf32, #tpu.memory_space<vmem_shared>>
      %dma_start3A_57 = arith.constant 0 : i32
      %dma_start3A_58 = tpu.memref_slice %arg11[%add3A_47, %dma_start3A_57] : memref<10240x128xf32, #tpu.memory_space<vmem_shared>> -> memref<128x128xf32, #tpu.memory_space<vmem_shared>>
      tpu.enqueue_dma source(%dma_start3A_58 : memref<128x128xf32, #tpu.memory_space<vmem_shared>>) target(%arg9 : memref<128x128xf32, #tpu.memory_space<vmem>>) target_semaphore(%run_scoped3A_55 : memref<!tpu.dma_semaphore, #tpu.memory_space<semaphore_mem>>)
      %dma_wait3A_59 = arith.constant 0 : i32
      %dma_wait3A_60 = tpu.memref_slice %arg11[%add3A_47, %dma_wait3A_59] : memref<10240x128xf32, #tpu.memory_space<vmem_shared>> -> memref<128x128xf32, #tpu.memory_space<vmem_shared>>
      %dma_wait3A_61 = arith.constant 0 : i32
      %dma_wait3A_62 = tpu.memref_slice %arg11[%add3A_47, %dma_wait3A_61] : memref<10240x128xf32, #tpu.memory_space<vmem_shared>> -> memref<128x128xf32, #tpu.memory_space<vmem_shared>>
      tpu.wait_dma2 semaphore(%run_scoped3A_55 : memref<!tpu.dma_semaphore, #tpu.memory_space<semaphore_mem>>) src(%dma_wait3A_62 : memref<128x128xf32, #tpu.memory_space<vmem_shared>>) dst(%arg9 : memref<128x128xf32, #tpu.memory_space<vmem>>)
      tpu.yield
    }) : () -> ()
    %run_scoped3A_48 = arith.constant 0 : i32
    "tpu.region"() ({
      %run_scoped3A_55 = tpu.sem_alloc : memref<!tpu.dma_semaphore, #tpu.memory_space<semaphore_mem>>
      %dma_start3A = arith.constant 0 : i32
      %dma_start3A_56 = tpu.memref_slice %arg5[%run_scoped3A_48, %arg0, %add3A_47, %dma_start3A] : memref<1x2x10240x128xf32, #tpu.memory_space<hbm>> -> memref<1x1x128x128xf32, #tpu.memory_space<hbm>>
      %dma_start3A_57 = tpu.memref_squeeze %dma_start3A_56 : memref<1x1x128x128xf32, #tpu.memory_space<hbm>> -> memref<128x128xf32, #tpu.memory_space<hbm>>
      %dma_start3A_58 = arith.constant 0 : i32
      %dma_start3A_59 = tpu.memref_slice %arg5[%run_scoped3A_48, %arg0, %add3A_47, %dma_start3A_58] : memref<1x2x10240x128xf32, #tpu.memory_space<hbm>> -> memref<1x1x128x128xf32, #tpu.memory_space<hbm>>
      %dma_start3A_60 = tpu.memref_squeeze %dma_start3A_59 : memref<1x1x128x128xf32, #tpu.memory_space<hbm>> -> memref<128x128xf32, #tpu.memory_space<hbm>>
      tpu.enqueue_dma source(%arg9 : memref<128x128xf32, #tpu.memory_space<vmem>>) target(%dma_start3A_60 : memref<128x128xf32, #tpu.memory_space<hbm>>) target_semaphore(%run_scoped3A_55 : memref<!tpu.dma_semaphore, #tpu.memory_space<semaphore_mem>>)
      %dma_wait3A_61 = arith.constant 0 : i32
      %dma_wait3A_62 = tpu.memref_slice %arg5[%run_scoped3A_48, %arg0, %add3A_47, %dma_wait3A_61] : memref<1x2x10240x128xf32, #tpu.memory_space<hbm>> -> memref<1x1x128x128xf32, #tpu.memory_space<hbm>>
      %dma_wait3A_63 = tpu.memref_squeeze %dma_wait3A_62 : memref<1x1x128x128xf32, #tpu.memory_space<hbm>> -> memref<128x128xf32, #tpu.memory_space<hbm>>
      %dma_wait3A_64 = arith.constant 0 : i32
      %dma_wait3A_65 = tpu.memref_slice %arg5[%run_scoped3A_48, %arg0, %add3A_47, %dma_wait3A_64] : memref<1x2x10240x128xf32, #tpu.memory_space<hbm>> -> memref<1x1x128x128xf32, #tpu.memory_space<hbm>>
      %dma_wait3A_66 = tpu.memref_squeeze %dma_wait3A_65 : memref<1x1x128x128xf32, #tpu.memory_space<hbm>> -> memref<128x128xf32, #tpu.memory_space<hbm>>
      tpu.wait_dma2 semaphore(%run_scoped3A_55 : memref<!tpu.dma_semaphore, #tpu.memory_space<semaphore_mem>>) src(%arg9 : memref<128x128xf32, #tpu.memory_space<vmem>>) dst(%dma_wait3A_66 : memref<128x128xf32, #tpu.memory_space<hbm>>)
      tpu.yield
    }) : () -> ()
    %add3A_49 = arith.constant 384 : i32
    %add3A_50 = arith.addi %mul3A_2, %add3A_49 : i32
    "tpu.region"() ({
      %run_scoped3A_55 = tpu.sem_alloc : memref<!tpu.dma_semaphore, #tpu.memory_space<semaphore_mem>>
      %dma_start3A = arith.constant 0 : i32
      %dma_start3A_56 = tpu.memref_slice %arg11[%add3A_50, %dma_start3A] : memref<10240x128xf32, #tpu.memory_space<vmem_shared>> -> memref<128x128xf32, #tpu.memory_space<vmem_shared>>
      %dma_start3A_57 = arith.constant 0 : i32
      %dma_start3A_58 = tpu.memref_slice %arg11[%add3A_50, %dma_start3A_57] : memref<10240x128xf32, #tpu.memory_space<vmem_shared>> -> memref<128x128xf32, #tpu.memory_space<vmem_shared>>
      tpu.enqueue_dma source(%dma_start3A_58 : memref<128x128xf32, #tpu.memory_space<vmem_shared>>) target(%arg9 : memref<128x128xf32, #tpu.memory_space<vmem>>) target_semaphore(%run_scoped3A_55 : memref<!tpu.dma_semaphore, #tpu.memory_space<semaphore_mem>>)
      %dma_wait3A_59 = arith.constant 0 : i32
      %dma_wait3A_60 = tpu.memref_slice %arg11[%add3A_50, %dma_wait3A_59] : memref<10240x128xf32, #tpu.memory_space<vmem_shared>> -> memref<128x128xf32, #tpu.memory_space<vmem_shared>>
      %dma_wait3A_61 = arith.constant 0 : i32
      %dma_wait3A_62 = tpu.memref_slice %arg11[%add3A_50, %dma_wait3A_61] : memref<10240x128xf32, #tpu.memory_space<vmem_shared>> -> memref<128x128xf32, #tpu.memory_space<vmem_shared>>
      tpu.wait_dma2 semaphore(%run_scoped3A_55 : memref<!tpu.dma_semaphore, #tpu.memory_space<semaphore_mem>>) src(%dma_wait3A_62 : memref<128x128xf32, #tpu.memory_space<vmem_shared>>) dst(%arg9 : memref<128x128xf32, #tpu.memory_space<vmem>>)
      tpu.yield
    }) : () -> ()
    %run_scoped3A_51 = arith.constant 0 : i32
    "tpu.region"() ({
      %run_scoped3A_55 = tpu.sem_alloc : memref<!tpu.dma_semaphore, #tpu.memory_space<semaphore_mem>>
      %dma_start3A = arith.constant 0 : i32
      %dma_start3A_56 = tpu.memref_slice %arg5[%run_scoped3A_51, %arg0, %add3A_50, %dma_start3A] : memref<1x2x10240x128xf32, #tpu.memory_space<hbm>> -> memref<1x1x128x128xf32, #tpu.memory_space<hbm>>
      %dma_start3A_57 = tpu.memref_squeeze %dma_start3A_56 : memref<1x1x128x128xf32, #tpu.memory_space<hbm>> -> memref<128x128xf32, #tpu.memory_space<hbm>>
      %dma_start3A_58 = arith.constant 0 : i32
      %dma_start3A_59 = tpu.memref_slice %arg5[%run_scoped3A_51, %arg0, %add3A_50, %dma_start3A_58] : memref<1x2x10240x128xf32, #tpu.memory_space<hbm>> -> memref<1x1x128x128xf32, #tpu.memory_space<hbm>>
      %dma_start3A_60 = tpu.memref_squeeze %dma_start3A_59 : memref<1x1x128x128xf32, #tpu.memory_space<hbm>> -> memref<128x128xf32, #tpu.memory_space<hbm>>
      tpu.enqueue_dma source(%arg9 : memref<128x128xf32, #tpu.memory_space<vmem>>) target(%dma_start3A_60 : memref<128x128xf32, #tpu.memory_space<hbm>>) target_semaphore(%run_scoped3A_55 : memref<!tpu.dma_semaphore, #tpu.memory_space<semaphore_mem>>)
      %dma_wait3A_61 = arith.constant 0 : i32
      %dma_wait3A_62 = tpu.memref_slice %arg5[%run_scoped3A_51, %arg0, %add3A_50, %dma_wait3A_61] : memref<1x2x10240x128xf32, #tpu.memory_space<hbm>> -> memref<1x1x128x128xf32, #tpu.memory_space<hbm>>
      %dma_wait3A_63 = tpu.memref_squeeze %dma_wait3A_62 : memref<1x1x128x128xf32, #tpu.memory_space<hbm>> -> memref<128x128xf32, #tpu.memory_space<hbm>>
      %dma_wait3A_64 = arith.constant 0 : i32
      %dma_wait3A_65 = tpu.memref_slice %arg5[%run_scoped3A_51, %arg0, %add3A_50, %dma_wait3A_64] : memref<1x2x10240x128xf32, #tpu.memory_space<hbm>> -> memref<1x1x128x128xf32, #tpu.memory_space<hbm>>
      %dma_wait3A_66 = tpu.memref_squeeze %dma_wait3A_65 : memref<1x1x128x128xf32, #tpu.memory_space<hbm>> -> memref<128x128xf32, #tpu.memory_space<hbm>>
      tpu.wait_dma2 semaphore(%run_scoped3A_55 : memref<!tpu.dma_semaphore, #tpu.memory_space<semaphore_mem>>) src(%arg9 : memref<128x128xf32, #tpu.memory_space<vmem>>) dst(%dma_wait3A_66 : memref<128x128xf32, #tpu.memory_space<hbm>>)
      tpu.yield
    }) : () -> ()
    %add3A_52 = arith.constant 512 : i32
    %add3A_53 = arith.addi %mul3A_2, %add3A_52 : i32
    "tpu.region"() ({
      %run_scoped3A_55 = tpu.sem_alloc : memref<!tpu.dma_semaphore, #tpu.memory_space<semaphore_mem>>
      %dma_start3A = arith.constant 0 : i32
      %dma_start3A_56 = tpu.memref_slice %arg11[%add3A_53, %dma_start3A] : memref<10240x128xf32, #tpu.memory_space<vmem_shared>> -> memref<128x128xf32, #tpu.memory_space<vmem_shared>>
      %dma_start3A_57 = arith.constant 0 : i32
      %dma_start3A_58 = tpu.memref_slice %arg11[%add3A_53, %dma_start3A_57] : memref<10240x128xf32, #tpu.memory_space<vmem_shared>> -> memref<128x128xf32, #tpu.memory_space<vmem_shared>>
      tpu.enqueue_dma source(%dma_start3A_58 : memref<128x128xf32, #tpu.memory_space<vmem_shared>>) target(%arg9 : memref<128x128xf32, #tpu.memory_space<vmem>>) target_semaphore(%run_scoped3A_55 : memref<!tpu.dma_semaphore, #tpu.memory_space<semaphore_mem>>)
      %dma_wait3A_59 = arith.constant 0 : i32
      %dma_wait3A_60 = tpu.memref_slice %arg11[%add3A_53, %dma_wait3A_59] : memref<10240x128xf32, #tpu.memory_space<vmem_shared>> -> memref<128x128xf32, #tpu.memory_space<vmem_shared>>
      %dma_wait3A_61 = arith.constant 0 : i32
      %dma_wait3A_62 = tpu.memref_slice %arg11[%add3A_53, %dma_wait3A_61] : memref<10240x128xf32, #tpu.memory_space<vmem_shared>> -> memref<128x128xf32, #tpu.memory_space<vmem_shared>>
      tpu.wait_dma2 semaphore(%run_scoped3A_55 : memref<!tpu.dma_semaphore, #tpu.memory_space<semaphore_mem>>) src(%dma_wait3A_62 : memref<128x128xf32, #tpu.memory_space<vmem_shared>>) dst(%arg9 : memref<128x128xf32, #tpu.memory_space<vmem>>)
      tpu.yield
    }) : () -> ()
    %run_scoped3A_54 = arith.constant 0 : i32
    "tpu.region"() ({
      %run_scoped3A_55 = tpu.sem_alloc : memref<!tpu.dma_semaphore, #tpu.memory_space<semaphore_mem>>
      %dma_start3A = arith.constant 0 : i32
      %dma_start3A_56 = tpu.memref_slice %arg5[%run_scoped3A_54, %arg0, %add3A_53, %dma_start3A] : memref<1x2x10240x128xf32, #tpu.memory_space<hbm>> -> memref<1x1x128x128xf32, #tpu.memory_space<hbm>>
      %dma_start3A_57 = tpu.memref_squeeze %dma_start3A_56 : memref<1x1x128x128xf32, #tpu.memory_space<hbm>> -> memref<128x128xf32, #tpu.memory_space<hbm>>
      %dma_start3A_58 = arith.constant 0 : i32
      %dma_start3A_59 = tpu.memref_slice %arg5[%run_scoped3A_54, %arg0, %add3A_53, %dma_start3A_58] : memref<1x2x10240x128xf32, #tpu.memory_space<hbm>> -> memref<1x1x128x128xf32, #tpu.memory_space<hbm>>
      %dma_start3A_60 = tpu.memref_squeeze %dma_start3A_59 : memref<1x1x128x128xf32, #tpu.memory_space<hbm>> -> memref<128x128xf32, #tpu.memory_space<hbm>>
      tpu.enqueue_dma source(%arg9 : memref<128x128xf32, #tpu.memory_space<vmem>>) target(%dma_start3A_60 : memref<128x128xf32, #tpu.memory_space<hbm>>) target_semaphore(%run_scoped3A_55 : memref<!tpu.dma_semaphore, #tpu.memory_space<semaphore_mem>>)
      %dma_wait3A_61 = arith.constant 0 : i32
      %dma_wait3A_62 = tpu.memref_slice %arg5[%run_scoped3A_54, %arg0, %add3A_53, %dma_wait3A_61] : memref<1x2x10240x128xf32, #tpu.memory_space<hbm>> -> memref<1x1x128x128xf32, #tpu.memory_space<hbm>>
      %dma_wait3A_63 = tpu.memref_squeeze %dma_wait3A_62 : memref<1x1x128x128xf32, #tpu.memory_space<hbm>> -> memref<128x128xf32, #tpu.memory_space<hbm>>
      %dma_wait3A_64 = arith.constant 0 : i32
      %dma_wait3A_65 = tpu.memref_slice %arg5[%run_scoped3A_54, %arg0, %add3A_53, %dma_wait3A_64] : memref<1x2x10240x128xf32, #tpu.memory_space<hbm>> -> memref<1x1x128x128xf32, #tpu.memory_space<hbm>>
      %dma_wait3A_66 = tpu.memref_squeeze %dma_wait3A_65 : memref<1x1x128x128xf32, #tpu.memory_space<hbm>> -> memref<128x128xf32, #tpu.memory_space<hbm>>
      tpu.wait_dma2 semaphore(%run_scoped3A_55 : memref<!tpu.dma_semaphore, #tpu.memory_space<semaphore_mem>>) src(%arg9 : memref<128x128xf32, #tpu.memory_space<vmem>>) dst(%dma_wait3A_66 : memref<128x128xf32, #tpu.memory_space<hbm>>)
      tpu.yield
    }) : () -> ()
    return
  }
}

#map = affine_map<(d0, d1) -> (0)>
#map1 = affine_map<(d0, d1) -> (0, 0, 0)>
module attributes {stable_mosaic.version = 14 : i64} {
  func.func @body(%arg0: i32, %arg1: i32, %arg2: memref<320000xi32, #tpu.memory_space<hbm>>, %arg3: memref<2x16x10240xf32, #tpu.memory_space<hbm>>, %arg4: memref<128xi32, #tpu.memory_space<vmem>>, %arg5: memref<10240xf32, #tpu.memory_space<vmem>>) attributes {dimension_semantics = [#tpu.dimension_semantics<core_parallel>, #tpu.dimension_semantics<subcore_parallel>], iteration_bounds = array<i64: 2, 16>, scalar_prefetch = 0 : i64, scratch_operands = 2 : i64, tpu.core_type = #tpu.core_type<sc_vector_subcore>, window_params = [{transform_indices = #map}, {transform_indices = #map1}]} {
    %mul3A = arith.constant 2 : i32
    %mul3A_0 = arith.muli %arg1, %mul3A : i32
    %add3A = arith.addi %mul3A_0, %arg0 : i32
    %broadcast_in_dim3A = arith.constant 0.000000e+00 : f32
    %broadcast_in_dim3A_1 = vector.broadcast %broadcast_in_dim3A : f32 to vector<16xf32>
    %scan3A = arith.constant 0 : i32
    %scan3A_2 = arith.constant 0 : i32
    %scan3A_3 = arith.constant 640 : i32
    %scan3A_4 = arith.addi %scan3A_2, %scan3A_3 : i32
    %scan3A_5 = arith.constant 1 : i32
    %scan3A_6 = scf.for %scan3A_25 = %scan3A_2 to %scan3A_4 step %scan3A_5 iter_args(%scan3A_26 = %scan3A) -> (i32)  : i32 {
      %mul3A_27 = arith.constant 16 : i32
      %mul3A_28 = arith.muli %scan3A_25, %mul3A_27 : i32
      %swap3A = arith.index_cast %mul3A_28 : i32 to index
      %swap3A_29 = tpu.vector_load %arg5[%swap3A] {strides = array<i32>} : memref<10240xf32, #tpu.memory_space<vmem>>, vector<16xf32>,
      tpu.vector_store %arg5[%swap3A], %broadcast_in_dim3A_1 {strides = array<i32>} : memref<10240xf32, #tpu.memory_space<vmem>>, vector<16xf32>,
      %scan3A_30 = arith.constant 0 : i32
      scf.yield %scan3A_30 : i32
    }
    %scan3A_7 = arith.constant 640 : i32
    %broadcast_in_dim3A_8 = arith.constant 1.000000e+00 : f32
    %broadcast_in_dim3A_9 = vector.broadcast %broadcast_in_dim3A_8 : f32 to vector<16xf32>
    %lt3A = arith.constant 4 : i32
    %lt3A_10 = arith.cmpi slt, %add3A, %lt3A : i32
    %jit3A = arith.constant 1 : i32
    %jit3A_11 = arith.constant 0 : i32
    %select_n3A = arith.select %lt3A_10, %jit3A, %jit3A_11 : i32
    %add3A_12 = arith.constant 78 : i32
    %add3A_13 = arith.addi %add3A_12, %select_n3A : i32
    %while3A = arith.constant 0 : i32
    %while3A_14 = arith.constant 0 : i32
    %while3A_15 = arith.subi %add3A_13, %while3A : i32
    %while3A_16 = arith.addi %while3A, %while3A_15 : i32
    %while3A_17 = arith.constant 1 : i32
    %while3A_18 = arith.divsi %while3A_15, %while3A_17 : i32
    %while3A_19 = arith.muli %while3A_18, %while3A_17 : i32
    %while3A_20 = arith.addi %while3A, %while3A_19 : i32
    %while3A_21 = arith.constant 1 : i32
    %while3A_22 = scf.for %while3A_25 = %while3A to %while3A_20 step %while3A_21 iter_args(%while3A_26 = %while3A_14) -> (i32)  : i32 {
      %mul3A_27 = arith.constant 32 : i32
      %mul3A_28 = arith.muli %while3A_25, %mul3A_27 : i32
      %add3A_29 = arith.addi %mul3A_28, %add3A : i32
      %mul3A_30 = arith.constant 128 : i32
      %mul3A_31 = arith.muli %add3A_29, %mul3A_30 : i32
      "tpu.region"() ({
        %run_scoped3A = tpu.sem_alloc : memref<!tpu.dma_semaphore, #tpu.memory_space<semaphore_mem>>
        %dma_start3A = tpu.memref_slice %arg2[%mul3A_31] : memref<320000xi32, #tpu.memory_space<hbm>> -> memref<128xi32, #tpu.memory_space<hbm>>
        %dma_start3A_48 = tpu.memref_slice %arg2[%mul3A_31] : memref<320000xi32, #tpu.memory_space<hbm>> -> memref<128xi32, #tpu.memory_space<hbm>>
        tpu.enqueue_dma source(%dma_start3A_48 : memref<128xi32, #tpu.memory_space<hbm>>) target(%arg4 : memref<128xi32, #tpu.memory_space<vmem>>) target_semaphore(%run_scoped3A : memref<!tpu.dma_semaphore, #tpu.memory_space<semaphore_mem>>)
        %dma_wait3A = tpu.memref_slice %arg2[%mul3A_31] : memref<320000xi32, #tpu.memory_space<hbm>> -> memref<128xi32, #tpu.memory_space<hbm>>
        %dma_wait3A_49 = tpu.memref_slice %arg2[%mul3A_31] : memref<320000xi32, #tpu.memory_space<hbm>> -> memref<128xi32, #tpu.memory_space<hbm>>
        tpu.wait_dma2 semaphore(%run_scoped3A : memref<!tpu.dma_semaphore, #tpu.memory_space<semaphore_mem>>) src(%dma_wait3A_49 : memref<128xi32, #tpu.memory_space<hbm>>) dst(%arg4 : memref<128xi32, #tpu.memory_space<vmem>>)
        tpu.yield
      }) : () -> ()
      %get3A = arith.constant 0 : index
      %get3A_32 = tpu.vector_load %arg4[%get3A] {strides = array<i32>} : memref<128xi32, #tpu.memory_space<vmem>>, vector<16xi32>,
      tpu.vector_store_idx %arg5[%get3A_32], %broadcast_in_dim3A_9 {add = true} : memref<10240xf32, #tpu.memory_space<vmem>>[vector<16xi32>], vector<16xf32>,
      %get3A_33 = arith.constant 16 : index
      %get3A_34 = tpu.vector_load %arg4[%get3A_33] {strides = array<i32>} : memref<128xi32, #tpu.memory_space<vmem>>, vector<16xi32>,
      tpu.vector_store_idx %arg5[%get3A_34], %broadcast_in_dim3A_9 {add = true} : memref<10240xf32, #tpu.memory_space<vmem>>[vector<16xi32>], vector<16xf32>,
      %get3A_35 = arith.constant 32 : index
      %get3A_36 = tpu.vector_load %arg4[%get3A_35] {strides = array<i32>} : memref<128xi32, #tpu.memory_space<vmem>>, vector<16xi32>,
      tpu.vector_store_idx %arg5[%get3A_36], %broadcast_in_dim3A_9 {add = true} : memref<10240xf32, #tpu.memory_space<vmem>>[vector<16xi32>], vector<16xf32>,
      %get3A_37 = arith.constant 48 : index
      %get3A_38 = tpu.vector_load %arg4[%get3A_37] {strides = array<i32>} : memref<128xi32, #tpu.memory_space<vmem>>, vector<16xi32>,
      tpu.vector_store_idx %arg5[%get3A_38], %broadcast_in_dim3A_9 {add = true} : memref<10240xf32, #tpu.memory_space<vmem>>[vector<16xi32>], vector<16xf32>,
      %get3A_39 = arith.constant 64 : index
      %get3A_40 = tpu.vector_load %arg4[%get3A_39] {strides = array<i32>} : memref<128xi32, #tpu.memory_space<vmem>>, vector<16xi32>,
      tpu.vector_store_idx %arg5[%get3A_40], %broadcast_in_dim3A_9 {add = true} : memref<10240xf32, #tpu.memory_space<vmem>>[vector<16xi32>], vector<16xf32>,
      %get3A_41 = arith.constant 80 : index
      %get3A_42 = tpu.vector_load %arg4[%get3A_41] {strides = array<i32>} : memref<128xi32, #tpu.memory_space<vmem>>, vector<16xi32>,
      tpu.vector_store_idx %arg5[%get3A_42], %broadcast_in_dim3A_9 {add = true} : memref<10240xf32, #tpu.memory_space<vmem>>[vector<16xi32>], vector<16xf32>,
      %get3A_43 = arith.constant 96 : index
      %get3A_44 = tpu.vector_load %arg4[%get3A_43] {strides = array<i32>} : memref<128xi32, #tpu.memory_space<vmem>>, vector<16xi32>,
      tpu.vector_store_idx %arg5[%get3A_44], %broadcast_in_dim3A_9 {add = true} : memref<10240xf32, #tpu.memory_space<vmem>>[vector<16xi32>], vector<16xf32>,
      %get3A_45 = arith.constant 112 : index
      %get3A_46 = tpu.vector_load %arg4[%get3A_45] {strides = array<i32>} : memref<128xi32, #tpu.memory_space<vmem>>, vector<16xi32>,
      tpu.vector_store_idx %arg5[%get3A_46], %broadcast_in_dim3A_9 {add = true} : memref<10240xf32, #tpu.memory_space<vmem>>[vector<16xi32>], vector<16xf32>,
      %while3A_47 = arith.constant 0 : i32
      scf.yield %while3A_47 : i32
    }
    %while3A_23 = arith.constant 1 : i32
    %while3A_24 = scf.for %while3A_25 = %while3A_20 to %while3A_16 step %while3A_23 iter_args(%while3A_26 = %while3A_22) -> (i32)  : i32 {
      %mul3A_27 = arith.constant 32 : i32
      %mul3A_28 = arith.muli %while3A_25, %mul3A_27 : i32
      %add3A_29 = arith.addi %mul3A_28, %add3A : i32
      %mul3A_30 = arith.constant 128 : i32
      %mul3A_31 = arith.muli %add3A_29, %mul3A_30 : i32
      "tpu.region"() ({
        %run_scoped3A = tpu.sem_alloc : memref<!tpu.dma_semaphore, #tpu.memory_space<semaphore_mem>>
        %dma_start3A = tpu.memref_slice %arg2[%mul3A_31] : memref<320000xi32, #tpu.memory_space<hbm>> -> memref<128xi32, #tpu.memory_space<hbm>>
        %dma_start3A_48 = tpu.memref_slice %arg2[%mul3A_31] : memref<320000xi32, #tpu.memory_space<hbm>> -> memref<128xi32, #tpu.memory_space<hbm>>
        tpu.enqueue_dma source(%dma_start3A_48 : memref<128xi32, #tpu.memory_space<hbm>>) target(%arg4 : memref<128xi32, #tpu.memory_space<vmem>>) target_semaphore(%run_scoped3A : memref<!tpu.dma_semaphore, #tpu.memory_space<semaphore_mem>>)
        %dma_wait3A = tpu.memref_slice %arg2[%mul3A_31] : memref<320000xi32, #tpu.memory_space<hbm>> -> memref<128xi32, #tpu.memory_space<hbm>>
        %dma_wait3A_49 = tpu.memref_slice %arg2[%mul3A_31] : memref<320000xi32, #tpu.memory_space<hbm>> -> memref<128xi32, #tpu.memory_space<hbm>>
        tpu.wait_dma2 semaphore(%run_scoped3A : memref<!tpu.dma_semaphore, #tpu.memory_space<semaphore_mem>>) src(%dma_wait3A_49 : memref<128xi32, #tpu.memory_space<hbm>>) dst(%arg4 : memref<128xi32, #tpu.memory_space<vmem>>)
        tpu.yield
      }) : () -> ()
      %get3A = arith.constant 0 : index
      %get3A_32 = tpu.vector_load %arg4[%get3A] {strides = array<i32>} : memref<128xi32, #tpu.memory_space<vmem>>, vector<16xi32>,
      tpu.vector_store_idx %arg5[%get3A_32], %broadcast_in_dim3A_9 {add = true} : memref<10240xf32, #tpu.memory_space<vmem>>[vector<16xi32>], vector<16xf32>,
      %get3A_33 = arith.constant 16 : index
      %get3A_34 = tpu.vector_load %arg4[%get3A_33] {strides = array<i32>} : memref<128xi32, #tpu.memory_space<vmem>>, vector<16xi32>,
      tpu.vector_store_idx %arg5[%get3A_34], %broadcast_in_dim3A_9 {add = true} : memref<10240xf32, #tpu.memory_space<vmem>>[vector<16xi32>], vector<16xf32>,
      %get3A_35 = arith.constant 32 : index
      %get3A_36 = tpu.vector_load %arg4[%get3A_35] {strides = array<i32>} : memref<128xi32, #tpu.memory_space<vmem>>, vector<16xi32>,
      tpu.vector_store_idx %arg5[%get3A_36], %broadcast_in_dim3A_9 {add = true} : memref<10240xf32, #tpu.memory_space<vmem>>[vector<16xi32>], vector<16xf32>,
      %get3A_37 = arith.constant 48 : index
      %get3A_38 = tpu.vector_load %arg4[%get3A_37] {strides = array<i32>} : memref<128xi32, #tpu.memory_space<vmem>>, vector<16xi32>,
      tpu.vector_store_idx %arg5[%get3A_38], %broadcast_in_dim3A_9 {add = true} : memref<10240xf32, #tpu.memory_space<vmem>>[vector<16xi32>], vector<16xf32>,
      %get3A_39 = arith.constant 64 : index
      %get3A_40 = tpu.vector_load %arg4[%get3A_39] {strides = array<i32>} : memref<128xi32, #tpu.memory_space<vmem>>, vector<16xi32>,
      tpu.vector_store_idx %arg5[%get3A_40], %broadcast_in_dim3A_9 {add = true} : memref<10240xf32, #tpu.memory_space<vmem>>[vector<16xi32>], vector<16xf32>,
      %get3A_41 = arith.constant 80 : index
      %get3A_42 = tpu.vector_load %arg4[%get3A_41] {strides = array<i32>} : memref<128xi32, #tpu.memory_space<vmem>>, vector<16xi32>,
      tpu.vector_store_idx %arg5[%get3A_42], %broadcast_in_dim3A_9 {add = true} : memref<10240xf32, #tpu.memory_space<vmem>>[vector<16xi32>], vector<16xf32>,
      %get3A_43 = arith.constant 96 : index
      %get3A_44 = tpu.vector_load %arg4[%get3A_43] {strides = array<i32>} : memref<128xi32, #tpu.memory_space<vmem>>, vector<16xi32>,
      tpu.vector_store_idx %arg5[%get3A_44], %broadcast_in_dim3A_9 {add = true} : memref<10240xf32, #tpu.memory_space<vmem>>[vector<16xi32>], vector<16xf32>,
      %get3A_45 = arith.constant 112 : index
      %get3A_46 = tpu.vector_load %arg4[%get3A_45] {strides = array<i32>} : memref<128xi32, #tpu.memory_space<vmem>>, vector<16xi32>,
      tpu.vector_store_idx %arg5[%get3A_46], %broadcast_in_dim3A_9 {add = true} : memref<10240xf32, #tpu.memory_space<vmem>>[vector<16xi32>], vector<16xf32>,
      %while3A_47 = arith.constant 0 : i32
      scf.yield %while3A_47 : i32
    }
    "tpu.region"() ({
      %run_scoped3A = tpu.sem_alloc : memref<!tpu.dma_semaphore, #tpu.memory_space<semaphore_mem>>
      %dma_start3A = arith.constant 0 : i32
      %dma_start3A_25 = tpu.memref_slice %arg3[%arg0, %arg1, %dma_start3A] : memref<2x16x10240xf32, #tpu.memory_space<hbm>> -> memref<1x1x10240xf32, #tpu.memory_space<hbm>>
      %dma_start3A_26 = tpu.memref_squeeze %dma_start3A_25 : memref<1x1x10240xf32, #tpu.memory_space<hbm>> -> memref<10240xf32, #tpu.memory_space<hbm>>
      %dma_start3A_27 = arith.constant 0 : i32
      %dma_start3A_28 = tpu.memref_slice %arg3[%arg0, %arg1, %dma_start3A_27] : memref<2x16x10240xf32, #tpu.memory_space<hbm>> -> memref<1x1x10240xf32, #tpu.memory_space<hbm>>
      %dma_start3A_29 = tpu.memref_squeeze %dma_start3A_28 : memref<1x1x10240xf32, #tpu.memory_space<hbm>> -> memref<10240xf32, #tpu.memory_space<hbm>>
      tpu.enqueue_dma source(%arg5 : memref<10240xf32, #tpu.memory_space<vmem>>) target(%dma_start3A_29 : memref<10240xf32, #tpu.memory_space<hbm>>) target_semaphore(%run_scoped3A : memref<!tpu.dma_semaphore, #tpu.memory_space<semaphore_mem>>)
      %dma_wait3A = arith.constant 0 : i32
      %dma_wait3A_30 = tpu.memref_slice %arg3[%arg0, %arg1, %dma_wait3A] : memref<2x16x10240xf32, #tpu.memory_space<hbm>> -> memref<1x1x10240xf32, #tpu.memory_space<hbm>>
      %dma_wait3A_31 = tpu.memref_squeeze %dma_wait3A_30 : memref<1x1x10240xf32, #tpu.memory_space<hbm>> -> memref<10240xf32, #tpu.memory_space<hbm>>
      %dma_wait3A_32 = arith.constant 0 : i32
      %dma_wait3A_33 = tpu.memref_slice %arg3[%arg0, %arg1, %dma_wait3A_32] : memref<2x16x10240xf32, #tpu.memory_space<hbm>> -> memref<1x1x10240xf32, #tpu.memory_space<hbm>>
      %dma_wait3A_34 = tpu.memref_squeeze %dma_wait3A_33 : memref<1x1x10240xf32, #tpu.memory_space<hbm>> -> memref<10240xf32, #tpu.memory_space<hbm>>
      tpu.wait_dma2 semaphore(%run_scoped3A : memref<!tpu.dma_semaphore, #tpu.memory_space<semaphore_mem>>) src(%arg5 : memref<10240xf32, #tpu.memory_space<vmem>>) dst(%dma_wait3A_34 : memref<10240xf32, #tpu.memory_space<hbm>>)
      tpu.yield
    }) : () -> ()
    return
  }
}

module attributes {stable_mosaic.version = 14 : i64} {
  func.func @body(%arg0: i32, %arg1: memref<1x2x512x128xf32, #tpu.memory_space<vmem>>, %arg2: memref<2x16x512xf32, #tpu.memory_space<vmem>>, %arg3: memref<1x512x128xf32, #tpu.memory_space<vmem>>, %arg4: memref<128x128xf32, #tpu.memory_space<vmem>>, %arg5: memref<1x128xf32, #tpu.memory_space<vmem>>, %arg6: memref<128x128xf32, #tpu.memory_space<vmem>>, %arg7: memref<512x128xf32, #tpu.memory_space<vmem>>) attributes {dimension_semantics = [#tpu.dimension_semantics<arbitrary>], iteration_bounds = array<i64: 20>, scalar_prefetch = 0 : i64, scratch_operands = 0 : i64, tpu.core_type = #tpu.core_type<tc>, window_params = [{transform_indices = @transform_0, window_bounds = array<i64: 1, 2, 512, 128>}, {transform_indices = @transform_1, window_bounds = array<i64: 2, 16, 512>}, {transform_indices = @transform_2, window_bounds = array<i64: 1, 512, 128>}, {pipeline_mode = #tpu.pipeline_mode<synchronous>, transform_indices = @transform_3, window_bounds = array<i64: 128, 128>}, {pipeline_mode = #tpu.pipeline_mode<synchronous>, transform_indices = @transform_4, window_bounds = array<i64: 1, 128>}, {pipeline_mode = #tpu.pipeline_mode<synchronous>, transform_indices = @transform_5, window_bounds = array<i64: 128, 128>}, {transform_indices = @transform_6, window_bounds = array<i64: 512, 128>}]} {
    %get3A = arith.constant 0 : index
    %get3A_0 = arith.constant 0 : index
    %get3A_1 = arith.constant 0 : index
    %get3A_2 = arith.constant 0 : index
    %get3A_3 = vector.load %arg1[%get3A, %get3A_0, %get3A_1, %get3A_2] : memref<1x2x512x128xf32, #tpu.memory_space<vmem>>, vector<1x1x512x128xf32>
    %get3A_4 = vector.shape_cast %get3A_3 : vector<1x1x512x128xf32> to vector<512x128xf32>
    %get3A_5 = arith.constant 0 : index
    %get3A_6 = arith.constant 1 : index
    %get3A_7 = arith.constant 0 : index
    %get3A_8 = arith.constant 0 : index
    %get3A_9 = vector.load %arg1[%get3A_5, %get3A_6, %get3A_7, %get3A_8] : memref<1x2x512x128xf32, #tpu.memory_space<vmem>>, vector<1x1x512x128xf32>
    %get3A_10 = vector.shape_cast %get3A_9 : vector<1x1x512x128xf32> to vector<512x128xf32>
    %add3A = arith.addf %get3A_4, %get3A_10 : vector<512x128xf32>
    %get3A_11 = arith.constant 0 : index
    %get3A_12 = arith.constant 0 : index
    %get3A_13 = arith.constant 0 : index
    %get3A_14 = vector.load %arg2[%get3A_11, %get3A_12, %get3A_13] : memref<2x16x512xf32, #tpu.memory_space<vmem>>, vector<2x16x512xf32>
    %reduce_sum3A = arith.constant dense<0.000000e+00> : vector<512xf32>
    %reduce_sum3A_15 = vector.multi_reduction <add>, %get3A_14, %reduce_sum3A [0, 1] : vector<2x16x512xf32> to vector<512xf32>
    %max3A = arith.constant 1.000000e+00 : f32
    %max3A_16 = vector.broadcast %max3A : f32 to vector<512xf32>
    %max3A_17 = arith.maximumf %reduce_sum3A_15, %max3A_16 : vector<512xf32>
    %broadcast_in_dim3A = vector.shape_cast %max3A_17 : vector<512xf32> to vector<512x1xf32>
    %div3A = vector.broadcast %broadcast_in_dim3A : vector<512x1xf32> to vector<512x128xf32>
    %div3A_18 = arith.divf %add3A, %div3A : vector<512x128xf32>
    %get3A_19 = arith.constant 0 : index
    %get3A_20 = arith.constant 0 : index
    %get3A_21 = arith.constant 0 : index
    %get3A_22 = vector.load %arg3[%get3A_19, %get3A_20, %get3A_21] : memref<1x512x128xf32, #tpu.memory_space<vmem>>, vector<1x512x128xf32>
    %get3A_23 = vector.shape_cast %get3A_22 : vector<1x512x128xf32> to vector<512x128xf32>
    %get3A_24 = arith.constant 0 : index
    %get3A_25 = arith.constant 0 : index
    %get3A_26 = vector.load %arg4[%get3A_24, %get3A_25] : memref<128x128xf32, #tpu.memory_space<vmem>>, vector<128x128xf32>
    %dot_general3A = arith.constant dense<0.000000e+00> : vector<512x128xf32>
    %dot_general3A_27 = tpu.matmul %div3A_18, %get3A_26, %dot_general3A {dimension_numbers = #tpu.dot_dimension_numbers<[1], [0], [0], [1], [0, 0, 1, 1], [], []>, transpose_lhs_hint = false} : vector<512x128xf32>, vector<128x128xf32>, vector<512x128xf32> -> vector<512x128xf32>
    %get3A_28 = arith.constant 0 : index
    %get3A_29 = arith.constant 0 : index
    %get3A_30 = vector.load %arg6[%get3A_28, %get3A_29] : memref<128x128xf32, #tpu.memory_space<vmem>>, vector<128x128xf32>
    %dot_general3A_31 = arith.constant dense<0.000000e+00> : vector<512x128xf32>
    %dot_general3A_32 = tpu.matmul %get3A_23, %get3A_30, %dot_general3A_31 {dimension_numbers = #tpu.dot_dimension_numbers<[1], [0], [0], [1], [0, 0, 1, 1], [], []>, transpose_lhs_hint = false} : vector<512x128xf32>, vector<128x128xf32>, vector<512x128xf32> -> vector<512x128xf32>
    %add3A_33 = arith.addf %dot_general3A_27, %dot_general3A_32 : vector<512x128xf32>
    %get3A_34 = arith.constant 0 : index
    %get3A_35 = arith.constant 0 : index
    %get3A_36 = vector.load %arg5[%get3A_34, %get3A_35] : memref<1x128xf32, #tpu.memory_space<vmem>>, vector<1x128xf32>
    %add3A_37 = vector.broadcast %get3A_36 : vector<1x128xf32> to vector<512x128xf32>
    %add3A_38 = arith.addf %add3A_33, %add3A_37 : vector<512x128xf32>
    %swap3A = arith.constant 0 : index
    %swap3A_39 = arith.constant 0 : index
    %swap3A_40 = vector.load %arg7[%swap3A, %swap3A_39] : memref<512x128xf32, #tpu.memory_space<vmem>>, vector<512x128xf32>
    tpu.vector_store %arg7[%swap3A, %swap3A_39], %add3A_38 {strides = array<i32>} : memref<512x128xf32, #tpu.memory_space<vmem>>, vector<512x128xf32>,
    return
  }
  func.func @transform_0(%arg0: i32) -> (i32, i32, i32, i32) {
    %c0_i32 = arith.constant 0 : i32
    %c0_i32_0 = arith.constant 0 : i32
    %c0_i32_1 = arith.constant 0 : i32
    %c0_i32_2 = arith.constant 0 : i32
    return %c0_i32, %c0_i32_0, %arg0, %c0_i32_1 : i32, i32, i32, i32
  }
  func.func @transform_1(%arg0: i32) -> (i32, i32, i32) {
    %c0_i32 = arith.constant 0 : i32
    %c0_i32_0 = arith.constant 0 : i32
    %c0_i32_1 = arith.constant 0 : i32
    return %c0_i32, %c0_i32_0, %arg0 : i32, i32, i32
  }
  func.func @transform_2(%arg0: i32) -> (i32, i32, i32) {
    %c0_i32 = arith.constant 0 : i32
    %c0_i32_0 = arith.constant 0 : i32
    %c0_i32_1 = arith.constant 0 : i32
    return %c0_i32, %arg0, %c0_i32_0 : i32, i32, i32
  }
  func.func @transform_3(%arg0: i32) -> (i32, i32) {
    %c0_i32 = arith.constant 0 : i32
    %c0_i32_0 = arith.constant 0 : i32
    %c0_i32_1 = arith.constant 0 : i32
    return %c0_i32, %c0_i32_0 : i32, i32
  }
  func.func @transform_4(%arg0: i32) -> (i32, i32) {
    %c0_i32 = arith.constant 0 : i32
    %c0_i32_0 = arith.constant 0 : i32
    %c0_i32_1 = arith.constant 0 : i32
    return %c0_i32, %c0_i32_0 : i32, i32
  }
  func.func @transform_5(%arg0: i32) -> (i32, i32) {
    %c0_i32 = arith.constant 0 : i32
    %c0_i32_0 = arith.constant 0 : i32
    %c0_i32_1 = arith.constant 0 : i32
    return %c0_i32, %c0_i32_0 : i32, i32
  }
  func.func @transform_6(%arg0: i32) -> (i32, i32) {
    %c0_i32 = arith.constant 0 : i32
    %c0_i32_0 = arith.constant 0 : i32
    return %arg0, %c0_i32 : i32, i32
  }
}

module attributes {stable_mosaic.version = 14 : i64} {
  func.func @body(%arg0: i32, %arg1: memref<1x2x512x128xf32, #tpu.memory_space<vmem>>, %arg2: memref<2x16x512xf32, #tpu.memory_space<vmem>>, %arg3: memref<1x512x128xf32, #tpu.memory_space<vmem>>, %arg4: memref<128x128xf32, #tpu.memory_space<vmem>>, %arg5: memref<1x128xf32, #tpu.memory_space<vmem>>, %arg6: memref<128x128xf32, #tpu.memory_space<vmem>>, %arg7: memref<1x512x128xf32, #tpu.memory_space<vmem>>) attributes {dimension_semantics = [#tpu.dimension_semantics<arbitrary>], iteration_bounds = array<i64: 20>, scalar_prefetch = 0 : i64, scratch_operands = 0 : i64, tpu.core_type = #tpu.core_type<tc>, window_params = [{transform_indices = @transform_0, window_bounds = array<i64: 1, 2, 512, 128>}, {transform_indices = @transform_1, window_bounds = array<i64: 2, 16, 512>}, {transform_indices = @transform_2, window_bounds = array<i64: 1, 512, 128>}, {pipeline_mode = #tpu.pipeline_mode<synchronous>, transform_indices = @transform_3, window_bounds = array<i64: 128, 128>}, {pipeline_mode = #tpu.pipeline_mode<synchronous>, transform_indices = @transform_4, window_bounds = array<i64: 1, 128>}, {pipeline_mode = #tpu.pipeline_mode<synchronous>, transform_indices = @transform_5, window_bounds = array<i64: 128, 128>}, {transform_indices = @transform_6, window_bounds = array<i64: 1, 512, 128>}]} {
    %get3A = arith.constant 0 : index
    %get3A_0 = arith.constant 0 : index
    %get3A_1 = arith.constant 0 : index
    %get3A_2 = arith.constant 0 : index
    %get3A_3 = vector.load %arg1[%get3A, %get3A_0, %get3A_1, %get3A_2] : memref<1x2x512x128xf32, #tpu.memory_space<vmem>>, vector<1x1x512x128xf32>
    %get3A_4 = vector.shape_cast %get3A_3 : vector<1x1x512x128xf32> to vector<512x128xf32>
    %get3A_5 = arith.constant 0 : index
    %get3A_6 = arith.constant 1 : index
    %get3A_7 = arith.constant 0 : index
    %get3A_8 = arith.constant 0 : index
    %get3A_9 = vector.load %arg1[%get3A_5, %get3A_6, %get3A_7, %get3A_8] : memref<1x2x512x128xf32, #tpu.memory_space<vmem>>, vector<1x1x512x128xf32>
    %get3A_10 = vector.shape_cast %get3A_9 : vector<1x1x512x128xf32> to vector<512x128xf32>
    %add3A = arith.addf %get3A_4, %get3A_10 : vector<512x128xf32>
    %get3A_11 = arith.constant 0 : index
    %get3A_12 = arith.constant 0 : index
    %get3A_13 = arith.constant 0 : index
    %get3A_14 = vector.load %arg2[%get3A_11, %get3A_12, %get3A_13] : memref<2x16x512xf32, #tpu.memory_space<vmem>>, vector<2x16x512xf32>
    %reduce_sum3A = arith.constant dense<0.000000e+00> : vector<512xf32>
    %reduce_sum3A_15 = vector.multi_reduction <add>, %get3A_14, %reduce_sum3A [0, 1] : vector<2x16x512xf32> to vector<512xf32>
    %max3A = arith.constant 1.000000e+00 : f32
    %max3A_16 = vector.broadcast %max3A : f32 to vector<512xf32>
    %max3A_17 = arith.maximumf %reduce_sum3A_15, %max3A_16 : vector<512xf32>
    %broadcast_in_dim3A = vector.shape_cast %max3A_17 : vector<512xf32> to vector<512x1xf32>
    %div3A = vector.broadcast %broadcast_in_dim3A : vector<512x1xf32> to vector<512x128xf32>
    %div3A_18 = arith.divf %add3A, %div3A : vector<512x128xf32>
    %get3A_19 = arith.constant 0 : index
    %get3A_20 = arith.constant 0 : index
    %get3A_21 = arith.constant 0 : index
    %get3A_22 = vector.load %arg3[%get3A_19, %get3A_20, %get3A_21] : memref<1x512x128xf32, #tpu.memory_space<vmem>>, vector<1x512x128xf32>
    %get3A_23 = vector.shape_cast %get3A_22 : vector<1x512x128xf32> to vector<512x128xf32>
    %get3A_24 = arith.constant 0 : index
    %get3A_25 = arith.constant 0 : index
    %get3A_26 = vector.load %arg4[%get3A_24, %get3A_25] : memref<128x128xf32, #tpu.memory_space<vmem>>, vector<128x128xf32>
    %dot_general3A = arith.constant dense<0.000000e+00> : vector<512x128xf32>
    %dot_general3A_27 = tpu.matmul %div3A_18, %get3A_26, %dot_general3A {dimension_numbers = #tpu.dot_dimension_numbers<[1], [0], [0], [1], [0, 0, 1, 1], [], []>, transpose_lhs_hint = false} : vector<512x128xf32>, vector<128x128xf32>, vector<512x128xf32> -> vector<512x128xf32>
    %get3A_28 = arith.constant 0 : index
    %get3A_29 = arith.constant 0 : index
    %get3A_30 = vector.load %arg6[%get3A_28, %get3A_29] : memref<128x128xf32, #tpu.memory_space<vmem>>, vector<128x128xf32>
    %dot_general3A_31 = arith.constant dense<0.000000e+00> : vector<512x128xf32>
    %dot_general3A_32 = tpu.matmul %get3A_23, %get3A_30, %dot_general3A_31 {dimension_numbers = #tpu.dot_dimension_numbers<[1], [0], [0], [1], [0, 0, 1, 1], [], []>, transpose_lhs_hint = false} : vector<512x128xf32>, vector<128x128xf32>, vector<512x128xf32> -> vector<512x128xf32>
    %add3A_33 = arith.addf %dot_general3A_27, %dot_general3A_32 : vector<512x128xf32>
    %get3A_34 = arith.constant 0 : index
    %get3A_35 = arith.constant 0 : index
    %get3A_36 = vector.load %arg5[%get3A_34, %get3A_35] : memref<1x128xf32, #tpu.memory_space<vmem>>, vector<1x128xf32>
    %add3A_37 = vector.broadcast %get3A_36 : vector<1x128xf32> to vector<512x128xf32>
    %add3A_38 = arith.addf %add3A_33, %add3A_37 : vector<512x128xf32>
    %max3A_39 = arith.constant 0.000000e+00 : f32
    %max3A_40 = vector.broadcast %max3A_39 : f32 to vector<512x128xf32>
    %max3A_41 = arith.maximumf %add3A_38, %max3A_40 : vector<512x128xf32>
    %swap3A = arith.constant 0 : index
    %swap3A_42 = arith.constant 0 : index
    %swap3A_43 = arith.constant 0 : index
    %swap3A_44 = vector.load %arg7[%swap3A, %swap3A_42, %swap3A_43] : memref<1x512x128xf32, #tpu.memory_space<vmem>>, vector<1x512x128xf32>
    %swap3A_45 = vector.shape_cast %swap3A_44 : vector<1x512x128xf32> to vector<512x128xf32>
    %swap3A_46 = vector.shape_cast %max3A_41 : vector<512x128xf32> to vector<1x512x128xf32>
    tpu.vector_store %arg7[%swap3A, %swap3A_42, %swap3A_43], %swap3A_46 {strides = array<i32>} : memref<1x512x128xf32, #tpu.memory_space<vmem>>, vector<1x512x128xf32>,
    return
  }
  func.func @transform_0(%arg0: i32) -> (i32, i32, i32, i32) {
    %c0_i32 = arith.constant 0 : i32
    %c0_i32_0 = arith.constant 0 : i32
    %c0_i32_1 = arith.constant 0 : i32
    %c0_i32_2 = arith.constant 0 : i32
    return %c0_i32, %c0_i32_0, %arg0, %c0_i32_1 : i32, i32, i32, i32
  }
  func.func @transform_1(%arg0: i32) -> (i32, i32, i32) {
    %c0_i32 = arith.constant 0 : i32
    %c0_i32_0 = arith.constant 0 : i32
    %c0_i32_1 = arith.constant 0 : i32
    return %c0_i32, %c0_i32_0, %arg0 : i32, i32, i32
  }
  func.func @transform_2(%arg0: i32) -> (i32, i32, i32) {
    %c0_i32 = arith.constant 0 : i32
    %c0_i32_0 = arith.constant 0 : i32
    %c0_i32_1 = arith.constant 0 : i32
    return %c0_i32, %arg0, %c0_i32_0 : i32, i32, i32
  }
  func.func @transform_3(%arg0: i32) -> (i32, i32) {
    %c0_i32 = arith.constant 0 : i32
    %c0_i32_0 = arith.constant 0 : i32
    %c0_i32_1 = arith.constant 0 : i32
    return %c0_i32, %c0_i32_0 : i32, i32
  }
  func.func @transform_4(%arg0: i32) -> (i32, i32) {
    %c0_i32 = arith.constant 0 : i32
    %c0_i32_0 = arith.constant 0 : i32
    %c0_i32_1 = arith.constant 0 : i32
    return %c0_i32, %c0_i32_0 : i32, i32
  }
  func.func @transform_5(%arg0: i32) -> (i32, i32) {
    %c0_i32 = arith.constant 0 : i32
    %c0_i32_0 = arith.constant 0 : i32
    %c0_i32_1 = arith.constant 0 : i32
    return %c0_i32, %c0_i32_0 : i32, i32
  }
  func.func @transform_6(%arg0: i32) -> (i32, i32, i32) {
    %c0_i32 = arith.constant 0 : i32
    %c0_i32_0 = arith.constant 0 : i32
    %c0_i32_1 = arith.constant 0 : i32
    return %c0_i32, %arg0, %c0_i32_0 : i32, i32, i32
  }
}

</mosaic_0001>

<sc_bundles>
// kernel: kernel.10.cloned.1.call-start
scs
__scs_entry_jumppad:
0x0: {  	(pc) =	sbr.rel $0x88, $3  }
0x1: {  	(tag) =	ssettag $0x0;
	lr =	simm.s32 $0x1  }
0x2: {  	[smem:$0x3F99] =	sst lr;
	_ =	strace $0xD0000000  }
0x3: {  	_ = 	snop  }
0x4: {  	_ = 	snop  }
0x5: {  	_ = 	snop  }
0x6: {  	_ = 	snop  }
0x7: {  	_ = 	snop  }
__scs_overlays_trampoline_lowered:
0x8: {  	[smem:$0x3FA8] =	sst s0  }
0x9: {  	[smem:$0x3FA9] =	sst s1  }
0xa: {  	[smem:$0x3FAA] =	sst s2  }
0xb: {  	[smem:$0x3FAB] =	sst s3  }
0xc: {  	[smem:$0x3FAC] =	sst s4  }
0xd: {  	[smem:$0x3FAD] =	sst s5  }
0xe: {  	[smem:$0x3FAE] =	sst s6  }
0xf: {  	[smem:$0x3FAF] =	sst s7  }
0x10: {  	[smem:$0x3FB0] =	sst s8  }
0x11: {  	[smem:$0x3FB1] =	sst s9;
	s0 =	simm.s32 @!p0 $0x0  }
0x12: {  	s1 =	sld [smem:$0x3F97];
	s0 =	simm.s32 @p0 $0x1  }
0x13: {  	[smem:$0x3FB2] =	sst s0;
	s0 =	simm.s32 @!p1 $0x0  }
0x14: {  	s2 =	sld [smem:$0x3F96];
	s0 =	simm.s32 @p1 $0x1  }
0x15: {  	[smem:$0x3FB3] =	sst s0;
	s0 =	simm.s32 @!p2 $0x0  }
0x16: {  	s3 =	sld [smem:$0x3FDB];
	s0 =	simm.s32 @p2 $0x1  }
0x17: {  	s4 =	simm.s32 $0x1BF5;
	[smem:$0x3FB5] =	sst s0  }
0x18: {  	s0 =	sld [smem:$0x3F98];
	_ =	swait.ge [sflag:s4], $0x0  }
0x19: {  	s7 =	sld [smem:$0x3F99]  }
0x1a: {  	s8 =	sadd.s32 $0xFFFFE003, lr  }
0x1b: {  	s9 =	sadd.s32 $0xFFFFFEF7, lr;
	s5 =	simm.s32 $0xFFFFFFFF;
	p2 =	slt.u32 s8, $0xFFFFF086  }
0x1c: {  	p1 =	slt.u32 s9, $0xF7A;
	s5 =	simm.s32 @!p2 $0x0  }
0x1d: {  	s5 =	simm.s32 @p1 $0x1;
	p0 =	seq.s32 s7, s2  }
0x1e: {  	s7 =	smul.u32 @!p0 $0xF7A, s2;
	p2 =	seq.s32 @!p0 s5, $0x0  }
0x1f: {  	s9 =	smul.u32 $0xF7A, s1;
	s8 =	simm.s32 @!p0 $0x1BF5;
	p2 =	por !p2, p0  }
0x20: {  	[sflag:s8] =	ssyncset.s32 @!p0 $0xFFFFF086;
	s6 =	sadd.s32 @!p0 s3, s7;
	s7 =	simm.s32 @!p0 $0x108  }
0x21: {  	s3 =	sadd.s32 s3, s9;
	s6 =	sadd.s32 @!p0 $0x88, s6;
	s7 =	simm.s32 @p2 $0x1082  }
0x22: {  	[simem:s7], [sflag:s8] =	dma.local @!p0 [hbm:s6], $0xF7A  }
0x23: {  	s9 =	sor.u32 $0xD0000000, s2;
	s6 =	simm.s32 $0x108;
	_ =	swait.ge @!p0 [sflag:s8], $0x0  }
0x24: {  	s3 =	sadd.s32 $0x88, s3;
	s6 =	simm.s32 @!p1 $0x1082;
	[sflag:s4] =	ssyncset.s32 $0xFFFFF086  }
0x25: {  	[simem:s6], [sflag:s4] =	dma.local [hbm:s3], $0xF7A  }
0x26: {  	[smem:$0x3F99] =	sst s1;
	(tag) =	ssettag s2;
	_ =	strace s9  }
0x27: {  	s1 =	sld [smem:$0x3FA9]  }
0x28: {  	s2 =	sld [smem:$0x3FAA]  }
0x29: {  	s4 =	sld [smem:$0x3FAC]  }
0x2a: {  	p0 =	seq.s32 s5, $0x0;
	s5 =	sld [smem:$0x3FAD]  }
0x2b: {  	s6 =	sld [smem:$0x3FAE]  }
0x2c: {  	s7 =	sld [smem:$0x3FAF]  }
0x2d: {  	s3 =	simm.s32 $0x108;
	s8 =	sld [smem:$0x3FB0]  }
0x2e: {  	s3 =	simm.s32 @!p0 $0x1082;
	s9 =	sld [smem:$0x3FB1]  }
0x2f: {  	lr =	sadd.s32 s0, s3;
	s0 =	sld [smem:$0x3FA8]  }
0x30: {  	s3 =	sld [smem:$0x3FAB]  }
0x31: {  	[smem:$0x3FB4] =	sst s10  }
0x32: {  	s10 =	sld [smem:$0x3FB2];
	_ =	sdelay $0x3  }
0x33: {  	p0 =	seq.s32 s10, $0x1;
	s10 =	sld [smem:$0x3FB4];
	_ =	sdelay $0x3  }
0x34: {  	[smem:$0x3FB4] =	sst s10  }
0x35: {  	s10 =	sld [smem:$0x3FB3];
	_ =	sdelay $0x3  }
0x36: {  	p1 =	seq.s32 s10, $0x1;
	s10 =	sld [smem:$0x3FB4];
	_ =	sdelay $0x3  }
0x37: {  	[smem:$0x3FB4] =	sst s10  }
0x38: {  	s10 =	sld [smem:$0x3FB5]  }
0x39: {  	_ = 	snop;
	(pc) =	sbr.ind lr, $3  }
0x3a: {  	_ = 	snop  }
0x3b: {  	_ = 	snop  }
0x3c: {  	p2 =	seq.s32 s10, $0x1;
	s10 =	sld [smem:$0x3FB4]  }
0x3d: {  	_ =	shalt  }
0x3e: {  	_ =	shalt  }
0x3f: {  	_ =	shalt  }
0x40: {  	_ =	shalt  }
0x41: {  	_ =	shalt  }
0x42: {  	_ =	shalt  }
0x43: {  	_ =	shalt  }
0x44: {  	_ =	shalt  }
0x45: {  	_ =	shalt  }
0x46: {  	_ =	shalt  }
0x47: {  	_ =	shalt  }
0x48: {  	_ =	shalt  }
0x49: {  	_ =	shalt  }
0x4a: {  	_ =	shalt  }
0x4b: {  	_ =	shalt  }
0x4c: {  	_ =	shalt  }
0x4d: {  	_ =	shalt  }
0x4e: {  	_ =	shalt  }
0x4f: {  	_ =	shalt  }
0x50: {  	_ =	shalt  }
0x51: {  	_ =	shalt  }
0x52: {  	_ =	shalt  }
0x53: {  	_ =	shalt  }
0x54: {  	_ =	shalt  }
0x55: {  	_ =	shalt  }
0x56: {  	_ =	shalt  }
0x57: {  	_ =	shalt  }
0x58: {  	_ =	shalt  }
0x59: {  	_ =	shalt  }
0x5a: {  	_ =	shalt  }
0x5b: {  	_ =	shalt  }
0x5c: {  	_ =	shalt  }
0x5d: {  	_ =	shalt  }
0x5e: {  	_ =	shalt  }
0x5f: {  	_ =	shalt  }
0x60: {  	_ =	shalt  }
0x61: {  	_ =	shalt  }
0x62: {  	_ =	shalt  }
0x63: {  	_ =	shalt  }
0x64: {  	_ =	shalt  }
0x65: {  	_ =	shalt  }
0x66: {  	_ =	shalt  }
0x67: {  	_ =	shalt  }
0x68: {  	_ =	shalt  }
0x69: {  	_ =	shalt  }
0x6a: {  	_ =	shalt  }
0x6b: {  	_ =	shalt  }
0x6c: {  	_ =	shalt  }
0x6d: {  	_ =	shalt  }
0x6e: {  	_ =	shalt  }
0x6f: {  	_ =	shalt  }
0x70: {  	_ =	shalt  }
0x71: {  	_ =	shalt  }
0x72: {  	_ =	shalt  }
0x73: {  	_ =	shalt  }
0x74: {  	_ =	shalt  }
0x75: {  	_ =	shalt  }
0x76: {  	_ =	shalt  }
0x77: {  	_ =	shalt  }
0x78: {  	_ =	shalt  }
0x79: {  	_ =	shalt  }
0x7a: {  	_ =	shalt  }
0x7b: {  	_ =	shalt  }
0x7c: {  	_ =	shalt  }
0x7d: {  	_ =	shalt  }
0x7e: {  	_ =	shalt  }
0x7f: {  	_ =	shalt  }
0x80: {  	_ =	shalt  }
0x81: {  	_ =	shalt  }
0x82: {  	_ =	shalt  }
0x83: {  	_ =	shalt  }
0x84: {  	_ =	shalt  }
0x85: {  	_ =	shalt  }
0x86: {  	_ =	shalt  }
0x87: {  	_ =	shalt  }
.Lfunc_end0:
.L_simem_size_0:
called_computation.1_lowered:
.L_overlay_start_0:
0x88: {  	s2 =	sld [smem:$0x3FD9]  }
0x89: {  	s3 =	sld [smem:$0x3FFE];
	_ =	sdelay $0x1  }
0x8a: {  	s1 =	srdreg.scid  }
0x8b: {  	s0 =	sand.u32 $0x1, s1  }
0x8c: {  	s16 =	sshll.u32 s0, $0xA;
	s2 =	sadd.s32 s3, s2  }
0x8d: {  	s2 =	sadd.s32 s2, s16  }
0x8e: {  	[smem:$0x3FC0] =	sst s2  }
0x8f: {  	_ = 	snop  }
0x90: {  	(tm) =	ssettm $0x1  }
0x91: {  	s17 =	sld [smem:$0x3FFB];
	_ =	sdelay $0x3  }
0x92: {  	_ =	strace s17  }
0x93: {  	s2 =	sld [smem:$0x3FFC];
	_ =	sdelay $0x3  }
0x94: {  	_ =	strace s2  }
0x95: {  	s2 =	sld [smem:$0x3FFD];
	_ =	sdelay $0x3  }
0x96: {  	_ =	strace s2  }
0x97: {  	_ =	strace $0x8FFFFFFF  }
0x98: {  	s18 =	sld [smem:$0x3FDB];
	_ =	sdelay $0x1  }
0x99: {  	s19 =	simm.s32 $_scs_section_size  }
0x9a: {  	s4 =	simm.s32 $_size__tile_overlayer_lowered;
	s5 =	simm.s32 $_tile_overlayer_lowered  }
0x9b: {  	s22 =	simm.s32 $0x1BFF;
	s21 =	sshll.u32 s5, $0x1;
	s2 =	sadd.s32 s19, s18  }
0x9c: {  	s6 =	simm.s32 $0x0;
	s20 =	sshll.u32 s4, $0x1;
	s4 =	sadd.s32 s21, s2  }
0x9d: {  	[timem:s6], [sflag:s22] =	dma.local [hbm:s4], s20  }
0x9e: {  	_ =	swait.ge [sflag:s22], s20  }
0x9f: {  	s3 =	ssub.s32 $0x0, s20;
	[sflag:s22] =	ssyncset.done $0x0  }
0xa0: {  	[sflag:s22] =	ssyncadd.s32 s3;
	_ =	sdelay $0x1  }
0xa1: {  	s23 =	simm.s32 $0x1B8B  }
0xa2: {  	_ =	swait.ge [sflag:s23], $0x1  }
0xa3: {  	[sflag:s23] =	ssyncset.done $0x0  }
0xa4: {  	s25 =	simm.s32 $0x1B8E;
	s24 =	sld [smem:$0x3FFE];
	[sflag:s23] =	ssyncadd.s32 $0xFFFFFFFF  }
0xa5: {  	s26 =	simm.s32 $execute0_lowered;
	[smem:$0x3FD2] =	sst s25  }
0xa6: {  	s4 =	sshll.u32 s26, $0x1;
	_ =	strace $0x80000046;
	[dreg:$0x1] =	wrdreg $0xFFFFFFFF  }
0xa7: {  	s28 =	simm.s32 $_size_execute0_lowered;
	s2 =	sadd.s32 s2, s4;
	[dreg:$0x0] =	wrdreg $0x0  }
0xa8: {  	s4 =	sshll.u32 s28, $0x1;
	[dreg:$0x2] =	wrdreg s2  }
0xa9: {  	[dreg:$0x3] =	wrdreg s4  }
0xaa: {  	[dreg:$0x4] =	wrdreg $0xC0  }
0xab: {  	_ =	task [dreg:s6], $0x5FFFF  }
0xac: {  	[dreg:$0x1] =	wrdreg $0xFFFFFFFF  }
0xad: {  	[dreg:$0x0] =	wrdreg $0x60  }
0xae: {  	[dreg:$0x2] =	wrdreg s24  }
0xaf: {  	[dreg:$0x3] =	wrdreg $0x81800  }
0xb0: {  	[dreg:$0x4] =	wrdreg $0xA  }
0xb1: {  	_ =	task.clear_ibuf [dreg:s6], $0x5FFFF;
	_ =	strace $0x90000046  }
0xb2: {  	s29 =	simm.s32 $0xA;
	_ =	strace $0x80000048  }
0xb3: {  	_ =	swait.ge [sflag:s29], $0x1  }
0xb4: {  	[sflag:s29] =	ssyncadd.s32 $0xFFFFFFFF  }
0xb5: {  	_ =	strace $0x90000048  }
0xb6: {  	_ =	sfence  }
0xb7: {  	s30 =	sld [smem:$0x0];
	_ =	sdelay $0x2  }
0xb8: {  	s31 =	sshll.u32 s1, $0xD;
	s1 =	sshrl.u32 s1, $0x2  }
0xb9: {  	s3 =	sand.u32 $0x4000, s31;
	s1 =	sadd.s32 s1, s30  }
0xba: {  	s0 =	sor.u32 s3, s0;
	s1 =	sshll.u32 s1, $0x11  }
0xbb: {  	s0 =	sor.u32 s1, s0  }
0xbc: {  	s0 =	sadd.s32 $0x8F2B, s0  }
0xbd: {  	[sflag:s0] =	ssyncadd.remote.s32 $0x1  }
0xbe: {  	_ =	sfence.sel $0xFFFF  }
0xbf: {  	[dreg:$0x0] =	wrdreg $0xFFFFFFFF;
	(pc) =	sbr.abs _section_cstart, $3  }
0xc0: {  	[dreg:$0x1] =	wrdreg $0xFFFFFFFF  }
0xc1: {  	_ =	task.clear_ibuf [dreg:s6], $0x2FFFF;
	_ =	strace $0x9FFFFFFF  }
0xc2: {  	(tm) =	ssettm $0x7FFFFFFF  }
0xc3: {  	_ =	shalt  }
tec
execute0_lowered:
.L_overlay_start_1:
0x0: {  	(tag) =	ssettag $0x1  }
0x1: {  	s0 =	rddreg [dreg:$0x0]  }
0x2: {  	s2 =	rddreg [dreg:$0x1];
	s4 =	srdreg.scid;
	s3 =	simm.s32 $0x0  }
0x3: {  	s1 =	stileid.u32;
	s20 =	simm.s32 $0x5;
	s21 =	simm.s32 $0x3  }
0x4: {  	s28 =	simm.s32 $0x2;
	s29 =	simm.s32 $0x0;
	s7 =	sand.u32 $0x1, s4  }
0x5: {  	[smem:$0x7FF] =	sst s3;
	s22 =	sshll.u32 s1, $0x8;
	s8 =	smul.u32 $0x50000, s1  }
0x6: {  	s4 =	sadd.s32 $0x15A00, s0;
	s10 =	smul.u32 $0x14000, s1;
	p0 =	slt.u32 s1, $0x2  }
0x7: {  	s5 =	sshll.u32 s7, $0x7;
	_ =	strace $0x80000047;
	s6 =	ssub.s32 $0x2, s7  }
0x8: {  	s15 =	smul.u32 $0x140000, s7;
	s5 =	sor.u32 s5, s22;
	s23 =	sshrl.u32 s6, $0x1  }
0x9: {  	s24 =	sshrl.u32 s8, $0x2;
	s11 =	sadd.s32 $0x4000, s10;
	s13 =	sadd.s32 $0x8000, s10  }
0xa: {  	s14 =	sadd.s32 $0xC000, s10;
	s18 =	sadd.s32 $0x10000, s10;
	s22 =	simm.s32 $0x4  }
0xb: {  	s5 =	sshrl.u32 s5, $0x3;
	s16 =	ssub.s32 s6, s23;
	s6 =	sadd.s32 s24, s2  }
0xc: {  	s7 =	sadd.s32 s11, s2;
	s8 =	sadd.s32 s13, s2;
	s9 =	sadd.s32 s14, s2  }
0xd: {  	s12 =	sadd.s32 s10, s15;
	s11 =	sadd.s32 s15, s11;
	s10 =	sadd.s32 s18, s2  }
0xe: {  	s13 =	sadd.s32 s15, s13;
	s14 =	sadd.s32 s15, s14;
	s15 =	sadd.s32 s15, s18  }
0xf: {  	s23 =	simm.s32 $0x100;
	s24 =	simm.s32 $0x1;
	s17 =	sadd.s32 s5, s0  }
0x10: {  	s0 =	sadd.s32 $0x3DA00, s0;
	s5 =	simm.s32 $0x4F;
	s12 =	sshrl.u32 s12, $0x3  }
0x11: {  	s19 =	sshrl.u32 s11, $0x3;
	s13 =	sshrl.u32 s13, $0x3;
	s14 =	sshrl.u32 s14, $0x3  }
0x12: {  	s15 =	sshrl.u32 s15, $0x3;
	s16 =	smax.u32 s16, $0x1;
	s5 =	simm.s32 @!p0 $0x4E  }
.Ltmp0:
0x13: {  	s25 =	sadd.s32 s0, s12;
	s26 =	sadd.s32 s0, s19;
	(pc) =	sbr.rel .LBB2_1-.Ltmp0, $4  }
0x14: {  	s30 =	sadd.s32 s0, s13;
	s31 =	sadd.s32 s0, s14;
	[dreg:$0x3] =	wrdreg s25  }
0x15: {  	s15 =	sadd.s32 s0, s15;
	s0 =	sadd.s32 $0x1E00, s17;
	[dreg:$0x4] =	wrdreg s26  }
0x16: {  	s18 =	sadd.s32 $0xBC00, s17;
	s19 =	simm.s32 $0x180;
	[dreg:$0x5] =	wrdreg s30  }
0x17: {  	v0 =	vimm.f32 $0.0e+00;
	[dreg:$0x6] =	wrdreg s31;
	s25 =	simm.s32 $0x80;
	s26 =	simm.s32 $0x4180  }
.LBB2_7:
0x18: {  	_ =	swait.ge [sflag:s21], $0x4000  }
0x19: {  	[sflag:s21] =	ssyncset.done $0x0  }
0x1a: {  	[sflag:s21] =	ssyncadd.s32 $0xFFFFC000  }
0x1b: {  	_ =	swait.ge [sflag:s22], $0x4000  }
0x1c: {  	[sflag:s22] =	ssyncset.done $0x0  }
0x1d: {  	[sflag:s22] =	ssyncadd.s32 $0xFFFFC000  }
0x1e: {  	[bflag:$0x0] =	sbarrier.arrive $0xFFFF  }
0x1f: {  	[tilespmem:s19], [sflag:$0x5] =	stream.linear.gather [spmem:s6], $0x4000, $0x38;
	[tilespmem:$0x1C180] =	vst v63  }
0x20: {  	_ =	swait.ge [sflag:s20], $0x4000  }
0x21: {  	[sflag:s20] =	ssyncset.done $0x0  }
0x22: {  	s1 =	rddreg [dreg:$0x3];
	[sflag:s20] =	ssyncadd.s32 $0xFFFFC000  }
0x23: {  	[hbm4b:s1+s3] =	stream.linear.scatter [tilespmem:s19], [sflag:$0x5], $0x4000, $0x38;
	[tilespmem:$0x1C180] =	vst v63  }
0x24: {  	_ =	swait.ge [sflag:s20], $0x4000  }
0x25: {  	[sflag:s20] =	ssyncset.done $0x0  }
0x26: {  	[sflag:s20] =	ssyncadd.s32 $0xFFFFC000  }
0x27: {  	[tilespmem:s19], [sflag:$0x5] =	stream.linear.gather [spmem:s7], $0x4000, $0x38;
	[tilespmem:$0x1C180] =	vst v63  }
0x28: {  	_ =	swait.ge [sflag:s20], $0x4000  }
0x29: {  	[sflag:s20] =	ssyncset.done $0x0  }
0x2a: {  	s17 =	rddreg [dreg:$0x4];
	[sflag:s20] =	ssyncadd.s32 $0xFFFFC000  }
0x2b: {  	[hbm4b:s17+s3] =	stream.linear.scatter [tilespmem:s19], [sflag:$0x5], $0x4000, $0x38;
	[tilespmem:$0x1C180] =	vst v63  }
0x2c: {  	_ =	swait.ge [sflag:s20], $0x4000  }
0x2d: {  	[sflag:s20] =	ssyncset.done $0x0  }
0x2e: {  	[sflag:s20] =	ssyncadd.s32 $0xFFFFC000  }
0x2f: {  	[tilespmem:s19], [sflag:$0x5] =	stream.linear.gather [spmem:s8], $0x4000, $0x38;
	[tilespmem:$0x1C180] =	vst v63  }
0x30: {  	_ =	swait.ge [sflag:s20], $0x4000  }
0x31: {  	[sflag:s20] =	ssyncset.done $0x0  }
0x32: {  	s30 =	rddreg [dreg:$0x5];
	[sflag:s20] =	ssyncadd.s32 $0xFFFFC000  }
0x33: {  	[hbm4b:s30+s3] =	stream.linear.scatter [tilespmem:s19], [sflag:$0x5], $0x4000, $0x38;
	[tilespmem:$0x1C180] =	vst v63  }
0x34: {  	_ =	swait.ge [sflag:s20], $0x4000  }
0x35: {  	[sflag:s20] =	ssyncset.done $0x0  }
0x36: {  	[sflag:s20] =	ssyncadd.s32 $0xFFFFC000  }
0x37: {  	[tilespmem:s19], [sflag:$0x5] =	stream.linear.gather [spmem:s9], $0x4000, $0x38;
	[tilespmem:$0x1C180] =	vst v63  }
0x38: {  	_ =	swait.ge [sflag:s20], $0x4000  }
0x39: {  	[sflag:s20] =	ssyncset.done $0x0  }
0x3a: {  	s31 =	rddreg [dreg:$0x6];
	[sflag:s20] =	ssyncadd.s32 $0xFFFFC000  }
0x3b: {  	[hbm4b:s31+s3] =	stream.linear.scatter [tilespmem:s19], [sflag:$0x5], $0x4000, $0x38;
	[tilespmem:$0x1C180] =	vst v63  }
0x3c: {  	_ =	swait.ge [sflag:s20], $0x4000  }
0x3d: {  	[sflag:s20] =	ssyncset.done $0x0  }
0x3e: {  	[sflag:s20] =	ssyncadd.s32 $0xFFFFC000  }
0x3f: {  	[tilespmem:s19], [sflag:$0x5] =	stream.linear.gather [spmem:s10], $0x4000, $0x38;
	[tilespmem:$0x1C180] =	vst v63  }
0x40: {  	s29 =	sadd.s32 $0x1, s29;
	_ =	swait.ge [sflag:s20], $0x4000  }
0x41: {  	p0 =	sne.s32 s29, s16;
	[sflag:s20] =	ssyncset.done $0x0  }
.Ltmp1:
0x42: {  	[sflag:s20] =	ssyncadd.s32 $0xFFFFC000;
	(pc) =	sbr.rel @!p0 .LBB2_8-.Ltmp1, $4  }
0x43: {  	[hbm4b:s15+s3] =	stream.linear.scatter [tilespmem:s19], [sflag:$0x5], $0x4000, $0x38;
	[tilespmem:$0x1C180] =	vst v63  }
0x44: {  	_ =	swait.ge [sflag:s20], $0x4000  }
0x45: {  	[sflag:s20] =	ssyncset.done $0x0  }
0x46: {  	[sflag:s20] =	ssyncadd.s32 $0xFFFFC000  }
.LBB2_1:
0x47: {  	s17 =	simm.s32 $0x0;
	s30 =	simm.s32 $0x200  }
.LBB2_2:
0x48: {  	p0 =	sne.s32 s30, $0xFE00;
	[tilespmem:s17+$0x1F0] =	vst v0  }
0x49: {  	[tilespmem:s17+$0x180] =	vst v0  }
0x4a: {  	[tilespmem:s17+$0x190] =	vst v0  }
.Ltmp2:
0x4b: {  	[tilespmem:s17+$0x1A0] =	vst v0;
	(pc) =	sbr.rel @p0 .LBB2_2-.Ltmp2, $4  }
0x4c: {  	[tilespmem:s17+$0x1B0] =	vst v0  }
0x4d: {  	[tilespmem:s17+$0x1C0] =	vst v0  }
0x4e: {  	[tilespmem:s17+$0x1D0] =	vst v0  }
0x4f: {  	[tilespmem:s17+$0x1E0] =	vst v0;
	s17 =	sshra.s32 s30, $0x2;
	s30 =	sadd.s32 $0x200, s30  }
0x50: {  	[tilespmem:s17+$0x1F0] =	vst v0  }
0x51: {  	[tilespmem:s17+$0x180] =	vst v0  }
0x52: {  	[tilespmem:s17+$0x190] =	vst v0  }
0x53: {  	[tilespmem:s17+$0x1A0] =	vst v0  }
0x54: {  	[tilespmem:s17+$0x1B0] =	vst v0  }
0x55: {  	[tilespmem:s17+$0x1C0] =	vst v0  }
0x56: {  	[tilespmem:s17+$0x1D0] =	vst v0  }
0x57: {  	[tilespmem:s17+$0x1E0] =	vst v0  }
0x58: {  	[spmem:s6] =	stream.linear.scatter [tilespmem:s19], [sflag:$0x5], $0x4000, $0x38;
	[tilespmem:$0x1C180] =	vst v63  }
0x59: {  	_ =	swait.ge [sflag:s20], $0x4000  }
0x5a: {  	[sflag:s20] =	ssyncset.done $0x0  }
0x5b: {  	[sflag:s20] =	ssyncadd.s32 $0xFFFFC000  }
0x5c: {  	[spmem:s7] =	stream.linear.scatter [tilespmem:s19], [sflag:$0x5], $0x4000, $0x38;
	[tilespmem:$0x1C180] =	vst v63  }
0x5d: {  	_ =	swait.ge [sflag:s20], $0x4000  }
0x5e: {  	[sflag:s20] =	ssyncset.done $0x0  }
0x5f: {  	[sflag:s20] =	ssyncadd.s32 $0xFFFFC000  }
0x60: {  	[spmem:s8] =	stream.linear.scatter [tilespmem:s19], [sflag:$0x5], $0x4000, $0x38;
	[tilespmem:$0x1C180] =	vst v63  }
0x61: {  	_ =	swait.ge [sflag:s20], $0x4000  }
0x62: {  	[sflag:s20] =	ssyncset.done $0x0  }
0x63: {  	[sflag:s20] =	ssyncadd.s32 $0xFFFFC000  }
0x64: {  	[spmem:s9] =	stream.linear.scatter [tilespmem:s19], [sflag:$0x5], $0x4000, $0x38;
	[tilespmem:$0x1C180] =	vst v63  }
0x65: {  	_ =	swait.ge [sflag:s20], $0x4000  }
0x66: {  	[sflag:s20] =	ssyncset.done $0x0  }
0x67: {  	[sflag:s20] =	ssyncadd.s32 $0xFFFFC000  }
0x68: {  	[spmem:s10] =	stream.linear.scatter [tilespmem:s19], [sflag:$0x5], $0x4000, $0x38;
	[tilespmem:$0x1C180] =	vst v63  }
.Ltmp3:
0x69: {  	_ =	swait.ge [sflag:s20], $0x4000;
	(pc) =	sbr.rel .LBB2_4-.Ltmp3, $4  }
0x6a: {  	[sflag:s20] =	ssyncset.done $0x0  }
0x6b: {  	[sflag:s20] =	ssyncadd.s32 $0xFFFFC000  }
0x6c: {  	[bflag:$0x0] =	sbarrier.arrive $0xFFFF  }
0x6d: {  	s30 =	simm.s32 $0x0;
	s31 =	smov.u32 s18;
	s17 =	smov.u32 s0  }
.LBB2_6:
0x6e: {  	s30 =	sadd.s32 $0x1, s30  }
0x6f: {  	p0 =	sne.s32 s5, s30  }
.Ltmp4:
0x70: {  	_ = 	snop;
	(pc) =	sbr.rel @!p0 .LBB2_7-.Ltmp4, $2  }
0x71: {  	_ =	sdelay $0x2  }
0x72: {  	s17 =	sadd.s32 $0x200, s17;
	s31 =	sadd.s32 $0x200, s31  }
.LBB2_4:
0x73: {  	s1 =	sand.u32 $0x1, s30  }
0x74: {  	p0 =	seq.s32 s1, $0x1  }
0x75: {  	s11 =	simm.s32 @!p0 $0x0;
	p1 =	slt.u32 @!p0 s30, $0x2  }
0x76: {  	[tilespmem:s11], [sflag:$0x1] =	stream.linear.gather @!p0 [hbm4b:s31+s11], $0x80, $0x38;
	[tilespmem:$0x1C180] =	vst v63  }
0x77: {  	p1 =	por p1, p0  }
0x78: {  	s12 =	simm.s32 @!p1 $0x3  }
0x79: {  	_ =	swait.ge @!p1 [sflag:s12], $0x4000  }
0x7a: {  	[sflag:s12] =	ssyncset.done @!p1 $0x0  }
0x7b: {  	s13 =	simm.s32 @!p0 $0x1;
	[sflag:s12] =	ssyncadd.s32 @!p1 $0xFFFFC000;
	s12 =	simm.s32 @!p0 $0x80  }
0x7c: {  	[tilespmem:s12], [sflag:$0x1] =	stream.linear.gather @!p0 [hbm4b:s17+s11], $0x80, $0x38;
	[tilespmem:$0x1C180] =	vst v63  }
0x7d: {  	_ =	swait.ge @!p0 [sflag:s13], $0x80  }
0x7e: {  	[sflag:s13] =	ssyncset.done @!p0 $0x0  }
0x7f: {  	s14 =	simm.s32 @!p0 $0x180;
	[sflag:s13] =	ssyncadd.s32 @!p0 $0xFFFFFF80  }
0x80: {  	[tilespmem:s14], [sflag:$0x2] =	stream.indirect.gather @!p0 [hbm4b:s4+s12], $0x80, s11, s12, $0xb8;
	[tilespmem:$0x1C180] =	vst v63  }
0x81: {  	s11 =	simm.s32 @!p0 $0x2  }
0x82: {  	_ =	swait.ge @!p0 [sflag:s11], $0x4000  }
0x83: {  	[sflag:s11] =	ssyncset.done @!p0 $0x0  }
0x84: {  	[sflag:s11] =	ssyncadd.s32 @!p0 $0xFFFFC000  }
0x85: {  	_ =	swait.ge @!p0 [sflag:s13], $0x80  }
0x86: {  	[sflag:s13] =	ssyncset.done @!p0 $0x0  }
0x87: {  	p1 =	seq.s32 @!p0 s1, $0x0;
	[sflag:s13] =	ssyncadd.s32 @!p0 $0xFFFFFF80  }
0x88: {  	[spmem:s2] =	stream.indirect.scatter.add.f32 @!p0 [tilespmem:s14], [sflag:$0x3], $0x80, s12, s12, $0xb8;
	[tilespmem:$0x1C180] =	vst v63  }
0x89: {  	p0 =	por p0, !p1  }
.Ltmp5:
0x8a: {  	_ = 	snop;
	(pc) =	sbr.rel @!p0 .LBB2_6-.Ltmp5, $1  }
0x8b: {  	_ =	sdelay $0x3  }
0x8c: {  	[tilespmem:s3], [sflag:$0x1] =	stream.linear.gather [hbm4b:s31+s3], $0x80, $0x38;
	[tilespmem:$0x1C180] =	vst v63  }
0x8d: {  	p0 =	slt.u32 s30, $0x2  }
0x8e: {  	s1 =	simm.s32 @!p0 $0x4  }
0x8f: {  	_ =	swait.ge @!p0 [sflag:s1], $0x4000  }
0x90: {  	[sflag:s1] =	ssyncset.done @!p0 $0x0  }
0x91: {  	[sflag:s1] =	ssyncadd.s32 @!p0 $0xFFFFC000  }
0x92: {  	[tilespmem:s23], [sflag:$0x1] =	stream.linear.gather [hbm4b:s17+s3], $0x80, $0x38;
	[tilespmem:$0x1C180] =	vst v63  }
0x93: {  	_ =	swait.ge [sflag:s24], $0x80  }
0x94: {  	[sflag:s24] =	ssyncset.done $0x0  }
0x95: {  	[sflag:s24] =	ssyncadd.s32 $0xFFFFFF80  }
0x96: {  	[tilespmem:s26], [sflag:$0x2] =	stream.indirect.gather [hbm4b:s4+s25], $0x80, s3, s25, $0xb8;
	[tilespmem:$0x1C180] =	vst v63  }
0x97: {  	_ =	swait.ge [sflag:s28], $0x4000  }
0x98: {  	[sflag:s28] =	ssyncset.done $0x0  }
.Ltmp6:
0x99: {  	[sflag:s28] =	ssyncadd.s32 $0xFFFFC000;
	(pc) =	sbr.rel .LBB2_6-.Ltmp6, $4  }
0x9a: {  	_ =	swait.ge [sflag:s24], $0x80  }
0x9b: {  	[sflag:s24] =	ssyncset.done $0x0  }
0x9c: {  	[sflag:s24] =	ssyncadd.s32 $0xFFFFFF80  }
0x9d: {  	[spmem:s2] =	stream.indirect.scatter.add.f32 [tilespmem:s26], [sflag:$0x4], $0x80, s23, s25, $0xb8;
	[tilespmem:$0x1C180] =	vst v63  }
.LBB2_8:
0x9e: {  	_ =	sfence.sel $0x180000  }
0x9f: {  	[bflag:$0x0] =	sbarrier.arrive $0xFFFF  }
0xa0: {  	_ =	strace $0x90000047  }
0xa1: {  	s0 =	stileid.u32;
	[bflag:$0x2] =	sbarrier.arrive $0xFFFF  }
0xa2: {  	p0 =	sne.s32 s0, $0x0;
	s0 =	rddreg [dreg:$0x2]  }
0xa3: {  	s0 =	sadd.s32 @!p0 $0x100000, s0  }
0xa4: {  	[sflag:s0] =	ssyncadd.tile.s32 @!p0 $0x1;
	_ =	shalt  }
.Lfunc_end2:
_tile_overlayer_lowered:
.L_overlay_start_2:
0xa5: {  	(tag) =	ssettag $0x2  }
0xa6: {  	s0 =	rddreg [dreg:$0x0];
	s2 =	stileid.u32  }
0xa7: {  	s1 =	rddreg [dreg:$0x1];
	p0 =	sne.s32 s2, $0x0  }
0xa8: {  	s3 =	rddreg [dreg:$0x2];
	[bflag:$0x3] =	sbarrier.arrive $0xFFFF;
	s2 =	simm.s32 @!p0 $0x1C05  }
0xa9: {  	[timem:s3], [sflag:s2] =	dma.local @!p0 [hbm:s0], s1  }
0xaa: {  	s0 =	simm.s32 @!p0 $0x5  }
0xab: {  	_ =	swait.ge @!p0 [sflag:s0], s1  }
0xac: {  	s1 =	ssub.s32 @!p0 $0x0, s1;
	[sflag:s0] =	ssyncset.done @!p0 $0x0  }
0xad: {  	[sflag:s0] =	ssyncadd.s32 @!p0 s1  }
0xae: {  	[bflag:$0x3] =	sbarrier.arrive $0xFFFF  }
0xaf: {  	_ =	shalt  }

// kernel: kernel.13.cloned.1.call-start
scs
__scs_entry_jumppad:
0x0: {  	(pc) =	sbr.rel $0x88, $3  }
0x1: {  	(tag) =	ssettag $0x0;
	lr =	simm.s32 $0x1  }
0x2: {  	[smem:$0x3F99] =	sst lr;
	_ =	strace $0xD0000000  }
0x3: {  	_ = 	snop  }
0x4: {  	_ = 	snop  }
0x5: {  	_ = 	snop  }
0x6: {  	_ = 	snop  }
0x7: {  	_ = 	snop  }
__scs_overlays_trampoline_lowered:
0x8: {  	[smem:$0x3FA8] =	sst s0  }
0x9: {  	[smem:$0x3FA9] =	sst s1  }
0xa: {  	[smem:$0x3FAA] =	sst s2  }
0xb: {  	[smem:$0x3FAB] =	sst s3  }
0xc: {  	[smem:$0x3FAC] =	sst s4  }
0xd: {  	[smem:$0x3FAD] =	sst s5  }
0xe: {  	[smem:$0x3FAE] =	sst s6  }
0xf: {  	[smem:$0x3FAF] =	sst s7  }
0x10: {  	[smem:$0x3FB0] =	sst s8  }
0x11: {  	[smem:$0x3FB1] =	sst s9;
	s0 =	simm.s32 @!p0 $0x0  }
0x12: {  	s1 =	sld [smem:$0x3F97];
	s0 =	simm.s32 @p0 $0x1  }
0x13: {  	[smem:$0x3FB2] =	sst s0;
	s0 =	simm.s32 @!p1 $0x0  }
0x14: {  	s2 =	sld [smem:$0x3F96];
	s0 =	simm.s32 @p1 $0x1  }
0x15: {  	[smem:$0x3FB3] =	sst s0;
	s0 =	simm.s32 @!p2 $0x0  }
0x16: {  	s3 =	sld [smem:$0x3FDB];
	s0 =	simm.s32 @p2 $0x1  }
0x17: {  	s4 =	simm.s32 $0x1BF5;
	[smem:$0x3FB5] =	sst s0  }
0x18: {  	s0 =	sld [smem:$0x3F98];
	_ =	swait.ge [sflag:s4], $0x0  }
0x19: {  	s7 =	sld [smem:$0x3F99]  }
0x1a: {  	s8 =	sadd.s32 $0xFFFFE003, lr  }
0x1b: {  	s9 =	sadd.s32 $0xFFFFFEF7, lr;
	s5 =	simm.s32 $0xFFFFFFFF;
	p2 =	slt.u32 s8, $0xFFFFF086  }
0x1c: {  	p1 =	slt.u32 s9, $0xF7A;
	s5 =	simm.s32 @!p2 $0x0  }
0x1d: {  	s5 =	simm.s32 @p1 $0x1;
	p0 =	seq.s32 s7, s2  }
0x1e: {  	s7 =	smul.u32 @!p0 $0xF7A, s2;
	p2 =	seq.s32 @!p0 s5, $0x0  }
0x1f: {  	s9 =	smul.u32 $0xF7A, s1;
	s8 =	simm.s32 @!p0 $0x1BF5;
	p2 =	por !p2, p0  }
0x20: {  	[sflag:s8] =	ssyncset.s32 @!p0 $0xFFFFF086;
	s6 =	sadd.s32 @!p0 s3, s7;
	s7 =	simm.s32 @!p0 $0x108  }
0x21: {  	s3 =	sadd.s32 s3, s9;
	s6 =	sadd.s32 @!p0 $0x88, s6;
	s7 =	simm.s32 @p2 $0x1082  }
0x22: {  	[simem:s7], [sflag:s8] =	dma.local @!p0 [hbm:s6], $0xF7A  }
0x23: {  	s9 =	sor.u32 $0xD0000000, s2;
	s6 =	simm.s32 $0x108;
	_ =	swait.ge @!p0 [sflag:s8], $0x0  }
0x24: {  	s3 =	sadd.s32 $0x88, s3;
	s6 =	simm.s32 @!p1 $0x1082;
	[sflag:s4] =	ssyncset.s32 $0xFFFFF086  }
0x25: {  	[simem:s6], [sflag:s4] =	dma.local [hbm:s3], $0xF7A  }
0x26: {  	[smem:$0x3F99] =	sst s1;
	(tag) =	ssettag s2;
	_ =	strace s9  }
0x27: {  	s1 =	sld [smem:$0x3FA9]  }
0x28: {  	s2 =	sld [smem:$0x3FAA]  }
0x29: {  	s4 =	sld [smem:$0x3FAC]  }
0x2a: {  	p0 =	seq.s32 s5, $0x0;
	s5 =	sld [smem:$0x3FAD]  }
0x2b: {  	s6 =	sld [smem:$0x3FAE]  }
0x2c: {  	s7 =	sld [smem:$0x3FAF]  }
0x2d: {  	s3 =	simm.s32 $0x108;
	s8 =	sld [smem:$0x3FB0]  }
0x2e: {  	s3 =	simm.s32 @!p0 $0x1082;
	s9 =	sld [smem:$0x3FB1]  }
0x2f: {  	lr =	sadd.s32 s0, s3;
	s0 =	sld [smem:$0x3FA8]  }
0x30: {  	s3 =	sld [smem:$0x3FAB]  }
0x31: {  	[smem:$0x3FB4] =	sst s10  }
0x32: {  	s10 =	sld [smem:$0x3FB2];
	_ =	sdelay $0x3  }
0x33: {  	p0 =	seq.s32 s10, $0x1;
	s10 =	sld [smem:$0x3FB4];
	_ =	sdelay $0x3  }
0x34: {  	[smem:$0x3FB4] =	sst s10  }
0x35: {  	s10 =	sld [smem:$0x3FB3];
	_ =	sdelay $0x3  }
0x36: {  	p1 =	seq.s32 s10, $0x1;
	s10 =	sld [smem:$0x3FB4];
	_ =	sdelay $0x3  }
0x37: {  	[smem:$0x3FB4] =	sst s10  }
0x38: {  	s10 =	sld [smem:$0x3FB5]  }
0x39: {  	_ = 	snop;
	(pc) =	sbr.ind lr, $3  }
0x3a: {  	_ = 	snop  }
0x3b: {  	_ = 	snop  }
0x3c: {  	p2 =	seq.s32 s10, $0x1;
	s10 =	sld [smem:$0x3FB4]  }
0x3d: {  	_ =	shalt  }
0x3e: {  	_ =	shalt  }
0x3f: {  	_ =	shalt  }
0x40: {  	_ =	shalt  }
0x41: {  	_ =	shalt  }
0x42: {  	_ =	shalt  }
0x43: {  	_ =	shalt  }
0x44: {  	_ =	shalt  }
0x45: {  	_ =	shalt  }
0x46: {  	_ =	shalt  }
0x47: {  	_ =	shalt  }
0x48: {  	_ =	shalt  }
0x49: {  	_ =	shalt  }
0x4a: {  	_ =	shalt  }
0x4b: {  	_ =	shalt  }
0x4c: {  	_ =	shalt  }
0x4d: {  	_ =	shalt  }
0x4e: {  	_ =	shalt  }
0x4f: {  	_ =	shalt  }
0x50: {  	_ =	shalt  }
0x51: {  	_ =	shalt  }
0x52: {  	_ =	shalt  }
0x53: {  	_ =	shalt  }
0x54: {  	_ =	shalt  }
0x55: {  	_ =	shalt  }
0x56: {  	_ =	shalt  }
0x57: {  	_ =	shalt  }
0x58: {  	_ =	shalt  }
0x59: {  	_ =	shalt  }
0x5a: {  	_ =	shalt  }
0x5b: {  	_ =	shalt  }
0x5c: {  	_ =	shalt  }
0x5d: {  	_ =	shalt  }
0x5e: {  	_ =	shalt  }
0x5f: {  	_ =	shalt  }
0x60: {  	_ =	shalt  }
0x61: {  	_ =	shalt  }
0x62: {  	_ =	shalt  }
0x63: {  	_ =	shalt  }
0x64: {  	_ =	shalt  }
0x65: {  	_ =	shalt  }
0x66: {  	_ =	shalt  }
0x67: {  	_ =	shalt  }
0x68: {  	_ =	shalt  }
0x69: {  	_ =	shalt  }
0x6a: {  	_ =	shalt  }
0x6b: {  	_ =	shalt  }
0x6c: {  	_ =	shalt  }
0x6d: {  	_ =	shalt  }
0x6e: {  	_ =	shalt  }
0x6f: {  	_ =	shalt  }
0x70: {  	_ =	shalt  }
0x71: {  	_ =	shalt  }
0x72: {  	_ =	shalt  }
0x73: {  	_ =	shalt  }
0x74: {  	_ =	shalt  }
0x75: {  	_ =	shalt  }
0x76: {  	_ =	shalt  }
0x77: {  	_ =	shalt  }
0x78: {  	_ =	shalt  }
0x79: {  	_ =	shalt  }
0x7a: {  	_ =	shalt  }
0x7b: {  	_ =	shalt  }
0x7c: {  	_ =	shalt  }
0x7d: {  	_ =	shalt  }
0x7e: {  	_ =	shalt  }
0x7f: {  	_ =	shalt  }
0x80: {  	_ =	shalt  }
0x81: {  	_ =	shalt  }
0x82: {  	_ =	shalt  }
0x83: {  	_ =	shalt  }
0x84: {  	_ =	shalt  }
0x85: {  	_ =	shalt  }
0x86: {  	_ =	shalt  }
0x87: {  	_ =	shalt  }
.Lfunc_end0:
.L_simem_size_0:
called_computation.2_lowered:
.L_overlay_start_0:
0x88: {  	s2 =	sld [smem:$0x3FD9]  }
0x89: {  	s3 =	sld [smem:$0x3FFE];
	_ =	sdelay $0x1  }
0x8a: {  	s1 =	srdreg.scid  }
0x8b: {  	s0 =	sand.u32 $0x1, s1  }
0x8c: {  	s16 =	sshll.u32 s0, $0xA;
	s2 =	sadd.s32 s3, s2  }
0x8d: {  	s2 =	sadd.s32 s2, s16  }
0x8e: {  	[smem:$0x3FC0] =	sst s2  }
0x8f: {  	_ = 	snop  }
0x90: {  	(tm) =	ssettm $0x1  }
0x91: {  	s17 =	sld [smem:$0x3FFB];
	_ =	sdelay $0x3  }
0x92: {  	_ =	strace s17  }
0x93: {  	s2 =	sld [smem:$0x3FFC];
	_ =	sdelay $0x3  }
0x94: {  	_ =	strace s2  }
0x95: {  	s2 =	sld [smem:$0x3FFD];
	_ =	sdelay $0x3  }
0x96: {  	_ =	strace s2  }
0x97: {  	_ =	strace $0x8FFFFFFF  }
0x98: {  	s18 =	sld [smem:$0x3FDB];
	_ =	sdelay $0x1  }
0x99: {  	s19 =	simm.s32 $_scs_section_size  }
0x9a: {  	s4 =	simm.s32 $_size__tile_overlayer_lowered;
	s5 =	simm.s32 $_tile_overlayer_lowered  }
0x9b: {  	s22 =	simm.s32 $0x1BFF;
	s21 =	sshll.u32 s5, $0x1;
	s2 =	sadd.s32 s19, s18  }
0x9c: {  	s6 =	simm.s32 $0x0;
	s20 =	sshll.u32 s4, $0x1;
	s4 =	sadd.s32 s21, s2  }
0x9d: {  	[timem:s6], [sflag:s22] =	dma.local [hbm:s4], s20  }
0x9e: {  	_ =	swait.ge [sflag:s22], s20  }
0x9f: {  	s3 =	ssub.s32 $0x0, s20;
	[sflag:s22] =	ssyncset.done $0x0  }
0xa0: {  	[sflag:s22] =	ssyncadd.s32 s3;
	_ =	sdelay $0x1  }
0xa1: {  	s23 =	simm.s32 $0x1B8B  }
0xa2: {  	_ =	swait.ge [sflag:s23], $0x1  }
0xa3: {  	[sflag:s23] =	ssyncset.done $0x0  }
0xa4: {  	s25 =	simm.s32 $0x1B8E;
	s24 =	sld [smem:$0x3FFE];
	[sflag:s23] =	ssyncadd.s32 $0xFFFFFFFF  }
0xa5: {  	s26 =	simm.s32 $execute0_lowered;
	[smem:$0x3FD2] =	sst s25  }
0xa6: {  	s4 =	sshll.u32 s26, $0x1;
	_ =	strace $0x8000004C;
	[dreg:$0x1] =	wrdreg $0xFFFFFFFF  }
0xa7: {  	s28 =	simm.s32 $_size_execute0_lowered;
	s2 =	sadd.s32 s2, s4;
	[dreg:$0x0] =	wrdreg $0x0  }
0xa8: {  	s4 =	sshll.u32 s28, $0x1;
	[dreg:$0x2] =	wrdreg s2  }
0xa9: {  	[dreg:$0x3] =	wrdreg s4  }
0xaa: {  	[dreg:$0x4] =	wrdreg $0xC0  }
0xab: {  	_ =	task [dreg:s6], $0x5FFFF  }
0xac: {  	[dreg:$0x1] =	wrdreg $0xFFFFFFFF  }
0xad: {  	[dreg:$0x0] =	wrdreg $0x60  }
0xae: {  	[dreg:$0x2] =	wrdreg s24  }
0xaf: {  	[dreg:$0x3] =	wrdreg $0x81800  }
0xb0: {  	[dreg:$0x4] =	wrdreg $0x9  }
0xb1: {  	_ =	task.clear_ibuf [dreg:s6], $0x5FFFF;
	_ =	strace $0x9000004C  }
0xb2: {  	s29 =	simm.s32 $0x9;
	_ =	strace $0x8000004E  }
0xb3: {  	_ =	swait.ge [sflag:s29], $0x1  }
0xb4: {  	[sflag:s29] =	ssyncadd.s32 $0xFFFFFFFF  }
0xb5: {  	_ =	strace $0x9000004E  }
0xb6: {  	_ =	sfence  }
0xb7: {  	s30 =	sld [smem:$0x0];
	_ =	sdelay $0x2  }
0xb8: {  	s31 =	sshll.u32 s1, $0xD;
	s1 =	sshrl.u32 s1, $0x2  }
0xb9: {  	s3 =	sand.u32 $0x4000, s31;
	s1 =	sadd.s32 s1, s30  }
0xba: {  	s0 =	sor.u32 s3, s0;
	s1 =	sshll.u32 s1, $0x11  }
0xbb: {  	s0 =	sor.u32 s1, s0  }
0xbc: {  	s0 =	sadd.s32 $0x8F2B, s0  }
0xbd: {  	[sflag:s0] =	ssyncadd.remote.s32 $0x1  }
0xbe: {  	_ =	sfence.sel $0xFFFF  }
0xbf: {  	[dreg:$0x0] =	wrdreg $0xFFFFFFFF;
	(pc) =	sbr.abs _section_cstart, $3  }
0xc0: {  	[dreg:$0x1] =	wrdreg $0xFFFFFFFF  }
0xc1: {  	_ =	task.clear_ibuf [dreg:s6], $0x2FFFF;
	_ =	strace $0x9FFFFFFF  }
0xc2: {  	(tm) =	ssettm $0x7FFFFFFF  }
0xc3: {  	_ =	shalt  }
tec
execute0_lowered:
.L_overlay_start_1:
0x0: {  	(tag) =	ssettag $0x1  }
0x1: {  	s0 =	rddreg [dreg:$0x0]  }
0x2: {  	s2 =	rddreg [dreg:$0x1];
	s4 =	srdreg.scid;
	s3 =	simm.s32 $0x0  }
0x3: {  	s1 =	stileid.u32;
	s20 =	simm.s32 $0x5;
	s21 =	simm.s32 $0x3  }
0x4: {  	s28 =	simm.s32 $0x2;
	s29 =	simm.s32 $0x0;
	s7 =	sand.u32 $0x1, s4  }
0x5: {  	[smem:$0x7FF] =	sst s3;
	s22 =	sshll.u32 s1, $0x8;
	s8 =	smul.u32 $0x50000, s1  }
0x6: {  	s4 =	sadd.s32 $0x15A00, s0;
	s10 =	smul.u32 $0x14000, s1;
	p0 =	slt.u32 s1, $0x2  }
0x7: {  	s5 =	sshll.u32 s7, $0x7;
	_ =	strace $0x8000004D;
	s6 =	ssub.s32 $0x2, s7  }
0x8: {  	s15 =	smul.u32 $0x140000, s7;
	s5 =	sor.u32 s5, s22;
	s23 =	sshrl.u32 s6, $0x1  }
0x9: {  	s24 =	sshrl.u32 s8, $0x2;
	s11 =	sadd.s32 $0x4000, s10;
	s13 =	sadd.s32 $0x8000, s10  }
0xa: {  	s14 =	sadd.s32 $0xC000, s10;
	s18 =	sadd.s32 $0x10000, s10;
	s22 =	simm.s32 $0x4  }
0xb: {  	s5 =	sshrl.u32 s5, $0x3;
	s16 =	ssub.s32 s6, s23;
	s6 =	sadd.s32 s24, s2  }
0xc: {  	s7 =	sadd.s32 s11, s2;
	s8 =	sadd.s32 s13, s2;
	s9 =	sadd.s32 s14, s2  }
0xd: {  	s12 =	sadd.s32 s10, s15;
	s11 =	sadd.s32 s15, s11;
	s10 =	sadd.s32 s18, s2  }
0xe: {  	s13 =	sadd.s32 s15, s13;
	s14 =	sadd.s32 s15, s14;
	s15 =	sadd.s32 s15, s18  }
0xf: {  	s23 =	simm.s32 $0x100;
	s24 =	simm.s32 $0x1;
	s17 =	sadd.s32 s5, s0  }
0x10: {  	s0 =	sadd.s32 $0x3DA00, s0;
	s5 =	simm.s32 $0x4F;
	s12 =	sshrl.u32 s12, $0x3  }
0x11: {  	s19 =	sshrl.u32 s11, $0x3;
	s13 =	sshrl.u32 s13, $0x3;
	s14 =	sshrl.u32 s14, $0x3  }
0x12: {  	s15 =	sshrl.u32 s15, $0x3;
	s16 =	smax.u32 s16, $0x1;
	s5 =	simm.s32 @!p0 $0x4E  }
.Ltmp0:
0x13: {  	s25 =	sadd.s32 s0, s12;
	s26 =	sadd.s32 s0, s19;
	(pc) =	sbr.rel .LBB2_1-.Ltmp0, $4  }
0x14: {  	s30 =	sadd.s32 s0, s13;
	s31 =	sadd.s32 s0, s14;
	[dreg:$0x3] =	wrdreg s25  }
0x15: {  	s15 =	sadd.s32 s0, s15;
	s0 =	sadd.s32 $0x1E00, s17;
	[dreg:$0x4] =	wrdreg s26  }
0x16: {  	s18 =	sadd.s32 $0xBC00, s17;
	s19 =	simm.s32 $0x180;
	[dreg:$0x5] =	wrdreg s30  }
0x17: {  	v0 =	vimm.f32 $0.0e+00;
	[dreg:$0x6] =	wrdreg s31;
	s25 =	simm.s32 $0x80;
	s26 =	simm.s32 $0x4180  }
.LBB2_7:
0x18: {  	_ =	swait.ge [sflag:s21], $0x4000  }
0x19: {  	[sflag:s21] =	ssyncset.done $0x0  }
0x1a: {  	[sflag:s21] =	ssyncadd.s32 $0xFFFFC000  }
0x1b: {  	_ =	swait.ge [sflag:s22], $0x4000  }
0x1c: {  	[sflag:s22] =	ssyncset.done $0x0  }
0x1d: {  	[sflag:s22] =	ssyncadd.s32 $0xFFFFC000  }
0x1e: {  	[bflag:$0x0] =	sbarrier.arrive $0xFFFF  }
0x1f: {  	[tilespmem:s19], [sflag:$0x5] =	stream.linear.gather [spmem:s6], $0x4000, $0x38;
	[tilespmem:$0x1C180] =	vst v63  }
0x20: {  	_ =	swait.ge [sflag:s20], $0x4000  }
0x21: {  	[sflag:s20] =	ssyncset.done $0x0  }
0x22: {  	s1 =	rddreg [dreg:$0x3];
	[sflag:s20] =	ssyncadd.s32 $0xFFFFC000  }
0x23: {  	[hbm4b:s1+s3] =	stream.linear.scatter [tilespmem:s19], [sflag:$0x5], $0x4000, $0x38;
	[tilespmem:$0x1C180] =	vst v63  }
0x24: {  	_ =	swait.ge [sflag:s20], $0x4000  }
0x25: {  	[sflag:s20] =	ssyncset.done $0x0  }
0x26: {  	[sflag:s20] =	ssyncadd.s32 $0xFFFFC000  }
0x27: {  	[tilespmem:s19], [sflag:$0x5] =	stream.linear.gather [spmem:s7], $0x4000, $0x38;
	[tilespmem:$0x1C180] =	vst v63  }
0x28: {  	_ =	swait.ge [sflag:s20], $0x4000  }
0x29: {  	[sflag:s20] =	ssyncset.done $0x0  }
0x2a: {  	s17 =	rddreg [dreg:$0x4];
	[sflag:s20] =	ssyncadd.s32 $0xFFFFC000  }
0x2b: {  	[hbm4b:s17+s3] =	stream.linear.scatter [tilespmem:s19], [sflag:$0x5], $0x4000, $0x38;
	[tilespmem:$0x1C180] =	vst v63  }
0x2c: {  	_ =	swait.ge [sflag:s20], $0x4000  }
0x2d: {  	[sflag:s20] =	ssyncset.done $0x0  }
0x2e: {  	[sflag:s20] =	ssyncadd.s32 $0xFFFFC000  }
0x2f: {  	[tilespmem:s19], [sflag:$0x5] =	stream.linear.gather [spmem:s8], $0x4000, $0x38;
	[tilespmem:$0x1C180] =	vst v63  }
0x30: {  	_ =	swait.ge [sflag:s20], $0x4000  }
0x31: {  	[sflag:s20] =	ssyncset.done $0x0  }
0x32: {  	s30 =	rddreg [dreg:$0x5];
	[sflag:s20] =	ssyncadd.s32 $0xFFFFC000  }
0x33: {  	[hbm4b:s30+s3] =	stream.linear.scatter [tilespmem:s19], [sflag:$0x5], $0x4000, $0x38;
	[tilespmem:$0x1C180] =	vst v63  }
0x34: {  	_ =	swait.ge [sflag:s20], $0x4000  }
0x35: {  	[sflag:s20] =	ssyncset.done $0x0  }
0x36: {  	[sflag:s20] =	ssyncadd.s32 $0xFFFFC000  }
0x37: {  	[tilespmem:s19], [sflag:$0x5] =	stream.linear.gather [spmem:s9], $0x4000, $0x38;
	[tilespmem:$0x1C180] =	vst v63  }
0x38: {  	_ =	swait.ge [sflag:s20], $0x4000  }
0x39: {  	[sflag:s20] =	ssyncset.done $0x0  }
0x3a: {  	s31 =	rddreg [dreg:$0x6];
	[sflag:s20] =	ssyncadd.s32 $0xFFFFC000  }
0x3b: {  	[hbm4b:s31+s3] =	stream.linear.scatter [tilespmem:s19], [sflag:$0x5], $0x4000, $0x38;
	[tilespmem:$0x1C180] =	vst v63  }
0x3c: {  	_ =	swait.ge [sflag:s20], $0x4000  }
0x3d: {  	[sflag:s20] =	ssyncset.done $0x0  }
0x3e: {  	[sflag:s20] =	ssyncadd.s32 $0xFFFFC000  }
0x3f: {  	[tilespmem:s19], [sflag:$0x5] =	stream.linear.gather [spmem:s10], $0x4000, $0x38;
	[tilespmem:$0x1C180] =	vst v63  }
0x40: {  	s29 =	sadd.s32 $0x1, s29;
	_ =	swait.ge [sflag:s20], $0x4000  }
0x41: {  	p0 =	sne.s32 s29, s16;
	[sflag:s20] =	ssyncset.done $0x0  }
.Ltmp1:
0x42: {  	[sflag:s20] =	ssyncadd.s32 $0xFFFFC000;
	(pc) =	sbr.rel @!p0 .LBB2_8-.Ltmp1, $4  }
0x43: {  	[hbm4b:s15+s3] =	stream.linear.scatter [tilespmem:s19], [sflag:$0x5], $0x4000, $0x38;
	[tilespmem:$0x1C180] =	vst v63  }
0x44: {  	_ =	swait.ge [sflag:s20], $0x4000  }
0x45: {  	[sflag:s20] =	ssyncset.done $0x0  }
0x46: {  	[sflag:s20] =	ssyncadd.s32 $0xFFFFC000  }
.LBB2_1:
0x47: {  	s17 =	simm.s32 $0x0;
	s30 =	simm.s32 $0x200  }
.LBB2_2:
0x48: {  	p0 =	sne.s32 s30, $0xFE00;
	[tilespmem:s17+$0x1F0] =	vst v0  }
0x49: {  	[tilespmem:s17+$0x180] =	vst v0  }
0x4a: {  	[tilespmem:s17+$0x190] =	vst v0  }
.Ltmp2:
0x4b: {  	[tilespmem:s17+$0x1A0] =	vst v0;
	(pc) =	sbr.rel @p0 .LBB2_2-.Ltmp2, $4  }
0x4c: {  	[tilespmem:s17+$0x1B0] =	vst v0  }
0x4d: {  	[tilespmem:s17+$0x1C0] =	vst v0  }
0x4e: {  	[tilespmem:s17+$0x1D0] =	vst v0  }
0x4f: {  	[tilespmem:s17+$0x1E0] =	vst v0;
	s17 =	sshra.s32 s30, $0x2;
	s30 =	sadd.s32 $0x200, s30  }
0x50: {  	[tilespmem:s17+$0x1F0] =	vst v0  }
0x51: {  	[tilespmem:s17+$0x180] =	vst v0  }
0x52: {  	[tilespmem:s17+$0x190] =	vst v0  }
0x53: {  	[tilespmem:s17+$0x1A0] =	vst v0  }
0x54: {  	[tilespmem:s17+$0x1B0] =	vst v0  }
0x55: {  	[tilespmem:s17+$0x1C0] =	vst v0  }
0x56: {  	[tilespmem:s17+$0x1D0] =	vst v0  }
0x57: {  	[tilespmem:s17+$0x1E0] =	vst v0  }
0x58: {  	[spmem:s6] =	stream.linear.scatter [tilespmem:s19], [sflag:$0x5], $0x4000, $0x38;
	[tilespmem:$0x1C180] =	vst v63  }
0x59: {  	_ =	swait.ge [sflag:s20], $0x4000  }
0x5a: {  	[sflag:s20] =	ssyncset.done $0x0  }
0x5b: {  	[sflag:s20] =	ssyncadd.s32 $0xFFFFC000  }
0x5c: {  	[spmem:s7] =	stream.linear.scatter [tilespmem:s19], [sflag:$0x5], $0x4000, $0x38;
	[tilespmem:$0x1C180] =	vst v63  }
0x5d: {  	_ =	swait.ge [sflag:s20], $0x4000  }
0x5e: {  	[sflag:s20] =	ssyncset.done $0x0  }
0x5f: {  	[sflag:s20] =	ssyncadd.s32 $0xFFFFC000  }
0x60: {  	[spmem:s8] =	stream.linear.scatter [tilespmem:s19], [sflag:$0x5], $0x4000, $0x38;
	[tilespmem:$0x1C180] =	vst v63  }
0x61: {  	_ =	swait.ge [sflag:s20], $0x4000  }
0x62: {  	[sflag:s20] =	ssyncset.done $0x0  }
0x63: {  	[sflag:s20] =	ssyncadd.s32 $0xFFFFC000  }
0x64: {  	[spmem:s9] =	stream.linear.scatter [tilespmem:s19], [sflag:$0x5], $0x4000, $0x38;
	[tilespmem:$0x1C180] =	vst v63  }
0x65: {  	_ =	swait.ge [sflag:s20], $0x4000  }
0x66: {  	[sflag:s20] =	ssyncset.done $0x0  }
0x67: {  	[sflag:s20] =	ssyncadd.s32 $0xFFFFC000  }
0x68: {  	[spmem:s10] =	stream.linear.scatter [tilespmem:s19], [sflag:$0x5], $0x4000, $0x38;
	[tilespmem:$0x1C180] =	vst v63  }
.Ltmp3:
0x69: {  	_ =	swait.ge [sflag:s20], $0x4000;
	(pc) =	sbr.rel .LBB2_4-.Ltmp3, $4  }
0x6a: {  	[sflag:s20] =	ssyncset.done $0x0  }
0x6b: {  	[sflag:s20] =	ssyncadd.s32 $0xFFFFC000  }
0x6c: {  	[bflag:$0x0] =	sbarrier.arrive $0xFFFF  }
0x6d: {  	s30 =	simm.s32 $0x0;
	s31 =	smov.u32 s18;
	s17 =	smov.u32 s0  }
.LBB2_6:
0x6e: {  	s30 =	sadd.s32 $0x1, s30  }
0x6f: {  	p0 =	sne.s32 s5, s30  }
.Ltmp4:
0x70: {  	_ = 	snop;
	(pc) =	sbr.rel @!p0 .LBB2_7-.Ltmp4, $2  }
0x71: {  	_ =	sdelay $0x2  }
0x72: {  	s17 =	sadd.s32 $0x200, s17;
	s31 =	sadd.s32 $0x200, s31  }
.LBB2_4:
0x73: {  	s1 =	sand.u32 $0x1, s30  }
0x74: {  	p0 =	seq.s32 s1, $0x1  }
0x75: {  	s11 =	simm.s32 @!p0 $0x0;
	p1 =	slt.u32 @!p0 s30, $0x2  }
0x76: {  	[tilespmem:s11], [sflag:$0x1] =	stream.linear.gather @!p0 [hbm4b:s31+s11], $0x80, $0x38;
	[tilespmem:$0x1C180] =	vst v63  }
0x77: {  	p1 =	por p1, p0  }
0x78: {  	s12 =	simm.s32 @!p1 $0x3  }
0x79: {  	_ =	swait.ge @!p1 [sflag:s12], $0x4000  }
0x7a: {  	[sflag:s12] =	ssyncset.done @!p1 $0x0  }
0x7b: {  	s13 =	simm.s32 @!p0 $0x1;
	[sflag:s12] =	ssyncadd.s32 @!p1 $0xFFFFC000;
	s12 =	simm.s32 @!p0 $0x80  }
0x7c: {  	[tilespmem:s12], [sflag:$0x1] =	stream.linear.gather @!p0 [hbm4b:s17+s11], $0x80, $0x38;
	[tilespmem:$0x1C180] =	vst v63  }
0x7d: {  	_ =	swait.ge @!p0 [sflag:s13], $0x80  }
0x7e: {  	[sflag:s13] =	ssyncset.done @!p0 $0x0  }
0x7f: {  	s14 =	simm.s32 @!p0 $0x180;
	[sflag:s13] =	ssyncadd.s32 @!p0 $0xFFFFFF80  }
0x80: {  	[tilespmem:s14], [sflag:$0x2] =	stream.indirect.gather @!p0 [hbm4b:s4+s12], $0x80, s11, s12, $0xb8;
	[tilespmem:$0x1C180] =	vst v63  }
0x81: {  	s11 =	simm.s32 @!p0 $0x2  }
0x82: {  	_ =	swait.ge @!p0 [sflag:s11], $0x4000  }
0x83: {  	[sflag:s11] =	ssyncset.done @!p0 $0x0  }
0x84: {  	[sflag:s11] =	ssyncadd.s32 @!p0 $0xFFFFC000  }
0x85: {  	_ =	swait.ge @!p0 [sflag:s13], $0x80  }
0x86: {  	[sflag:s13] =	ssyncset.done @!p0 $0x0  }
0x87: {  	p1 =	seq.s32 @!p0 s1, $0x0;
	[sflag:s13] =	ssyncadd.s32 @!p0 $0xFFFFFF80  }
0x88: {  	[spmem:s2] =	stream.indirect.scatter.add.f32 @!p0 [tilespmem:s14], [sflag:$0x3], $0x80, s12, s12, $0xb8;
	[tilespmem:$0x1C180] =	vst v63  }
0x89: {  	p0 =	por p0, !p1  }
.Ltmp5:
0x8a: {  	_ = 	snop;
	(pc) =	sbr.rel @!p0 .LBB2_6-.Ltmp5, $1  }
0x8b: {  	_ =	sdelay $0x3  }
0x8c: {  	[tilespmem:s3], [sflag:$0x1] =	stream.linear.gather [hbm4b:s31+s3], $0x80, $0x38;
	[tilespmem:$0x1C180] =	vst v63  }
0x8d: {  	p0 =	slt.u32 s30, $0x2  }
0x8e: {  	s1 =	simm.s32 @!p0 $0x4  }
0x8f: {  	_ =	swait.ge @!p0 [sflag:s1], $0x4000  }
0x90: {  	[sflag:s1] =	ssyncset.done @!p0 $0x0  }
0x91: {  	[sflag:s1] =	ssyncadd.s32 @!p0 $0xFFFFC000  }
0x92: {  	[tilespmem:s23], [sflag:$0x1] =	stream.linear.gather [hbm4b:s17+s3], $0x80, $0x38;
	[tilespmem:$0x1C180] =	vst v63  }
0x93: {  	_ =	swait.ge [sflag:s24], $0x80  }
0x94: {  	[sflag:s24] =	ssyncset.done $0x0  }
0x95: {  	[sflag:s24] =	ssyncadd.s32 $0xFFFFFF80  }
0x96: {  	[tilespmem:s26], [sflag:$0x2] =	stream.indirect.gather [hbm4b:s4+s25], $0x80, s3, s25, $0xb8;
	[tilespmem:$0x1C180] =	vst v63  }
0x97: {  	_ =	swait.ge [sflag:s28], $0x4000  }
0x98: {  	[sflag:s28] =	ssyncset.done $0x0  }
.Ltmp6:
0x99: {  	[sflag:s28] =	ssyncadd.s32 $0xFFFFC000;
	(pc) =	sbr.rel .LBB2_6-.Ltmp6, $4  }
0x9a: {  	_ =	swait.ge [sflag:s24], $0x80  }
0x9b: {  	[sflag:s24] =	ssyncset.done $0x0  }
0x9c: {  	[sflag:s24] =	ssyncadd.s32 $0xFFFFFF80  }
0x9d: {  	[spmem:s2] =	stream.indirect.scatter.add.f32 [tilespmem:s26], [sflag:$0x4], $0x80, s23, s25, $0xb8;
	[tilespmem:$0x1C180] =	vst v63  }
.LBB2_8:
0x9e: {  	_ =	sfence.sel $0x180000  }
0x9f: {  	[bflag:$0x0] =	sbarrier.arrive $0xFFFF  }
0xa0: {  	_ =	strace $0x9000004D  }
0xa1: {  	s0 =	stileid.u32;
	[bflag:$0x2] =	sbarrier.arrive $0xFFFF  }
0xa2: {  	p0 =	sne.s32 s0, $0x0;
	s0 =	rddreg [dreg:$0x2]  }
0xa3: {  	s0 =	sadd.s32 @!p0 $0x100000, s0  }
0xa4: {  	[sflag:s0] =	ssyncadd.tile.s32 @!p0 $0x1;
	_ =	shalt  }
.Lfunc_end2:
_tile_overlayer_lowered:
.L_overlay_start_2:
0xa5: {  	(tag) =	ssettag $0x2  }
0xa6: {  	s0 =	rddreg [dreg:$0x0];
	s2 =	stileid.u32  }
0xa7: {  	s1 =	rddreg [dreg:$0x1];
	p0 =	sne.s32 s2, $0x0  }
0xa8: {  	s3 =	rddreg [dreg:$0x2];
	[bflag:$0x3] =	sbarrier.arrive $0xFFFF;
	s2 =	simm.s32 @!p0 $0x1C05  }
0xa9: {  	[timem:s3], [sflag:s2] =	dma.local @!p0 [hbm:s0], s1  }
0xaa: {  	s0 =	simm.s32 @!p0 $0x5  }
0xab: {  	_ =	swait.ge @!p0 [sflag:s0], s1  }
0xac: {  	s1 =	ssub.s32 @!p0 $0x0, s1;
	[sflag:s0] =	ssyncset.done @!p0 $0x0  }
0xad: {  	[sflag:s0] =	ssyncadd.s32 @!p0 s1  }
0xae: {  	[bflag:$0x3] =	sbarrier.arrive $0xFFFF  }
0xaf: {  	_ =	shalt  }

// kernel: kernel.7.cloned.1.call-start
scs
__scs_entry_jumppad:
0x0: {  	(pc) =	sbr.rel $0x88, $3  }
0x1: {  	(tag) =	ssettag $0x0;
	lr =	simm.s32 $0x1  }
0x2: {  	[smem:$0x3F99] =	sst lr;
	_ =	strace $0xD0000000  }
0x3: {  	_ = 	snop  }
0x4: {  	_ = 	snop  }
0x5: {  	_ = 	snop  }
0x6: {  	_ = 	snop  }
0x7: {  	_ = 	snop  }
__scs_overlays_trampoline_lowered:
0x8: {  	[smem:$0x3FA8] =	sst s0  }
0x9: {  	[smem:$0x3FA9] =	sst s1  }
0xa: {  	[smem:$0x3FAA] =	sst s2  }
0xb: {  	[smem:$0x3FAB] =	sst s3  }
0xc: {  	[smem:$0x3FAC] =	sst s4  }
0xd: {  	[smem:$0x3FAD] =	sst s5  }
0xe: {  	[smem:$0x3FAE] =	sst s6  }
0xf: {  	[smem:$0x3FAF] =	sst s7  }
0x10: {  	[smem:$0x3FB0] =	sst s8  }
0x11: {  	[smem:$0x3FB1] =	sst s9;
	s0 =	simm.s32 @!p0 $0x0  }
0x12: {  	s1 =	sld [smem:$0x3F97];
	s0 =	simm.s32 @p0 $0x1  }
0x13: {  	[smem:$0x3FB2] =	sst s0;
	s0 =	simm.s32 @!p1 $0x0  }
0x14: {  	s2 =	sld [smem:$0x3F96];
	s0 =	simm.s32 @p1 $0x1  }
0x15: {  	[smem:$0x3FB3] =	sst s0;
	s0 =	simm.s32 @!p2 $0x0  }
0x16: {  	s3 =	sld [smem:$0x3FDB];
	s0 =	simm.s32 @p2 $0x1  }
0x17: {  	s4 =	simm.s32 $0x1BF5;
	[smem:$0x3FB5] =	sst s0  }
0x18: {  	s0 =	sld [smem:$0x3F98];
	_ =	swait.ge [sflag:s4], $0x0  }
0x19: {  	s7 =	sld [smem:$0x3F99]  }
0x1a: {  	s8 =	sadd.s32 $0xFFFFE003, lr  }
0x1b: {  	s9 =	sadd.s32 $0xFFFFFEF7, lr;
	s5 =	simm.s32 $0xFFFFFFFF;
	p2 =	slt.u32 s8, $0xFFFFF086  }
0x1c: {  	p1 =	slt.u32 s9, $0xF7A;
	s5 =	simm.s32 @!p2 $0x0  }
0x1d: {  	s5 =	simm.s32 @p1 $0x1;
	p0 =	seq.s32 s7, s2  }
0x1e: {  	s7 =	smul.u32 @!p0 $0xF7A, s2;
	p2 =	seq.s32 @!p0 s5, $0x0  }
0x1f: {  	s9 =	smul.u32 $0xF7A, s1;
	s8 =	simm.s32 @!p0 $0x1BF5;
	p2 =	por !p2, p0  }
0x20: {  	[sflag:s8] =	ssyncset.s32 @!p0 $0xFFFFF086;
	s6 =	sadd.s32 @!p0 s3, s7;
	s7 =	simm.s32 @!p0 $0x108  }
0x21: {  	s3 =	sadd.s32 s3, s9;
	s6 =	sadd.s32 @!p0 $0x88, s6;
	s7 =	simm.s32 @p2 $0x1082  }
0x22: {  	[simem:s7], [sflag:s8] =	dma.local @!p0 [hbm:s6], $0xF7A  }
0x23: {  	s9 =	sor.u32 $0xD0000000, s2;
	s6 =	simm.s32 $0x108;
	_ =	swait.ge @!p0 [sflag:s8], $0x0  }
0x24: {  	s3 =	sadd.s32 $0x88, s3;
	s6 =	simm.s32 @!p1 $0x1082;
	[sflag:s4] =	ssyncset.s32 $0xFFFFF086  }
0x25: {  	[simem:s6], [sflag:s4] =	dma.local [hbm:s3], $0xF7A  }
0x26: {  	[smem:$0x3F99] =	sst s1;
	(tag) =	ssettag s2;
	_ =	strace s9  }
0x27: {  	s1 =	sld [smem:$0x3FA9]  }
0x28: {  	s2 =	sld [smem:$0x3FAA]  }
0x29: {  	s4 =	sld [smem:$0x3FAC]  }
0x2a: {  	p0 =	seq.s32 s5, $0x0;
	s5 =	sld [smem:$0x3FAD]  }
0x2b: {  	s6 =	sld [smem:$0x3FAE]  }
0x2c: {  	s7 =	sld [smem:$0x3FAF]  }
0x2d: {  	s3 =	simm.s32 $0x108;
	s8 =	sld [smem:$0x3FB0]  }
0x2e: {  	s3 =	simm.s32 @!p0 $0x1082;
	s9 =	sld [smem:$0x3FB1]  }
0x2f: {  	lr =	sadd.s32 s0, s3;
	s0 =	sld [smem:$0x3FA8]  }
0x30: {  	s3 =	sld [smem:$0x3FAB]  }
0x31: {  	[smem:$0x3FB4] =	sst s10  }
0x32: {  	s10 =	sld [smem:$0x3FB2];
	_ =	sdelay $0x3  }
0x33: {  	p0 =	seq.s32 s10, $0x1;
	s10 =	sld [smem:$0x3FB4];
	_ =	sdelay $0x3  }
0x34: {  	[smem:$0x3FB4] =	sst s10  }
0x35: {  	s10 =	sld [smem:$0x3FB3];
	_ =	sdelay $0x3  }
0x36: {  	p1 =	seq.s32 s10, $0x1;
	s10 =	sld [smem:$0x3FB4];
	_ =	sdelay $0x3  }
0x37: {  	[smem:$0x3FB4] =	sst s10  }
0x38: {  	s10 =	sld [smem:$0x3FB5]  }
0x39: {  	_ = 	snop;
	(pc) =	sbr.ind lr, $3  }
0x3a: {  	_ = 	snop  }
0x3b: {  	_ = 	snop  }
0x3c: {  	p2 =	seq.s32 s10, $0x1;
	s10 =	sld [smem:$0x3FB4]  }
0x3d: {  	_ =	shalt  }
0x3e: {  	_ =	shalt  }
0x3f: {  	_ =	shalt  }
0x40: {  	_ =	shalt  }
0x41: {  	_ =	shalt  }
0x42: {  	_ =	shalt  }
0x43: {  	_ =	shalt  }
0x44: {  	_ =	shalt  }
0x45: {  	_ =	shalt  }
0x46: {  	_ =	shalt  }
0x47: {  	_ =	shalt  }
0x48: {  	_ =	shalt  }
0x49: {  	_ =	shalt  }
0x4a: {  	_ =	shalt  }
0x4b: {  	_ =	shalt  }
0x4c: {  	_ =	shalt  }
0x4d: {  	_ =	shalt  }
0x4e: {  	_ =	shalt  }
0x4f: {  	_ =	shalt  }
0x50: {  	_ =	shalt  }
0x51: {  	_ =	shalt  }
0x52: {  	_ =	shalt  }
0x53: {  	_ =	shalt  }
0x54: {  	_ =	shalt  }
0x55: {  	_ =	shalt  }
0x56: {  	_ =	shalt  }
0x57: {  	_ =	shalt  }
0x58: {  	_ =	shalt  }
0x59: {  	_ =	shalt  }
0x5a: {  	_ =	shalt  }
0x5b: {  	_ =	shalt  }
0x5c: {  	_ =	shalt  }
0x5d: {  	_ =	shalt  }
0x5e: {  	_ =	shalt  }
0x5f: {  	_ =	shalt  }
0x60: {  	_ =	shalt  }
0x61: {  	_ =	shalt  }
0x62: {  	_ =	shalt  }
0x63: {  	_ =	shalt  }
0x64: {  	_ =	shalt  }
0x65: {  	_ =	shalt  }
0x66: {  	_ =	shalt  }
0x67: {  	_ =	shalt  }
0x68: {  	_ =	shalt  }
0x69: {  	_ =	shalt  }
0x6a: {  	_ =	shalt  }
0x6b: {  	_ =	shalt  }
0x6c: {  	_ =	shalt  }
0x6d: {  	_ =	shalt  }
0x6e: {  	_ =	shalt  }
0x6f: {  	_ =	shalt  }
0x70: {  	_ =	shalt  }
0x71: {  	_ =	shalt  }
0x72: {  	_ =	shalt  }
0x73: {  	_ =	shalt  }
0x74: {  	_ =	shalt  }
0x75: {  	_ =	shalt  }
0x76: {  	_ =	shalt  }
0x77: {  	_ =	shalt  }
0x78: {  	_ =	shalt  }
0x79: {  	_ =	shalt  }
0x7a: {  	_ =	shalt  }
0x7b: {  	_ =	shalt  }
0x7c: {  	_ =	shalt  }
0x7d: {  	_ =	shalt  }
0x7e: {  	_ =	shalt  }
0x7f: {  	_ =	shalt  }
0x80: {  	_ =	shalt  }
0x81: {  	_ =	shalt  }
0x82: {  	_ =	shalt  }
0x83: {  	_ =	shalt  }
0x84: {  	_ =	shalt  }
0x85: {  	_ =	shalt  }
0x86: {  	_ =	shalt  }
0x87: {  	_ =	shalt  }
.Lfunc_end0:
.L_simem_size_0:
called_computation_lowered:
.L_overlay_start_0:
0x88: {  	s2 =	sld [smem:$0x3FD9]  }
0x89: {  	s3 =	sld [smem:$0x3FFE];
	_ =	sdelay $0x1  }
0x8a: {  	s1 =	srdreg.scid  }
0x8b: {  	s0 =	sand.u32 $0x1, s1  }
0x8c: {  	s17 =	sshll.u32 s0, $0xA;
	s2 =	sadd.s32 s3, s2  }
0x8d: {  	s2 =	sadd.s32 s2, s17  }
0x8e: {  	[smem:$0x3FC0] =	sst s2  }
0x8f: {  	_ = 	snop  }
0x90: {  	s18 =	sld [smem:$0x3FD0];
	(tm) =	ssettm $0x1  }
0x91: {  	s19 =	sld [smem:$0x3FFB];
	_ =	sdelay $0x3  }
0x92: {  	_ =	strace s19  }
0x93: {  	s2 =	sld [smem:$0x3FFC];
	_ =	sdelay $0x3  }
0x94: {  	_ =	strace s2  }
0x95: {  	s2 =	sld [smem:$0x3FFD];
	_ =	sdelay $0x3  }
0x96: {  	_ =	strace s2  }
0x97: {  	_ =	strace $0x8FFFFFFF  }
0x98: {  	s20 =	sld [smem:$0x3FDB];
	_ =	sdelay $0x1  }
0x99: {  	s4 =	simm.s32 $_scs_section_size  }
0x9a: {  	s5 =	simm.s32 $_size__tile_overlayer_lowered;
	s6 =	simm.s32 $_tile_overlayer_lowered  }
0x9b: {  	s7 =	simm.s32 $0x1BFF;
	s21 =	sshll.u32 s6, $0x1;
	s4 =	sadd.s32 s4, s20  }
0x9c: {  	s22 =	simm.s32 $0x0;
	s5 =	sshll.u32 s5, $0x1;
	s6 =	sadd.s32 s21, s4  }
0x9d: {  	[timem:s22], [sflag:s7] =	dma.local [hbm:s6], s5  }
0x9e: {  	_ =	swait.ge [sflag:s7], s5  }
0x9f: {  	s5 =	ssub.s32 $0x0, s5;
	[sflag:s7] =	ssyncset.done $0x0  }
0xa0: {  	[sflag:s7] =	ssyncadd.s32 s5;
	_ =	sdelay $0x1  }
0xa1: {  	s23 =	simm.s32 $0x1B8B  }
0xa2: {  	_ =	swait.ge [sflag:s23], $0x1  }
0xa3: {  	[sflag:s23] =	ssyncset.done $0x0  }
0xa4: {  	[sflag:s23] =	ssyncadd.s32 $0xFFFFFFFF  }
0xa5: {  	s5 =	sld [smem:$0x0]  }
0xa6: {  	s6 =	sand.u32 $0xFFFFFFFE, s1  }
0xa7: {  	p0 =	sne.s32 s1, s6  }
0xa8: {  	s6 =	sshll.u32 @p0 s6, $0xE  }
0xa9: {  	s6 =	sadd.s32 @p0 $0x11B8D, s6;
	s7 =	sshll.u32 @p0 s5, $0x11  }
0xaa: {  	s6 =	sor.u32 @p0 s7, s6  }
0xab: {  	[sflag:s6] =	ssyncadd.remote.s32 @p0 $0x1;
	_ =	sdelay $0x1  }
0xac: {  	s6 =	simm.s32 @p0 $0x1B8D  }
0xad: {  	_ =	swait.eq @p0 [sflag:s6], $0x1  }
0xae: {  	[sflag:s6] =	ssyncadd.s32 @p0 $0xFFFFFFFF  }
0xaf: {  	s7 =	sshll.u32 @!p0 s1, $0xE  }
0xb0: {  	s7 =	sor.u32 @!p0 $0x4000, s7;
	s6 =	simm.s32 @!p0 $0x1B8D  }
0xb1: {  	s5 =	sshll.u32 @!p0 s5, $0x11;
	s7 =	sadd.s32 @!p0 $0x11B8D, s7;
	_ =	swait.eq @!p0 [sflag:s6], $0x1  }
0xb2: {  	s5 =	sor.u32 @!p0 s5, s7;
	[sflag:s6] =	ssyncadd.s32 @!p0 $0xFFFFFFFF  }
0xb3: {  	s25 =	simm.s32 $0x1B8E;
	s24 =	sld [smem:$0x3FFE];
	[sflag:s5] =	ssyncadd.remote.s32 @!p0 $0x1  }
0xb4: {  	s26 =	simm.s32 $execute0_lowered;
	[smem:$0x3FD2] =	sst s25  }
0xb5: {  	s6 =	sshll.u32 s26, $0x1;
	_ =	strace $0x80000049;
	[dreg:$0x1] =	wrdreg $0xFFFFFFFF  }
0xb6: {  	s28 =	simm.s32 $_size_execute0_lowered;
	s4 =	sadd.s32 s4, s6;
	[dreg:$0x0] =	wrdreg $0x0  }
0xb7: {  	s6 =	sshll.u32 s28, $0x1;
	[dreg:$0x2] =	wrdreg s4  }
0xb8: {  	[dreg:$0x3] =	wrdreg s6  }
0xb9: {  	[dreg:$0x4] =	wrdreg $0xC0  }
0xba: {  	_ =	task [dreg:s22], $0x5FFFF  }
0xbb: {  	[dreg:$0x1] =	wrdreg $0xFFFFFFFF  }
0xbc: {  	[dreg:$0x0] =	wrdreg $0x60  }
0xbd: {  	[dreg:$0x2] =	wrdreg s24  }
0xbe: {  	[dreg:$0x3] =	wrdreg s18  }
0xbf: {  	[dreg:$0x4] =	wrdreg $0x9  }
0xc0: {  	_ =	task.clear_ibuf [dreg:s22], $0x5FFFF;
	_ =	strace $0x90000049  }
0xc1: {  	s29 =	simm.s32 $0x9;
	_ =	strace $0x8000004B  }
0xc2: {  	_ =	swait.ge [sflag:s29], $0x1  }
0xc3: {  	[sflag:s29] =	ssyncadd.s32 $0xFFFFFFFF  }
0xc4: {  	_ =	strace $0x9000004B  }
0xc5: {  	_ =	sfence  }
0xc6: {  	s30 =	sld [smem:$0x0];
	_ =	sdelay $0x2  }
0xc7: {  	s31 =	sshll.u32 s1, $0xD;
	s1 =	sshrl.u32 s1, $0x2  }
0xc8: {  	s4 =	sand.u32 $0x4000, s31;
	s1 =	sadd.s32 s1, s30  }
0xc9: {  	s0 =	sor.u32 s4, s0;
	s1 =	sshll.u32 s1, $0x11  }
0xca: {  	s0 =	sor.u32 s1, s0  }
0xcb: {  	s0 =	sadd.s32 $0x8F2B, s0  }
0xcc: {  	[sflag:s0] =	ssyncadd.remote.s32 $0x1  }
0xcd: {  	_ =	sfence.sel $0xFFFF  }
0xce: {  	[dreg:$0x0] =	wrdreg $0xFFFFFFFF;
	(pc) =	sbr.abs _section_cstart, $3  }
0xcf: {  	[dreg:$0x1] =	wrdreg $0xFFFFFFFF  }
0xd0: {  	_ =	task.clear_ibuf [dreg:s22], $0x2FFFF;
	_ =	strace $0x9FFFFFFF  }
0xd1: {  	(tm) =	ssettm $0x7FFFFFFF  }
tec
execute0_lowered:
.L_overlay_start_1:
0x0: {  	(tag) =	ssettag $0x1  }
0x1: {  	s3 =	rddreg [dreg:$0x0]  }
0x2: {  	s4 =	rddreg [dreg:$0x1]  }
0x3: {  	s0 =	rddreg [dreg:$0x2]  }
0x4: {  	s5 =	srdreg.scid;
	s1 =	stileid.u32  }
0x5: {  	s2 =	simm.s32 $0x0;
	s10 =	simm.s32 $0x0;
	s5 =	sand.u32 $0x1, s5  }
0x6: {  	s6 =	sshll.u32 s1, $0x8;
	s9 =	sshrl.u32 s1, $0x3;
	[smem:$0x7FF] =	sst s2  }
0x7: {  	s29 =	sshll.u32 s1, $0x7;
	p0 =	slt.u32 s1, $0x2;
	s8 =	smul.u32 $0x28000, s5  }
0x8: {  	s7 =	sshll.u32 s5, $0x7;
	s28 =	smul.u32 $0x14000, s9;
	_ =	strace $0x8000004A  }
0x9: {  	s5 =	ssub.s32 $0x2, s5;
	s30 =	sand.u32 $0x380, s29;
	s6 =	sor.u32 s7, s6  }
0xa: {  	s9 =	simm.s32 $0x400;
	s31 =	sshrl.u32 s5, $0x1;
	s6 =	sshrl.u32 s6, $0x3  }
0xb: {  	s7 =	sadd.s32 s8, s28;
	s5 =	ssub.s32 s5, s31;
	s8 =	simm.s32 $0x80  }
0xc: {  	s6 =	sadd.s32 s6, s3;
	s7 =	sor.u32 s30, s7;
	s3 =	simm.s32 $0x4F  }
0xd: {  	s5 =	smax.u32 s5, $0x1;
	s7 =	sshrl.u32 s7, $0x3;
	s3 =	simm.s32 @!p0 $0x4E  }
0xe: {  	v0 =	vimm.f32 $0.0e+00;
	v1 =	vimm.f32 $1.000000000e+00;
	s6 =	sadd.s32 $0x1E00, s6;
	s4 =	sadd.s32 s4, s7;
	s7 =	simm.s32 $0x1  }
.LBB2_1:
0xf: {  	s11 =	simm.s32 $0x40;
	s12 =	simm.s32 $0x0  }
.LBB2_2:
0x10: {  	p0 =	sne.s32 s11, $0x9FC0;
	[tilespmem:s12+$0x80] =	vst v0;
	s12 =	smov.u32 s11;
	s11 =	sadd.s32 $0x40, s11  }
.Ltmp0:
0x11: {  	(pc) =	sbr.rel @p0 .LBB2_2-.Ltmp0, $2  }
0x12: {  	_ =	sdelay $0x2  }
0x13: {  	s12 =	sshra.s32 s12, $0x2  }
0x14: {  	[tilespmem:s12+$0x80] =	vst v0;
	s11 =	smov.u32 s6;
	s12 =	smov.u32 s3  }
.LBB2_4:
0x15: {  	[tilespmem:s2], [sflag:$0x1] =	stream.linear.gather [hbm4b:s11+s2], $0x80, $0x38;
	[tilespmem:$0x2880] =	vst v63  }
0x16: {  	_ =	swait.ge [sflag:s7], $0x80  }
0x17: {  	[sflag:s7] =	ssyncset.done $0x0  }
0x18: {  	[sflag:s7] =	ssyncadd.s32 $0xFFFFFF80  }
0x19: {  	v2 =	vld [tilespmem:$0x0];
	_ =	sdelay $0x7  }
0x1a: {  	[tilespmem:v2+s8+$0x0] =	vst.idx.add.f32.msk $0xffff, v1  }
0x1b: {  	v2 =	vld [tilespmem:$0x10];
	_ =	sdelay $0x7  }
0x1c: {  	[tilespmem:v2+s8+$0x0] =	vst.idx.add.f32.msk $0xffff, v1  }
0x1d: {  	v2 =	vld [tilespmem:$0x20];
	_ =	sdelay $0x7  }
0x1e: {  	[tilespmem:v2+s8+$0x0] =	vst.idx.add.f32.msk $0xffff, v1  }
0x1f: {  	v2 =	vld [tilespmem:$0x30];
	_ =	sdelay $0x7  }
0x20: {  	[tilespmem:v2+s8+$0x0] =	vst.idx.add.f32.msk $0xffff, v1  }
0x21: {  	v2 =	vld [tilespmem:$0x40];
	_ =	sdelay $0x7  }
0x22: {  	[tilespmem:v2+s8+$0x0] =	vst.idx.add.f32.msk $0xffff, v1  }
0x23: {  	v2 =	vld [tilespmem:$0x50];
	_ =	sdelay $0x7  }
0x24: {  	[tilespmem:v2+s8+$0x0] =	vst.idx.add.f32.msk $0xffff, v1  }
0x25: {  	v2 =	vld [tilespmem:$0x60];
	_ =	sdelay $0x7  }
0x26: {  	[tilespmem:v2+s8+$0x0] =	vst.idx.add.f32.msk $0xffff, v1  }
0x27: {  	v2 =	vld [tilespmem:$0x70];
	_ =	sdelay $0x2  }
0x28: {  	p0 =	sne.s32 s12, $0x1  }
.Ltmp1:
0x29: {  	_ = 	snop;
	(pc) =	sbr.rel @p0 .LBB2_4-.Ltmp1, $2  }
0x2a: {  	_ =	sdelay $0x2  }
0x2b: {  	s11 =	sadd.s32 $0x200, s11;
	s12 =	sadd.s32 $0xFFFFFFFF, s12;
	[tilespmem:v2+s8+$0x0] =	vst.idx.add.f32.msk $0xffff, v1  }
0x2c: {  	s10 =	sadd.s32 $0x1, s10  }
0x2d: {  	p0 =	sne.s32 s10, s5  }
.Ltmp2:
0x2e: {  	_ = 	snop;
	(pc) =	sbr.rel @p0 .LBB2_1-.Ltmp2, $4  }
0x2f: {  	[hbm4b:s4+s8] =	stream.strided.scatter [tilespmem:s8], [sflag:$0x1], $0x2800, s9, s8, $0x38;
	[tilespmem:$0x2880] =	vst v63  }
0x30: {  	_ =	swait.ge [sflag:s7], $0x2800  }
0x31: {  	[sflag:s7] =	ssyncset.done $0x0  }
0x32: {  	[sflag:s7] =	ssyncadd.s32 $0xFFFFD800  }
0x33: {  	_ =	sfence.sel $0x180000  }
0x34: {  	[bflag:$0x0] =	sbarrier.arrive $0xFFFF  }
0x35: {  	p0 =	sne.s32 s1, $0x0;
	_ =	strace $0x9000004A  }
0x36: {  	s0 =	sadd.s32 @!p0 $0x100000, s0;
	[bflag:$0x2] =	sbarrier.arrive $0xFFFF  }
0x37: {  	[sflag:s0] =	ssyncadd.tile.s32 @!p0 $0x1;
	_ =	shalt  }
.Lfunc_end2:
_tile_overlayer_lowered:
.L_overlay_start_2:
0x38: {  	(tag) =	ssettag $0x2  }
0x39: {  	s0 =	rddreg [dreg:$0x0];
	s2 =	stileid.u32  }
0x3a: {  	s1 =	rddreg [dreg:$0x1];
	p0 =	sne.s32 s2, $0x0  }
0x3b: {  	s3 =	rddreg [dreg:$0x2];
	[bflag:$0x3] =	sbarrier.arrive $0xFFFF;
	s2 =	simm.s32 @!p0 $0x1C01  }
0x3c: {  	[timem:s3], [sflag:s2] =	dma.local @!p0 [hbm:s0], s1  }
0x3d: {  	s0 =	simm.s32 @!p0 $0x1  }
0x3e: {  	_ =	swait.ge @!p0 [sflag:s0], s1  }
0x3f: {  	s1 =	ssub.s32 @!p0 $0x0, s1;
	[sflag:s0] =	ssyncset.done @!p0 $0x0  }
0x40: {  	[sflag:s0] =	ssyncadd.s32 @!p0 s1  }
0x41: {  	[bflag:$0x3] =	sbarrier.arrive $0xFFFF  }
0x42: {  	_ =	shalt  }

</sc_bundles>
